<compile_context>
chip_gen: v7x
topology: tpu7x:2x2x1
jax: 0.10.2.dev20260603
libtpu: 0.0.44.dev20260713+nightly
codegen_flags: <defaults>
</compile_context>

<pallas_src>
import functools

import jax
import jax.numpy as jnp
from jax import lax
from jax.experimental import pallas as pl
from jax.experimental.pallas import tpu as pltpu
from jax.experimental.pallas import tpu_sc as plsc

N = 10000
D = 128
C = 16
K = 16
L = 4
REP = D // C
EPS = 1e-5

NPAD = 10240
NT = 10496
TRASH = NPAD
NC = 2
NS = 16
NW = NC * NS

GK = 128
RB = 512
GRID = NPAD // RB
DW = 128


@functools.cache
def _mesh():
    return plsc.VectorSubcoreMesh(core_axis_name="c", subcore_axis_name="s",
                                  num_cores=NC, num_subcores=NS)


def _prep_body(ept, src_hbm, dst_hbm, dstp_hbm, degp_hbm, sbuf, dbuf, obuf,
               ones, zb, acc2):
    nchunk = ept // GK
    c = lax.axis_index("c")
    s = lax.axis_index("s")
    wid = c * NS + s
    z16f = jnp.zeros((16,), jnp.float32)
    ones16 = jnp.ones((16,), jnp.float32)
    tr16 = jnp.full((16,), TRASH, jnp.int32)

    def fill(r, carry):
        for cc in range(8):
            ones[r, pl.ds(cc * 16, 16)] = ones16
        return carry
    lax.fori_loop(0, GK, fill, 0)

    def zrow(r, carry):
        for cc in range(8):
            zb[r, pl.ds(cc * 16, 16)] = z16f
        return carry
    lax.fori_loop(0, zb.shape[0], zrow, 0)
    stripe = NT // NS
    def zcp(t, carry):
        pltpu.sync_copy(zb, acc2.at[pl.ds(s * stripe + t * zb.shape[0],
                                          zb.shape[0])])
        return carry
    lax.fori_loop(0, stripe // zb.shape[0], zcp, 0)
    plsc.subcore_barrier()

    def stage(g, carry):
        base = wid * ept + g * GK
        pltpu.sync_copy(src_hbm.at[pl.ds(base, GK)], sbuf)
        pltpu.sync_copy(dst_hbm.at[pl.ds(base, GK)], dbuf)

        def inner(i, c2):
            sv = sbuf[pl.ds(i * 16, 16)]
            dv = dbuf[pl.ds(i * 16, 16)]
            obuf[pl.ds(i * 16, 16)] = jnp.where(sv != dv, dv, tr16)
            return c2
        lax.fori_loop(0, GK // 16, inner, 0)
        pltpu.sync_copy(obuf, dstp_hbm.at[wid * nchunk + g])
        pltpu.sync_copy(ones, acc2.at[obuf], add=True)
        return carry
    lax.fori_loop(0, ept // GK, stage, 0)
    plsc.subcore_barrier()
    wstripe = NPAD // NS
    pltpu.sync_copy(acc2.at[pl.ds(s * wstripe, wstripe)],
                    degp_hbm.at[c, pl.ds(s * wstripe, wstripe)])


def _make_prep(epad):
    ept = epad // NW
    return pl.kernel(
        functools.partial(_prep_body, ept),
        out_type=[
            jax.ShapeDtypeStruct((epad // GK, GK), jnp.int32),
            jax.ShapeDtypeStruct((NC, NPAD, DW), jnp.float32),
        ],
        mesh=_mesh(),
        scratch_types=[
            pltpu.VMEM((GK,), jnp.int32),
            pltpu.VMEM((GK,), jnp.int32),
            pltpu.VMEM((GK,), jnp.int32),
            pltpu.VMEM((GK, DW), jnp.float32),
            pltpu.VMEM((16, DW), jnp.float32),
            pltpu.VMEM_SHARED((NT, DW), jnp.float32),
        ],
    )


def _agg_body(ca, cb, hp_hbm, src_hbm, dstp_hbm, macc_hbm, isb, idb, rows,
              zb, acc):
    c = lax.axis_index("c")
    s = lax.axis_index("s")
    z16f = jnp.zeros((16,), jnp.float32)

    def zrow(r, carry):
        for cc in range(8):
            zb[r, pl.ds(cc * 16, 16)] = z16f
        return carry
    lax.fori_loop(0, zb.shape[0], zrow, 0)
    stripe = NT // NS
    def zcp(t, carry):
        pltpu.sync_copy(zb, acc.at[pl.ds(s * stripe + t * zb.shape[0],
                                         zb.shape[0])])
        return carry
    lax.fori_loop(0, stripe // zb.shape[0], zcp, 0)
    plsc.subcore_barrier()

    myn = jnp.where(c == 0, ca, cb)
    base = jnp.where(c == 0, s * ca, NS * ca + s * cb)

    def step(g, carry):
        pltpu.sync_copy(src_hbm.at[base + g], isb)
        pltpu.sync_copy(dstp_hbm.at[base + g], idb)
        pltpu.sync_copy(hp_hbm.at[isb], rows)
        pltpu.sync_copy(rows, acc.at[idb], add=True)
        return carry
    lax.fori_loop(0, myn, step, 0)
    plsc.subcore_barrier()
    wstripe = NPAD // NS
    pltpu.sync_copy(acc.at[pl.ds(s * wstripe, wstripe)],
                    macc_hbm.at[c, pl.ds(s * wstripe, wstripe)])


def _make_agg(epad, frac0=0.8375):
    tch = epad // GK
    ca = int(round(tch * frac0 / NS))
    cb = tch // NS - ca
    assert ca >= 1 and cb >= 1
    return pl.kernel(
        functools.partial(_agg_body, ca, cb),
        out_type=jax.ShapeDtypeStruct((NC, NPAD, D), jnp.float32),
        mesh=_mesh(),
        scratch_types=[
            pltpu.VMEM((GK,), jnp.int32),
            pltpu.VMEM((GK,), jnp.int32),
            pltpu.VMEM((GK, D), jnp.float32),
            pltpu.VMEM((16, D), jnp.float32),
            pltpu.VMEM_SHARED((NT, D), jnp.float32),
        ],
    )


def _t0_body(x_ref, w_ref, b_ref, g_ref, bt_ref, d0_ref, d1_ref, h_ref,
             dinv_ref):
    pid = pl.program_id(0)
    x = x_ref[...]
    h = jnp.maximum(
        jnp.dot(x, w_ref[...], preferred_element_type=jnp.float32) + b_ref[...],
        0.0)
    mu = jnp.mean(h, axis=-1, keepdims=True)
    var = jnp.mean((h - mu) ** 2, axis=-1, keepdims=True)
    ln = (h - mu) * lax.rsqrt(var + EPS) * g_ref[...] + bt_ref[...]
    rows = pid * RB + lax.broadcasted_iota(jnp.int32, (RB, 1), 0)
    h_ref[...] = jnp.where(rows < N, ln, 0.0)
    deg = d0_ref[...][:, 0:1] + d1_ref[...][:, 0:1]
    dinv_ref[...] = 1.0 / (deg + 1.0)


_t0 = pl.pallas_call(
    _t0_body,
    grid=(GRID,),
    in_specs=[
        pl.BlockSpec((RB, D), lambda i: (i, 0)),
        pl.BlockSpec((D, D), lambda i: (0, 0)),
        pl.BlockSpec((1, D), lambda i: (0, 0)),
        pl.BlockSpec((1, D), lambda i: (0, 0)),
        pl.BlockSpec((1, D), lambda i: (0, 0)),
        pl.BlockSpec((RB, DW), lambda i: (i, 0)),
        pl.BlockSpec((RB, DW), lambda i: (i, 0)),
    ],
    out_specs=[
        pl.BlockSpec((RB, D), lambda i: (i, 0)),
        pl.BlockSpec((RB, 1), lambda i: (i, 0)),
    ],
    out_shape=[
        jax.ShapeDtypeStruct((NPAD, D), jnp.float32),
        jax.ShapeDtypeStruct((NPAD, 1), jnp.float32),
    ],
)


def _layer_body(h_ref, macc_ref, dinv_ref, tm_ref, wa_ref, wb_ref, bt_ref,
                gln_ref, bln_ref, tri_ref, rm_ref, ho_ref, tmo_ref):
    pid = pl.program_id(0)
    h = h_ref[...]
    mm = macc_ref[...]
    m = (mm[0] + mm[1] + h) * dinv_ref[...]
    z = (jnp.dot(h, wa_ref[...], preferred_element_type=jnp.float32)
         + jnp.dot(m, wb_ref[...], preferred_element_type=jnp.float32)
         + bt_ref[...])
    z = z - jnp.max(z, axis=-1, keepdims=True)
    e = jnp.exp(z)
    p = e / jnp.sum(e, axis=-1, keepdims=True)
    cs = jnp.dot(p, tri_ref[...], preferred_element_type=jnp.float32)
    tm = tm_ref[...]
    rawc = tm + (1.0 - tm) * cs
    sig = jnp.dot(rawc, rm_ref[...], preferred_element_type=jnp.float32)
    hn = h * sig + m * (1.0 - sig)
    mu = jnp.mean(hn, axis=-1, keepdims=True)
    var = jnp.mean((hn - mu) ** 2, axis=-1, keepdims=True)
    ln = (hn - mu) * lax.rsqrt(var + EPS) * gln_ref[...] + bln_ref[...]
    rows = pid * RB + lax.broadcasted_iota(jnp.int32, (RB, 1), 0)
    ho_ref[...] = jnp.where(rows < N, ln, 0.0)
    tmo_ref[...] = rawc


_tlayer = pl.pallas_call(
    _layer_body,
    grid=(GRID,),
    in_specs=[
        pl.BlockSpec((RB, D), lambda i: (i, 0)),
        pl.BlockSpec((NC, RB, D), lambda i: (0, i, 0)),
        pl.BlockSpec((RB, 1), lambda i: (i, 0)),
        pl.BlockSpec((RB, C), lambda i: (i, 0)),
        pl.BlockSpec((D, C), lambda i: (0, 0)),
        pl.BlockSpec((D, C), lambda i: (0, 0)),
        pl.BlockSpec((1, C), lambda i: (0, 0)),
        pl.BlockSpec((1, D), lambda i: (0, 0)),
        pl.BlockSpec((1, D), lambda i: (0, 0)),
        pl.BlockSpec((C, C), lambda i: (0, 0)),
        pl.BlockSpec((C, D), lambda i: (0, 0)),
    ],
    out_specs=[
        pl.BlockSpec((RB, D), lambda i: (i, 0)),
        pl.BlockSpec((RB, C), lambda i: (i, 0)),
    ],
    out_shape=[
        jax.ShapeDtypeStruct((NPAD, D), jnp.float32),
        jax.ShapeDtypeStruct((NPAD, C), jnp.float32),
    ],
)


def _tout_body(h_ref, w_ref, b_ref, o_ref):
    o_ref[...] = (jnp.dot(h_ref[...], w_ref[...],
                          preferred_element_type=jnp.float32) + b_ref[...])


_tout = pl.pallas_call(
    _tout_body,
    grid=(GRID,),
    in_specs=[
        pl.BlockSpec((RB, D), lambda i: (i, 0)),
        pl.BlockSpec((D, K), lambda i: (0, 0)),
        pl.BlockSpec((1, K), lambda i: (0, 0)),
    ],
    out_specs=pl.BlockSpec((RB, K), lambda i: (i, 0)),
    out_shape=jax.ShapeDtypeStruct((NPAD, K), jnp.float32),
)


def kernel(x, edge_index, W_in, b_in, g_in, beta_in, Wtm, btm, g_tm, beta_tm,
           W_out, b_out):
    e = edge_index.shape[1]
    quantum = NW * GK * 2
    epad = ((e + quantum - 1) // quantum) * quantum
    src = jnp.pad(edge_index[0].astype(jnp.int32), (0, epad - e))
    dst = jnp.pad(edge_index[1].astype(jnp.int32), (0, epad - e))
    xp = jnp.pad(x.astype(jnp.float32), ((0, NPAD - N), (0, 0)))

    dstp, degp = _make_prep(epad)(src, dst)
    src2 = src.reshape(epad // GK, GK)

    h, dinv = _t0(xp, W_in, b_in.reshape(1, D), g_in.reshape(1, D),
                  beta_in.reshape(1, D), degp[0], degp[1])
    tm = jnp.zeros((NPAD, C), jnp.float32)
    tri = jnp.triu(jnp.ones((C, C), jnp.float32))
    rm = jnp.repeat(jnp.eye(C, dtype=jnp.float32), REP, axis=1)
    agg = _make_agg(epad)
    for j in range(L):
        macc = agg(h, src2, dstp)
        h, tm = _tlayer(h, macc, dinv, tm, Wtm[j, :D, :], Wtm[j, D:, :],
                        btm[j].reshape(1, C), g_tm[j].reshape(1, D),
                        beta_tm[j].reshape(1, D), tri, rm)
    out = _tout(h, W_out, b_out.reshape(1, K))
    return out[:N]

# --- scband reference (transcript-rebuilt; emitter-appended) ---
"""Pipeline reference for scband-ordered-gnnwrapper-84533546320059 (READ-ONLY COPY).

The authoritative reference and input builder live on the scoring server;
editing this copy changes nothing except your own understanding.
"""

import jax, jax.numpy as jnp
import numpy as np

N = 10000      # n_nodes
E = 320000     # n_edges
D = 128        # in_feats == hidden_channel
C = 16         # chunk_size
K = 16         # n_clusters (output dim)
L = 4          # n_gnn_layers
REP = D // C   # repeat_interleave factor for gating signal


def layer_norm(v, g, b, eps=1e-5):
    mu = jnp.mean(v, axis=-1, keepdims=True)
    var = jnp.var(v, axis=-1, keepdims=True)
    return (v - mu) / jnp.sqrt(var + eps) * g + b


def setup_inputs(seed: int = 0) -> dict:
    key = jax.random.key(seed)
    ks = jax.random.split(key, 14)
    x = jax.random.normal(ks[0], (N, D), dtype=jnp.float32)
    edge_index = jax.random.randint(ks[1], (2, E), 0, N).astype(jnp.int64)
    s = 0.05
    W_in = jax.random.normal(ks[2], (D, D), dtype=jnp.float32) * s
    b_in = jnp.zeros((D,), dtype=jnp.float32)
    g_in = jnp.ones((D,), dtype=jnp.float32)
    beta_in = jnp.zeros((D,), dtype=jnp.float32)
    Wtm = jax.random.normal(ks[3], (L, 2 * D, C), dtype=jnp.float32) * s
    btm = jnp.zeros((L, C), dtype=jnp.float32)
    g_tm = jnp.ones((L, D), dtype=jnp.float32)
    beta_tm = jnp.zeros((L, D), dtype=jnp.float32)
    W_out = jax.random.normal(ks[4], (D, K), dtype=jnp.float32) * s
    b_out = jnp.zeros((K,), dtype=jnp.float32)
    return {"x": x, "edge_index": edge_index, "W_in": W_in, "b_in": b_in,
            "g_in": g_in, "beta_in": beta_in, "Wtm": Wtm, "btm": btm,
            "g_tm": g_tm, "beta_tm": beta_tm, "W_out": W_out, "b_out": b_out}


def reference(x, edge_index, W_in, b_in, g_in, beta_in, Wtm, btm, g_tm, beta_tm, W_out, b_out):
    # OrderedGNN (ONGNN) forward, eval mode (dropout off), return_Z=False.
    src = edge_index[0]
    dst = edge_index[1]
    # remove_self_loops then add_self_loops: mask existing self loops, add exact self contribution
    w = (src != dst).astype(x.dtype)
    deg = jax.ops.segment_sum(w, dst, num_segments=N) + 1.0  # +1 for self loop
    # input transform: Linear -> ReLU -> LayerNorm (num_layers_input=1)
    h = jax.nn.relu(x @ W_in + b_in)
    h = layer_norm(h, g_in, beta_in)
    tm_signal = jnp.zeros((C,), dtype=h.dtype)
    for j in range(L):
        # mean aggregation over neighbors incl. self loop
        msgs = h[src] * w[:, None]
        m = (jax.ops.segment_sum(msgs, dst, num_segments=N) + h) / deg[:, None]
        # ordered gating: softmax -> cumsum -> diff_or combine with last signal
        raw = jax.nn.softmax(jnp.concatenate([h, m], axis=1) @ Wtm[j] + btm[j], axis=-1)
        raw = jnp.cumsum(raw, axis=-1)
        raw = tm_signal + (1.0 - tm_signal) * raw
        sig = jnp.repeat(raw, REP, axis=1)  # repeat_interleave to hidden dim
        h = h * sig + m * (1.0 - sig)
        h = layer_norm(h, g_tm[j], beta_tm[j])
        tm_signal = raw
    out = h @ W_out + b_out  # logits over n_clusters
    return out

if __name__ == "__main__":
    import jax
    _d = setup_inputs()
    print(jax.jit(kernel)(*tuple(_d.values())))

</pallas_src>

<mosaic_0001>
#map = affine_map<(d0, d1) -> (0, 0)>
#map1 = affine_map<(d0, d1) -> (0, 0, 0)>
module attributes {stable_mosaic.version = 14 : i64} {
  func.func @_agg_body(%arg0: i32, %arg1: i32, %arg2: memref<10240x128xf32, #tpu.memory_space<hbm>>, %arg3: memref<2560x128xi32, #tpu.memory_space<hbm>>, %arg4: memref<2560x128xi32, #tpu.memory_space<hbm>>, %arg5: memref<2x10240x128xf32, #tpu.memory_space<hbm>>, %arg6: memref<128xi32, #tpu.memory_space<vmem>>, %arg7: memref<128xi32, #tpu.memory_space<vmem>>, %arg8: memref<128x128xf32, #tpu.memory_space<vmem>>, %arg9: memref<16x128xf32, #tpu.memory_space<vmem>>, %arg10: memref<10496x128xf32, #tpu.memory_space<vmem_shared>>) attributes {dimension_semantics = [#tpu.dimension_semantics<core_parallel>, #tpu.dimension_semantics<subcore_parallel>], iteration_bounds = array<i64: 2, 16>, scalar_prefetch = 0 : i64, scratch_operands = 5 : i64, tpu.core_type = #tpu.core_type<sc_vector_subcore>, window_params = [{transform_indices = #map}, {transform_indices = #map}, {transform_indices = #map}, {transform_indices = #map1}]} {
    %broadcast_in_dim3A = arith.constant 0.000000e+00 : f32
    %broadcast_in_dim3A_0 = vector.broadcast %broadcast_in_dim3A : f32 to vector<16xf32>
    %scan3A = arith.constant 0 : i32
    %scan3A_1 = arith.constant 0 : i32
    %scan3A_2 = arith.constant 16 : i32
    %scan3A_3 = arith.addi %scan3A_1, %scan3A_2 : i32
    %scan3A_4 = arith.constant 1 : i32
    scf.for %scan3A_35 = %scan3A_1 to %scan3A_3 step %scan3A_4  : i32 {
      %swap3A = arith.index_cast %scan3A_35 : i32 to index
      %swap3A_36 = arith.constant 0 : index
      %swap3A_37 = tpu.vector_load %arg9[%swap3A, %swap3A_36] {strides = array<i32>} : memref<16x128xf32, #tpu.memory_space<vmem>>, vector<1x16xf32>,
      %swap3A_38 = vector.shape_cast %swap3A_37 : vector<1x16xf32> to vector<16xf32>
      %swap3A_39 = vector.shape_cast %broadcast_in_dim3A_0 : vector<16xf32> to vector<1x16xf32>
      tpu.vector_store %arg9[%swap3A, %swap3A_36], %swap3A_39 {strides = array<i32>} : memref<16x128xf32, #tpu.memory_space<vmem>>, vector<1x16xf32>,
      %swap3A_40 = arith.index_cast %scan3A_35 : i32 to index
      %swap3A_41 = arith.constant 16 : index
      %swap3A_42 = tpu.vector_load %arg9[%swap3A_40, %swap3A_41] {strides = array<i32>} : memref<16x128xf32, #tpu.memory_space<vmem>>, vector<1x16xf32>,
      %swap3A_43 = vector.shape_cast %swap3A_42 : vector<1x16xf32> to vector<16xf32>
      %swap3A_44 = vector.shape_cast %broadcast_in_dim3A_0 : vector<16xf32> to vector<1x16xf32>
      tpu.vector_store %arg9[%swap3A_40, %swap3A_41], %swap3A_44 {strides = array<i32>} : memref<16x128xf32, #tpu.memory_space<vmem>>, vector<1x16xf32>,
      %swap3A_45 = arith.index_cast %scan3A_35 : i32 to index
      %swap3A_46 = arith.constant 32 : index
      %swap3A_47 = tpu.vector_load %arg9[%swap3A_45, %swap3A_46] {strides = array<i32>} : memref<16x128xf32, #tpu.memory_space<vmem>>, vector<1x16xf32>,
      %swap3A_48 = vector.shape_cast %swap3A_47 : vector<1x16xf32> to vector<16xf32>
      %swap3A_49 = vector.shape_cast %broadcast_in_dim3A_0 : vector<16xf32> to vector<1x16xf32>
      tpu.vector_store %arg9[%swap3A_45, %swap3A_46], %swap3A_49 {strides = array<i32>} : memref<16x128xf32, #tpu.memory_space<vmem>>, vector<1x16xf32>,
      %swap3A_50 = arith.index_cast %scan3A_35 : i32 to index
      %swap3A_51 = arith.constant 48 : index
      %swap3A_52 = tpu.vector_load %arg9[%swap3A_50, %swap3A_51] {strides = array<i32>} : memref<16x128xf32, #tpu.memory_space<vmem>>, vector<1x16xf32>,
      %swap3A_53 = vector.shape_cast %swap3A_52 : vector<1x16xf32> to vector<16xf32>
      %swap3A_54 = vector.shape_cast %broadcast_in_dim3A_0 : vector<16xf32> to vector<1x16xf32>
      tpu.vector_store %arg9[%swap3A_50, %swap3A_51], %swap3A_54 {strides = array<i32>} : memref<16x128xf32, #tpu.memory_space<vmem>>, vector<1x16xf32>,
      %swap3A_55 = arith.index_cast %scan3A_35 : i32 to index
      %swap3A_56 = arith.constant 64 : index
      %swap3A_57 = tpu.vector_load %arg9[%swap3A_55, %swap3A_56] {strides = array<i32>} : memref<16x128xf32, #tpu.memory_space<vmem>>, vector<1x16xf32>,
      %swap3A_58 = vector.shape_cast %swap3A_57 : vector<1x16xf32> to vector<16xf32>
      %swap3A_59 = vector.shape_cast %broadcast_in_dim3A_0 : vector<16xf32> to vector<1x16xf32>
      tpu.vector_store %arg9[%swap3A_55, %swap3A_56], %swap3A_59 {strides = array<i32>} : memref<16x128xf32, #tpu.memory_space<vmem>>, vector<1x16xf32>,
      %swap3A_60 = arith.index_cast %scan3A_35 : i32 to index
      %swap3A_61 = arith.constant 80 : index
      %swap3A_62 = tpu.vector_load %arg9[%swap3A_60, %swap3A_61] {strides = array<i32>} : memref<16x128xf32, #tpu.memory_space<vmem>>, vector<1x16xf32>,
      %swap3A_63 = vector.shape_cast %swap3A_62 : vector<1x16xf32> to vector<16xf32>
      %swap3A_64 = vector.shape_cast %broadcast_in_dim3A_0 : vector<16xf32> to vector<1x16xf32>
      tpu.vector_store %arg9[%swap3A_60, %swap3A_61], %swap3A_64 {strides = array<i32>} : memref<16x128xf32, #tpu.memory_space<vmem>>, vector<1x16xf32>,
      %swap3A_65 = arith.index_cast %scan3A_35 : i32 to index
      %swap3A_66 = arith.constant 96 : index
      %swap3A_67 = tpu.vector_load %arg9[%swap3A_65, %swap3A_66] {strides = array<i32>} : memref<16x128xf32, #tpu.memory_space<vmem>>, vector<1x16xf32>,
      %swap3A_68 = vector.shape_cast %swap3A_67 : vector<1x16xf32> to vector<16xf32>
      %swap3A_69 = vector.shape_cast %broadcast_in_dim3A_0 : vector<16xf32> to vector<1x16xf32>
      tpu.vector_store %arg9[%swap3A_65, %swap3A_66], %swap3A_69 {strides = array<i32>} : memref<16x128xf32, #tpu.memory_space<vmem>>, vector<1x16xf32>,
      %swap3A_70 = arith.index_cast %scan3A_35 : i32 to index
      %swap3A_71 = arith.constant 112 : index
      %swap3A_72 = tpu.vector_load %arg9[%swap3A_70, %swap3A_71] {strides = array<i32>} : memref<16x128xf32, #tpu.memory_space<vmem>>, vector<1x16xf32>,
      %swap3A_73 = vector.shape_cast %swap3A_72 : vector<1x16xf32> to vector<16xf32>
      %swap3A_74 = vector.shape_cast %broadcast_in_dim3A_0 : vector<16xf32> to vector<1x16xf32>
      tpu.vector_store %arg9[%swap3A_70, %swap3A_71], %swap3A_74 {strides = array<i32>} : memref<16x128xf32, #tpu.memory_space<vmem>>, vector<1x16xf32>,
    }
    %scan3A_5 = arith.constant 16 : i32
    %scan3A_6 = arith.constant 0 : i32
    %scan3A_7 = arith.constant 0 : i32
    %scan3A_8 = arith.constant 41 : i32
    %scan3A_9 = arith.addi %scan3A_7, %scan3A_8 : i32
    %scan3A_10 = arith.constant 1 : i32
    scf.for %scan3A_35 = %scan3A_7 to %scan3A_9 step %scan3A_10  : i32 {
      %mul3A_36 = arith.constant 656 : i32
      %mul3A_37 = arith.muli %arg1, %mul3A_36 : i32
      %mul3A_38 = arith.constant 16 : i32
      %mul3A_39 = arith.muli %scan3A_35, %mul3A_38 : i32
      %add3A_40 = arith.addi %mul3A_37, %mul3A_39 : i32
      "tpu.region"() ({
        %run_scoped3A = tpu.sem_alloc : memref<!tpu.dma_semaphore, #tpu.memory_space<semaphore_mem>>
        %dma_start3A = arith.constant 0 : i32
        %dma_start3A_41 = tpu.memref_slice %arg10[%add3A_40, %dma_start3A] : memref<10496x128xf32, #tpu.memory_space<vmem_shared>> -> memref<16x128xf32, #tpu.memory_space<vmem_shared>>
        %dma_start3A_42 = arith.constant 0 : i32
        %dma_start3A_43 = tpu.memref_slice %arg10[%add3A_40, %dma_start3A_42] : memref<10496x128xf32, #tpu.memory_space<vmem_shared>> -> memref<16x128xf32, #tpu.memory_space<vmem_shared>>
        tpu.enqueue_dma source(%arg9 : memref<16x128xf32, #tpu.memory_space<vmem>>) target(%dma_start3A_43 : memref<16x128xf32, #tpu.memory_space<vmem_shared>>) target_semaphore(%run_scoped3A : memref<!tpu.dma_semaphore, #tpu.memory_space<semaphore_mem>>)
        %dma_wait3A = arith.constant 0 : i32
        %dma_wait3A_44 = tpu.memref_slice %arg10[%add3A_40, %dma_wait3A] : memref<10496x128xf32, #tpu.memory_space<vmem_shared>> -> memref<16x128xf32, #tpu.memory_space<vmem_shared>>
        %dma_wait3A_45 = arith.constant 0 : i32
        %dma_wait3A_46 = tpu.memref_slice %arg10[%add3A_40, %dma_wait3A_45] : memref<10496x128xf32, #tpu.memory_space<vmem_shared>> -> memref<16x128xf32, #tpu.memory_space<vmem_shared>>
        tpu.wait_dma2 semaphore(%run_scoped3A : memref<!tpu.dma_semaphore, #tpu.memory_space<semaphore_mem>>) src(%arg9 : memref<16x128xf32, #tpu.memory_space<vmem>>) dst(%dma_wait3A_46 : memref<16x128xf32, #tpu.memory_space<vmem_shared>>)
        tpu.yield
      }) : () -> ()
    }
    %scan3A_11 = arith.constant 41 : i32
    %barrier3A = arith.constant 0 : index
    tpu.barrier barrier_id(%barrier3A)
    %eq3A = arith.constant 0 : i32
    %eq3A_12 = arith.cmpi eq, %arg0, %eq3A : i32
    %jit3A = arith.constant 134 : i32
    %jit3A_13 = arith.constant 26 : i32
    %select_n3A = arith.select %eq3A_12, %jit3A, %jit3A_13 : i32
    %eq3A_14 = arith.constant 0 : i32
    %eq3A_15 = arith.cmpi eq, %arg0, %eq3A_14 : i32
    %mul3A = arith.constant 134 : i32
    %mul3A_16 = arith.muli %arg1, %mul3A : i32
    %mul3A_17 = arith.constant 26 : i32
    %mul3A_18 = arith.muli %arg1, %mul3A_17 : i32
    %add3A = arith.constant 2144 : i32
    %add3A_19 = arith.addi %add3A, %mul3A_18 : i32
    %select_n3A_20 = arith.select %eq3A_15, %mul3A_16, %add3A_19 : i32
    %while3A = arith.constant 0 : i32
    %while3A_21 = arith.constant 0 : i32
    %while3A_22 = arith.subi %select_n3A, %while3A_21 : i32
    %while3A_23 = arith.addi %while3A_21, %while3A_22 : i32
    %while3A_24 = arith.constant 1 : i32
    %while3A_25 = arith.divsi %while3A_22, %while3A_24 : i32
    %while3A_26 = arith.muli %while3A_25, %while3A_24 : i32
    %while3A_27 = arith.addi %while3A_21, %while3A_26 : i32
    %while3A_28 = arith.constant 1 : i32
    scf.for %while3A_35 = %while3A_21 to %while3A_27 step %while3A_28  : i32 {
      %add3A_36 = arith.addi %select_n3A_20, %while3A_35 : i32
      "tpu.region"() ({
        %run_scoped3A = tpu.sem_alloc : memref<!tpu.dma_semaphore, #tpu.memory_space<semaphore_mem>>
        %dma_start3A = arith.constant 0 : i32
        %dma_start3A_38 = tpu.memref_slice %arg3[%add3A_36, %dma_start3A] : memref<2560x128xi32, #tpu.memory_space<hbm>> -> memref<1x128xi32, #tpu.memory_space<hbm>>
        %dma_start3A_39 = tpu.memref_squeeze %dma_start3A_38 : memref<1x128xi32, #tpu.memory_space<hbm>> -> memref<128xi32, #tpu.memory_space<hbm>>
        %dma_start3A_40 = arith.constant 0 : i32
        %dma_start3A_41 = tpu.memref_slice %arg3[%add3A_36, %dma_start3A_40] : memref<2560x128xi32, #tpu.memory_space<hbm>> -> memref<1x128xi32, #tpu.memory_space<hbm>>
        %dma_start3A_42 = tpu.memref_squeeze %dma_start3A_41 : memref<1x128xi32, #tpu.memory_space<hbm>> -> memref<128xi32, #tpu.memory_space<hbm>>
        tpu.enqueue_dma source(%dma_start3A_42 : memref<128xi32, #tpu.memory_space<hbm>>) target(%arg6 : memref<128xi32, #tpu.memory_space<vmem>>) target_semaphore(%run_scoped3A : memref<!tpu.dma_semaphore, #tpu.memory_space<semaphore_mem>>)
        %dma_wait3A = arith.constant 0 : i32
        %dma_wait3A_43 = tpu.memref_slice %arg3[%add3A_36, %dma_wait3A] : memref<2560x128xi32, #tpu.memory_space<hbm>> -> memref<1x128xi32, #tpu.memory_space<hbm>>
        %dma_wait3A_44 = tpu.memref_squeeze %dma_wait3A_43 : memref<1x128xi32, #tpu.memory_space<hbm>> -> memref<128xi32, #tpu.memory_space<hbm>>
        %dma_wait3A_45 = arith.constant 0 : i32
        %dma_wait3A_46 = tpu.memref_slice %arg3[%add3A_36, %dma_wait3A_45] : memref<2560x128xi32, #tpu.memory_space<hbm>> -> memref<1x128xi32, #tpu.memory_space<hbm>>
        %dma_wait3A_47 = tpu.memref_squeeze %dma_wait3A_46 : memref<1x128xi32, #tpu.memory_space<hbm>> -> memref<128xi32, #tpu.memory_space<hbm>>
        tpu.wait_dma2 semaphore(%run_scoped3A : memref<!tpu.dma_semaphore, #tpu.memory_space<semaphore_mem>>) src(%dma_wait3A_47 : memref<128xi32, #tpu.memory_space<hbm>>) dst(%arg6 : memref<128xi32, #tpu.memory_space<vmem>>)
        tpu.yield
      }) : () -> ()
      %add3A_37 = arith.addi %select_n3A_20, %while3A_35 : i32
      "tpu.region"() ({
        %run_scoped3A = tpu.sem_alloc : memref<!tpu.dma_semaphore, #tpu.memory_space<semaphore_mem>>
        %dma_start3A = arith.constant 0 : i32
        %dma_start3A_38 = tpu.memref_slice %arg4[%add3A_37, %dma_start3A] : memref<2560x128xi32, #tpu.memory_space<hbm>> -> memref<1x128xi32, #tpu.memory_space<hbm>>
        %dma_start3A_39 = tpu.memref_squeeze %dma_start3A_38 : memref<1x128xi32, #tpu.memory_space<hbm>> -> memref<128xi32, #tpu.memory_space<hbm>>
        %dma_start3A_40 = arith.constant 0 : i32
        %dma_start3A_41 = tpu.memref_slice %arg4[%add3A_37, %dma_start3A_40] : memref<2560x128xi32, #tpu.memory_space<hbm>> -> memref<1x128xi32, #tpu.memory_space<hbm>>
        %dma_start3A_42 = tpu.memref_squeeze %dma_start3A_41 : memref<1x128xi32, #tpu.memory_space<hbm>> -> memref<128xi32, #tpu.memory_space<hbm>>
        tpu.enqueue_dma source(%dma_start3A_42 : memref<128xi32, #tpu.memory_space<hbm>>) target(%arg7 : memref<128xi32, #tpu.memory_space<vmem>>) target_semaphore(%run_scoped3A : memref<!tpu.dma_semaphore, #tpu.memory_space<semaphore_mem>>)
        %dma_wait3A = arith.constant 0 : i32
        %dma_wait3A_43 = tpu.memref_slice %arg4[%add3A_37, %dma_wait3A] : memref<2560x128xi32, #tpu.memory_space<hbm>> -> memref<1x128xi32, #tpu.memory_space<hbm>>
        %dma_wait3A_44 = tpu.memref_squeeze %dma_wait3A_43 : memref<1x128xi32, #tpu.memory_space<hbm>> -> memref<128xi32, #tpu.memory_space<hbm>>
        %dma_wait3A_45 = arith.constant 0 : i32
        %dma_wait3A_46 = tpu.memref_slice %arg4[%add3A_37, %dma_wait3A_45] : memref<2560x128xi32, #tpu.memory_space<hbm>> -> memref<1x128xi32, #tpu.memory_space<hbm>>
        %dma_wait3A_47 = tpu.memref_squeeze %dma_wait3A_46 : memref<1x128xi32, #tpu.memory_space<hbm>> -> memref<128xi32, #tpu.memory_space<hbm>>
        tpu.wait_dma2 semaphore(%run_scoped3A : memref<!tpu.dma_semaphore, #tpu.memory_space<semaphore_mem>>) src(%dma_wait3A_47 : memref<128xi32, #tpu.memory_space<hbm>>) dst(%arg7 : memref<128xi32, #tpu.memory_space<vmem>>)
        tpu.yield
      }) : () -> ()
      "tpu.region"() ({
        %run_scoped3A = tpu.sem_alloc : memref<!tpu.dma_semaphore, #tpu.memory_space<semaphore_mem>>
        %dma_start3A = arith.constant 0 : i32
        %dma_start3A_38 = arith.constant 0 : i32
        %dma_start3A_39 = tpu.memref_slice %arg2[%dma_start3A, %dma_start3A_38] : memref<10240x128xf32, #tpu.memory_space<hbm>> -> memref<10240x128xf32, #tpu.memory_space<hbm>>
        tpu.enqueue_indirect_dma source(%dma_start3A_39 : memref<10240x128xf32, #tpu.memory_space<hbm>>) target(%arg8 : memref<128x128xf32, #tpu.memory_space<vmem>>) offsets(%arg6 : memref<128xi32, #tpu.memory_space<vmem>>) semaphore(%run_scoped3A : memref<!tpu.dma_semaphore, #tpu.memory_space<semaphore_mem>>)
        %dma_wait3A = arith.constant 0 : i32
        %dma_wait3A_40 = arith.constant 0 : i32
        %dma_wait3A_41 = tpu.memref_slice %arg2[%dma_wait3A, %dma_wait3A_40] : memref<10240x128xf32, #tpu.memory_space<hbm>> -> memref<10240x128xf32, #tpu.memory_space<hbm>>
        tpu.wait_indirect_dma semaphore(%run_scoped3A : memref<!tpu.dma_semaphore, #tpu.memory_space<semaphore_mem>>) src(%dma_wait3A_41 : memref<10240x128xf32, #tpu.memory_space<hbm>>) dst(%arg8 : memref<128x128xf32, #tpu.memory_space<vmem>>)
        tpu.yield
      }) : () -> ()
      "tpu.region"() ({
        %run_scoped3A = tpu.sem_alloc : memref<!tpu.dma_semaphore, #tpu.memory_space<semaphore_mem>>
        %dma_start3A = arith.constant 0 : i32
        %dma_start3A_38 = arith.constant 0 : i32
        %dma_start3A_39 = tpu.memref_slice %arg10[%dma_start3A, %dma_start3A_38] : memref<10496x128xf32, #tpu.memory_space<vmem_shared>> -> memref<10496x128xf32, #tpu.memory_space<vmem_shared>>
        tpu.enqueue_indirect_dma source(%arg8 : memref<128x128xf32, #tpu.memory_space<vmem>>) target(%dma_start3A_39 : memref<10496x128xf32, #tpu.memory_space<vmem_shared>>) offsets(%arg7 : memref<128xi32, #tpu.memory_space<vmem>>) semaphore(%run_scoped3A : memref<!tpu.dma_semaphore, #tpu.memory_space<semaphore_mem>>) {add = true}
        %dma_wait3A = arith.constant 0 : i32
        %dma_wait3A_40 = arith.constant 0 : i32
        %dma_wait3A_41 = tpu.memref_slice %arg10[%dma_wait3A, %dma_wait3A_40] : memref<10496x128xf32, #tpu.memory_space<vmem_shared>> -> memref<10496x128xf32, #tpu.memory_space<vmem_shared>>
        tpu.wait_indirect_dma semaphore(%run_scoped3A : memref<!tpu.dma_semaphore, #tpu.memory_space<semaphore_mem>>) src(%arg8 : memref<128x128xf32, #tpu.memory_space<vmem>>) dst(%dma_wait3A_41 : memref<10496x128xf32, #tpu.memory_space<vmem_shared>>)
        tpu.yield
      }) : () -> ()
    }
    %while3A_29 = arith.constant 1 : i32
    scf.for %while3A_35 = %while3A_27 to %while3A_23 step %while3A_29  : i32 {
      %add3A_36 = arith.addi %select_n3A_20, %while3A_35 : i32
      "tpu.region"() ({
        %run_scoped3A = tpu.sem_alloc : memref<!tpu.dma_semaphore, #tpu.memory_space<semaphore_mem>>
        %dma_start3A = arith.constant 0 : i32
        %dma_start3A_38 = tpu.memref_slice %arg3[%add3A_36, %dma_start3A] : memref<2560x128xi32, #tpu.memory_space<hbm>> -> memref<1x128xi32, #tpu.memory_space<hbm>>
        %dma_start3A_39 = tpu.memref_squeeze %dma_start3A_38 : memref<1x128xi32, #tpu.memory_space<hbm>> -> memref<128xi32, #tpu.memory_space<hbm>>
        %dma_start3A_40 = arith.constant 0 : i32
        %dma_start3A_41 = tpu.memref_slice %arg3[%add3A_36, %dma_start3A_40] : memref<2560x128xi32, #tpu.memory_space<hbm>> -> memref<1x128xi32, #tpu.memory_space<hbm>>
        %dma_start3A_42 = tpu.memref_squeeze %dma_start3A_41 : memref<1x128xi32, #tpu.memory_space<hbm>> -> memref<128xi32, #tpu.memory_space<hbm>>
        tpu.enqueue_dma source(%dma_start3A_42 : memref<128xi32, #tpu.memory_space<hbm>>) target(%arg6 : memref<128xi32, #tpu.memory_space<vmem>>) target_semaphore(%run_scoped3A : memref<!tpu.dma_semaphore, #tpu.memory_space<semaphore_mem>>)
        %dma_wait3A = arith.constant 0 : i32
        %dma_wait3A_43 = tpu.memref_slice %arg3[%add3A_36, %dma_wait3A] : memref<2560x128xi32, #tpu.memory_space<hbm>> -> memref<1x128xi32, #tpu.memory_space<hbm>>
        %dma_wait3A_44 = tpu.memref_squeeze %dma_wait3A_43 : memref<1x128xi32, #tpu.memory_space<hbm>> -> memref<128xi32, #tpu.memory_space<hbm>>
        %dma_wait3A_45 = arith.constant 0 : i32
        %dma_wait3A_46 = tpu.memref_slice %arg3[%add3A_36, %dma_wait3A_45] : memref<2560x128xi32, #tpu.memory_space<hbm>> -> memref<1x128xi32, #tpu.memory_space<hbm>>
        %dma_wait3A_47 = tpu.memref_squeeze %dma_wait3A_46 : memref<1x128xi32, #tpu.memory_space<hbm>> -> memref<128xi32, #tpu.memory_space<hbm>>
        tpu.wait_dma2 semaphore(%run_scoped3A : memref<!tpu.dma_semaphore, #tpu.memory_space<semaphore_mem>>) src(%dma_wait3A_47 : memref<128xi32, #tpu.memory_space<hbm>>) dst(%arg6 : memref<128xi32, #tpu.memory_space<vmem>>)
        tpu.yield
      }) : () -> ()
      %add3A_37 = arith.addi %select_n3A_20, %while3A_35 : i32
      "tpu.region"() ({
        %run_scoped3A = tpu.sem_alloc : memref<!tpu.dma_semaphore, #tpu.memory_space<semaphore_mem>>
        %dma_start3A = arith.constant 0 : i32
        %dma_start3A_38 = tpu.memref_slice %arg4[%add3A_37, %dma_start3A] : memref<2560x128xi32, #tpu.memory_space<hbm>> -> memref<1x128xi32, #tpu.memory_space<hbm>>
        %dma_start3A_39 = tpu.memref_squeeze %dma_start3A_38 : memref<1x128xi32, #tpu.memory_space<hbm>> -> memref<128xi32, #tpu.memory_space<hbm>>
        %dma_start3A_40 = arith.constant 0 : i32
        %dma_start3A_41 = tpu.memref_slice %arg4[%add3A_37, %dma_start3A_40] : memref<2560x128xi32, #tpu.memory_space<hbm>> -> memref<1x128xi32, #tpu.memory_space<hbm>>
        %dma_start3A_42 = tpu.memref_squeeze %dma_start3A_41 : memref<1x128xi32, #tpu.memory_space<hbm>> -> memref<128xi32, #tpu.memory_space<hbm>>
        tpu.enqueue_dma source(%dma_start3A_42 : memref<128xi32, #tpu.memory_space<hbm>>) target(%arg7 : memref<128xi32, #tpu.memory_space<vmem>>) target_semaphore(%run_scoped3A : memref<!tpu.dma_semaphore, #tpu.memory_space<semaphore_mem>>)
        %dma_wait3A = arith.constant 0 : i32
        %dma_wait3A_43 = tpu.memref_slice %arg4[%add3A_37, %dma_wait3A] : memref<2560x128xi32, #tpu.memory_space<hbm>> -> memref<1x128xi32, #tpu.memory_space<hbm>>
        %dma_wait3A_44 = tpu.memref_squeeze %dma_wait3A_43 : memref<1x128xi32, #tpu.memory_space<hbm>> -> memref<128xi32, #tpu.memory_space<hbm>>
        %dma_wait3A_45 = arith.constant 0 : i32
        %dma_wait3A_46 = tpu.memref_slice %arg4[%add3A_37, %dma_wait3A_45] : memref<2560x128xi32, #tpu.memory_space<hbm>> -> memref<1x128xi32, #tpu.memory_space<hbm>>
        %dma_wait3A_47 = tpu.memref_squeeze %dma_wait3A_46 : memref<1x128xi32, #tpu.memory_space<hbm>> -> memref<128xi32, #tpu.memory_space<hbm>>
        tpu.wait_dma2 semaphore(%run_scoped3A : memref<!tpu.dma_semaphore, #tpu.memory_space<semaphore_mem>>) src(%dma_wait3A_47 : memref<128xi32, #tpu.memory_space<hbm>>) dst(%arg7 : memref<128xi32, #tpu.memory_space<vmem>>)
        tpu.yield
      }) : () -> ()
      "tpu.region"() ({
        %run_scoped3A = tpu.sem_alloc : memref<!tpu.dma_semaphore, #tpu.memory_space<semaphore_mem>>
        %dma_start3A = arith.constant 0 : i32
        %dma_start3A_38 = arith.constant 0 : i32
        %dma_start3A_39 = tpu.memref_slice %arg2[%dma_start3A, %dma_start3A_38] : memref<10240x128xf32, #tpu.memory_space<hbm>> -> memref<10240x128xf32, #tpu.memory_space<hbm>>
        tpu.enqueue_indirect_dma source(%dma_start3A_39 : memref<10240x128xf32, #tpu.memory_space<hbm>>) target(%arg8 : memref<128x128xf32, #tpu.memory_space<vmem>>) offsets(%arg6 : memref<128xi32, #tpu.memory_space<vmem>>) semaphore(%run_scoped3A : memref<!tpu.dma_semaphore, #tpu.memory_space<semaphore_mem>>)
        %dma_wait3A = arith.constant 0 : i32
        %dma_wait3A_40 = arith.constant 0 : i32
        %dma_wait3A_41 = tpu.memref_slice %arg2[%dma_wait3A, %dma_wait3A_40] : memref<10240x128xf32, #tpu.memory_space<hbm>> -> memref<10240x128xf32, #tpu.memory_space<hbm>>
        tpu.wait_indirect_dma semaphore(%run_scoped3A : memref<!tpu.dma_semaphore, #tpu.memory_space<semaphore_mem>>) src(%dma_wait3A_41 : memref<10240x128xf32, #tpu.memory_space<hbm>>) dst(%arg8 : memref<128x128xf32, #tpu.memory_space<vmem>>)
        tpu.yield
      }) : () -> ()
      "tpu.region"() ({
        %run_scoped3A = tpu.sem_alloc : memref<!tpu.dma_semaphore, #tpu.memory_space<semaphore_mem>>
        %dma_start3A = arith.constant 0 : i32
        %dma_start3A_38 = arith.constant 0 : i32
        %dma_start3A_39 = tpu.memref_slice %arg10[%dma_start3A, %dma_start3A_38] : memref<10496x128xf32, #tpu.memory_space<vmem_shared>> -> memref<10496x128xf32, #tpu.memory_space<vmem_shared>>
        tpu.enqueue_indirect_dma source(%arg8 : memref<128x128xf32, #tpu.memory_space<vmem>>) target(%dma_start3A_39 : memref<10496x128xf32, #tpu.memory_space<vmem_shared>>) offsets(%arg7 : memref<128xi32, #tpu.memory_space<vmem>>) semaphore(%run_scoped3A : memref<!tpu.dma_semaphore, #tpu.memory_space<semaphore_mem>>) {add = true}
        %dma_wait3A = arith.constant 0 : i32
        %dma_wait3A_40 = arith.constant 0 : i32
        %dma_wait3A_41 = tpu.memref_slice %arg10[%dma_wait3A, %dma_wait3A_40] : memref<10496x128xf32, #tpu.memory_space<vmem_shared>> -> memref<10496x128xf32, #tpu.memory_space<vmem_shared>>
        tpu.wait_indirect_dma semaphore(%run_scoped3A : memref<!tpu.dma_semaphore, #tpu.memory_space<semaphore_mem>>) src(%arg8 : memref<128x128xf32, #tpu.memory_space<vmem>>) dst(%dma_wait3A_41 : memref<10496x128xf32, #tpu.memory_space<vmem_shared>>)
        tpu.yield
      }) : () -> ()
    }
    %barrier3A_30 = arith.constant 0 : index
    tpu.barrier barrier_id(%barrier3A_30)
    %mul3A_31 = arith.constant 640 : i32
    %mul3A_32 = arith.muli %arg1, %mul3A_31 : i32
    %mul3A_33 = arith.constant 640 : i32
    %mul3A_34 = arith.muli %arg1, %mul3A_33 : i32
    "tpu.region"() ({
      %run_scoped3A = tpu.sem_alloc : memref<!tpu.dma_semaphore, #tpu.memory_space<semaphore_mem>>
      %dma_start3A = arith.constant 0 : i32
      %dma_start3A_35 = tpu.memref_slice %arg5[%arg0, %mul3A_34, %dma_start3A] : memref<2x10240x128xf32, #tpu.memory_space<hbm>> -> memref<1x640x128xf32, #tpu.memory_space<hbm>>
      %dma_start3A_36 = tpu.memref_squeeze %dma_start3A_35 : memref<1x640x128xf32, #tpu.memory_space<hbm>> -> memref<640x128xf32, #tpu.memory_space<hbm>>
      %dma_start3A_37 = arith.constant 0 : i32
      %dma_start3A_38 = tpu.memref_slice %arg10[%mul3A_32, %dma_start3A_37] : memref<10496x128xf32, #tpu.memory_space<vmem_shared>> -> memref<640x128xf32, #tpu.memory_space<vmem_shared>>
      tpu.enqueue_dma source(%dma_start3A_38 : memref<640x128xf32, #tpu.memory_space<vmem_shared>>) target(%dma_start3A_36 : memref<640x128xf32, #tpu.memory_space<hbm>>) target_semaphore(%run_scoped3A : memref<!tpu.dma_semaphore, #tpu.memory_space<semaphore_mem>>)
      %dma_wait3A = arith.constant 0 : i32
      %dma_wait3A_39 = tpu.memref_slice %arg5[%arg0, %mul3A_34, %dma_wait3A] : memref<2x10240x128xf32, #tpu.memory_space<hbm>> -> memref<1x640x128xf32, #tpu.memory_space<hbm>>
      %dma_wait3A_40 = tpu.memref_squeeze %dma_wait3A_39 : memref<1x640x128xf32, #tpu.memory_space<hbm>> -> memref<640x128xf32, #tpu.memory_space<hbm>>
      %dma_wait3A_41 = arith.constant 0 : i32
      %dma_wait3A_42 = tpu.memref_slice %arg10[%mul3A_32, %dma_wait3A_41] : memref<10496x128xf32, #tpu.memory_space<vmem_shared>> -> memref<640x128xf32, #tpu.memory_space<vmem_shared>>
      tpu.wait_dma2 semaphore(%run_scoped3A : memref<!tpu.dma_semaphore, #tpu.memory_space<semaphore_mem>>) src(%dma_wait3A_42 : memref<640x128xf32, #tpu.memory_space<vmem_shared>>) dst(%dma_wait3A_40 : memref<640x128xf32, #tpu.memory_space<hbm>>)
      tpu.yield
    }) : () -> ()
    return
  }
}

#map = affine_map<(d0, d1) -> (0)>
#map1 = affine_map<(d0, d1) -> (0, 0)>
#map2 = affine_map<(d0, d1) -> (0, 0, 0)>
module attributes {stable_mosaic.version = 14 : i64} {
  func.func @_prep_body(%arg0: i32, %arg1: i32, %arg2: memref<327680xi32, #tpu.memory_space<hbm>>, %arg3: memref<327680xi32, #tpu.memory_space<hbm>>, %arg4: memref<2560x128xi32, #tpu.memory_space<hbm>>, %arg5: memref<2x10240x128xf32, #tpu.memory_space<hbm>>, %arg6: memref<128xi32, #tpu.memory_space<vmem>>, %arg7: memref<128xi32, #tpu.memory_space<vmem>>, %arg8: memref<128xi32, #tpu.memory_space<vmem>>, %arg9: memref<128x128xf32, #tpu.memory_space<vmem>>, %arg10: memref<16x128xf32, #tpu.memory_space<vmem>>, %arg11: memref<10496x128xf32, #tpu.memory_space<vmem_shared>>) attributes {dimension_semantics = [#tpu.dimension_semantics<core_parallel>, #tpu.dimension_semantics<subcore_parallel>], iteration_bounds = array<i64: 2, 16>, scalar_prefetch = 0 : i64, scratch_operands = 6 : i64, tpu.core_type = #tpu.core_type<sc_vector_subcore>, window_params = [{transform_indices = #map}, {transform_indices = #map}, {transform_indices = #map1}, {transform_indices = #map2}]} {
    %mul3A = arith.constant 16 : i32
    %mul3A_0 = arith.muli %arg0, %mul3A : i32
    %add3A = arith.addi %mul3A_0, %arg1 : i32
    %broadcast_in_dim3A = arith.constant 0.000000e+00 : f32
    %broadcast_in_dim3A_1 = vector.broadcast %broadcast_in_dim3A : f32 to vector<16xf32>
    %broadcast_in_dim3A_2 = arith.constant 1.000000e+00 : f32
    %broadcast_in_dim3A_3 = vector.broadcast %broadcast_in_dim3A_2 : f32 to vector<16xf32>
    %broadcast_in_dim3A_4 = arith.constant 10240 : i32
    %broadcast_in_dim3A_5 = vector.broadcast %broadcast_in_dim3A_4 : i32 to vector<16xi32>
    %scan3A = arith.constant 0 : i32
    %scan3A_6 = arith.constant 0 : i32
    %scan3A_7 = arith.constant 128 : i32
    %scan3A_8 = arith.addi %scan3A_6, %scan3A_7 : i32
    %scan3A_9 = arith.constant 1 : i32
    scf.for %scan3A_34 = %scan3A_6 to %scan3A_8 step %scan3A_9  : i32 {
      %swap3A = arith.index_cast %scan3A_34 : i32 to index
      %swap3A_35 = arith.constant 0 : index
      %swap3A_36 = tpu.vector_load %arg9[%swap3A, %swap3A_35] {strides = array<i32>} : memref<128x128xf32, #tpu.memory_space<vmem>>, vector<1x16xf32>,
      %swap3A_37 = vector.shape_cast %swap3A_36 : vector<1x16xf32> to vector<16xf32>
      %swap3A_38 = vector.shape_cast %broadcast_in_dim3A_3 : vector<16xf32> to vector<1x16xf32>
      tpu.vector_store %arg9[%swap3A, %swap3A_35], %swap3A_38 {strides = array<i32>} : memref<128x128xf32, #tpu.memory_space<vmem>>, vector<1x16xf32>,
      %swap3A_39 = arith.index_cast %scan3A_34 : i32 to index
      %swap3A_40 = arith.constant 16 : index
      %swap3A_41 = tpu.vector_load %arg9[%swap3A_39, %swap3A_40] {strides = array<i32>} : memref<128x128xf32, #tpu.memory_space<vmem>>, vector<1x16xf32>,
      %swap3A_42 = vector.shape_cast %swap3A_41 : vector<1x16xf32> to vector<16xf32>
      %swap3A_43 = vector.shape_cast %broadcast_in_dim3A_3 : vector<16xf32> to vector<1x16xf32>
      tpu.vector_store %arg9[%swap3A_39, %swap3A_40], %swap3A_43 {strides = array<i32>} : memref<128x128xf32, #tpu.memory_space<vmem>>, vector<1x16xf32>,
      %swap3A_44 = arith.index_cast %scan3A_34 : i32 to index
      %swap3A_45 = arith.constant 32 : index
      %swap3A_46 = tpu.vector_load %arg9[%swap3A_44, %swap3A_45] {strides = array<i32>} : memref<128x128xf32, #tpu.memory_space<vmem>>, vector<1x16xf32>,
      %swap3A_47 = vector.shape_cast %swap3A_46 : vector<1x16xf32> to vector<16xf32>
      %swap3A_48 = vector.shape_cast %broadcast_in_dim3A_3 : vector<16xf32> to vector<1x16xf32>
      tpu.vector_store %arg9[%swap3A_44, %swap3A_45], %swap3A_48 {strides = array<i32>} : memref<128x128xf32, #tpu.memory_space<vmem>>, vector<1x16xf32>,
      %swap3A_49 = arith.index_cast %scan3A_34 : i32 to index
      %swap3A_50 = arith.constant 48 : index
      %swap3A_51 = tpu.vector_load %arg9[%swap3A_49, %swap3A_50] {strides = array<i32>} : memref<128x128xf32, #tpu.memory_space<vmem>>, vector<1x16xf32>,
      %swap3A_52 = vector.shape_cast %swap3A_51 : vector<1x16xf32> to vector<16xf32>
      %swap3A_53 = vector.shape_cast %broadcast_in_dim3A_3 : vector<16xf32> to vector<1x16xf32>
      tpu.vector_store %arg9[%swap3A_49, %swap3A_50], %swap3A_53 {strides = array<i32>} : memref<128x128xf32, #tpu.memory_space<vmem>>, vector<1x16xf32>,
      %swap3A_54 = arith.index_cast %scan3A_34 : i32 to index
      %swap3A_55 = arith.constant 64 : index
      %swap3A_56 = tpu.vector_load %arg9[%swap3A_54, %swap3A_55] {strides = array<i32>} : memref<128x128xf32, #tpu.memory_space<vmem>>, vector<1x16xf32>,
      %swap3A_57 = vector.shape_cast %swap3A_56 : vector<1x16xf32> to vector<16xf32>
      %swap3A_58 = vector.shape_cast %broadcast_in_dim3A_3 : vector<16xf32> to vector<1x16xf32>
      tpu.vector_store %arg9[%swap3A_54, %swap3A_55], %swap3A_58 {strides = array<i32>} : memref<128x128xf32, #tpu.memory_space<vmem>>, vector<1x16xf32>,
      %swap3A_59 = arith.index_cast %scan3A_34 : i32 to index
      %swap3A_60 = arith.constant 80 : index
      %swap3A_61 = tpu.vector_load %arg9[%swap3A_59, %swap3A_60] {strides = array<i32>} : memref<128x128xf32, #tpu.memory_space<vmem>>, vector<1x16xf32>,
      %swap3A_62 = vector.shape_cast %swap3A_61 : vector<1x16xf32> to vector<16xf32>
      %swap3A_63 = vector.shape_cast %broadcast_in_dim3A_3 : vector<16xf32> to vector<1x16xf32>
      tpu.vector_store %arg9[%swap3A_59, %swap3A_60], %swap3A_63 {strides = array<i32>} : memref<128x128xf32, #tpu.memory_space<vmem>>, vector<1x16xf32>,
      %swap3A_64 = arith.index_cast %scan3A_34 : i32 to index
      %swap3A_65 = arith.constant 96 : index
      %swap3A_66 = tpu.vector_load %arg9[%swap3A_64, %swap3A_65] {strides = array<i32>} : memref<128x128xf32, #tpu.memory_space<vmem>>, vector<1x16xf32>,
      %swap3A_67 = vector.shape_cast %swap3A_66 : vector<1x16xf32> to vector<16xf32>
      %swap3A_68 = vector.shape_cast %broadcast_in_dim3A_3 : vector<16xf32> to vector<1x16xf32>
      tpu.vector_store %arg9[%swap3A_64, %swap3A_65], %swap3A_68 {strides = array<i32>} : memref<128x128xf32, #tpu.memory_space<vmem>>, vector<1x16xf32>,
      %swap3A_69 = arith.index_cast %scan3A_34 : i32 to index
      %swap3A_70 = arith.constant 112 : index
      %swap3A_71 = tpu.vector_load %arg9[%swap3A_69, %swap3A_70] {strides = array<i32>} : memref<128x128xf32, #tpu.memory_space<vmem>>, vector<1x16xf32>,
      %swap3A_72 = vector.shape_cast %swap3A_71 : vector<1x16xf32> to vector<16xf32>
      %swap3A_73 = vector.shape_cast %broadcast_in_dim3A_3 : vector<16xf32> to vector<1x16xf32>
      tpu.vector_store %arg9[%swap3A_69, %swap3A_70], %swap3A_73 {strides = array<i32>} : memref<128x128xf32, #tpu.memory_space<vmem>>, vector<1x16xf32>,
    }
    %scan3A_10 = arith.constant 128 : i32
    %scan3A_11 = arith.constant 0 : i32
    %scan3A_12 = arith.constant 0 : i32
    %scan3A_13 = arith.constant 16 : i32
    %scan3A_14 = arith.addi %scan3A_12, %scan3A_13 : i32
    %scan3A_15 = arith.constant 1 : i32
    scf.for %scan3A_34 = %scan3A_12 to %scan3A_14 step %scan3A_15  : i32 {
      %swap3A = arith.index_cast %scan3A_34 : i32 to index
      %swap3A_35 = arith.constant 0 : index
      %swap3A_36 = tpu.vector_load %arg10[%swap3A, %swap3A_35] {strides = array<i32>} : memref<16x128xf32, #tpu.memory_space<vmem>>, vector<1x16xf32>,
      %swap3A_37 = vector.shape_cast %swap3A_36 : vector<1x16xf32> to vector<16xf32>
      %swap3A_38 = vector.shape_cast %broadcast_in_dim3A_1 : vector<16xf32> to vector<1x16xf32>
      tpu.vector_store %arg10[%swap3A, %swap3A_35], %swap3A_38 {strides = array<i32>} : memref<16x128xf32, #tpu.memory_space<vmem>>, vector<1x16xf32>,
      %swap3A_39 = arith.index_cast %scan3A_34 : i32 to index
      %swap3A_40 = arith.constant 16 : index
      %swap3A_41 = tpu.vector_load %arg10[%swap3A_39, %swap3A_40] {strides = array<i32>} : memref<16x128xf32, #tpu.memory_space<vmem>>, vector<1x16xf32>,
      %swap3A_42 = vector.shape_cast %swap3A_41 : vector<1x16xf32> to vector<16xf32>
      %swap3A_43 = vector.shape_cast %broadcast_in_dim3A_1 : vector<16xf32> to vector<1x16xf32>
      tpu.vector_store %arg10[%swap3A_39, %swap3A_40], %swap3A_43 {strides = array<i32>} : memref<16x128xf32, #tpu.memory_space<vmem>>, vector<1x16xf32>,
      %swap3A_44 = arith.index_cast %scan3A_34 : i32 to index
      %swap3A_45 = arith.constant 32 : index
      %swap3A_46 = tpu.vector_load %arg10[%swap3A_44, %swap3A_45] {strides = array<i32>} : memref<16x128xf32, #tpu.memory_space<vmem>>, vector<1x16xf32>,
      %swap3A_47 = vector.shape_cast %swap3A_46 : vector<1x16xf32> to vector<16xf32>
      %swap3A_48 = vector.shape_cast %broadcast_in_dim3A_1 : vector<16xf32> to vector<1x16xf32>
      tpu.vector_store %arg10[%swap3A_44, %swap3A_45], %swap3A_48 {strides = array<i32>} : memref<16x128xf32, #tpu.memory_space<vmem>>, vector<1x16xf32>,
      %swap3A_49 = arith.index_cast %scan3A_34 : i32 to index
      %swap3A_50 = arith.constant 48 : index
      %swap3A_51 = tpu.vector_load %arg10[%swap3A_49, %swap3A_50] {strides = array<i32>} : memref<16x128xf32, #tpu.memory_space<vmem>>, vector<1x16xf32>,
      %swap3A_52 = vector.shape_cast %swap3A_51 : vector<1x16xf32> to vector<16xf32>
      %swap3A_53 = vector.shape_cast %broadcast_in_dim3A_1 : vector<16xf32> to vector<1x16xf32>
      tpu.vector_store %arg10[%swap3A_49, %swap3A_50], %swap3A_53 {strides = array<i32>} : memref<16x128xf32, #tpu.memory_space<vmem>>, vector<1x16xf32>,
      %swap3A_54 = arith.index_cast %scan3A_34 : i32 to index
      %swap3A_55 = arith.constant 64 : index
      %swap3A_56 = tpu.vector_load %arg10[%swap3A_54, %swap3A_55] {strides = array<i32>} : memref<16x128xf32, #tpu.memory_space<vmem>>, vector<1x16xf32>,
      %swap3A_57 = vector.shape_cast %swap3A_56 : vector<1x16xf32> to vector<16xf32>
      %swap3A_58 = vector.shape_cast %broadcast_in_dim3A_1 : vector<16xf32> to vector<1x16xf32>
      tpu.vector_store %arg10[%swap3A_54, %swap3A_55], %swap3A_58 {strides = array<i32>} : memref<16x128xf32, #tpu.memory_space<vmem>>, vector<1x16xf32>,
      %swap3A_59 = arith.index_cast %scan3A_34 : i32 to index
      %swap3A_60 = arith.constant 80 : index
      %swap3A_61 = tpu.vector_load %arg10[%swap3A_59, %swap3A_60] {strides = array<i32>} : memref<16x128xf32, #tpu.memory_space<vmem>>, vector<1x16xf32>,
      %swap3A_62 = vector.shape_cast %swap3A_61 : vector<1x16xf32> to vector<16xf32>
      %swap3A_63 = vector.shape_cast %broadcast_in_dim3A_1 : vector<16xf32> to vector<1x16xf32>
      tpu.vector_store %arg10[%swap3A_59, %swap3A_60], %swap3A_63 {strides = array<i32>} : memref<16x128xf32, #tpu.memory_space<vmem>>, vector<1x16xf32>,
      %swap3A_64 = arith.index_cast %scan3A_34 : i32 to index
      %swap3A_65 = arith.constant 96 : index
      %swap3A_66 = tpu.vector_load %arg10[%swap3A_64, %swap3A_65] {strides = array<i32>} : memref<16x128xf32, #tpu.memory_space<vmem>>, vector<1x16xf32>,
      %swap3A_67 = vector.shape_cast %swap3A_66 : vector<1x16xf32> to vector<16xf32>
      %swap3A_68 = vector.shape_cast %broadcast_in_dim3A_1 : vector<16xf32> to vector<1x16xf32>
      tpu.vector_store %arg10[%swap3A_64, %swap3A_65], %swap3A_68 {strides = array<i32>} : memref<16x128xf32, #tpu.memory_space<vmem>>, vector<1x16xf32>,
      %swap3A_69 = arith.index_cast %scan3A_34 : i32 to index
      %swap3A_70 = arith.constant 112 : index
      %swap3A_71 = tpu.vector_load %arg10[%swap3A_69, %swap3A_70] {strides = array<i32>} : memref<16x128xf32, #tpu.memory_space<vmem>>, vector<1x16xf32>,
      %swap3A_72 = vector.shape_cast %swap3A_71 : vector<1x16xf32> to vector<16xf32>
      %swap3A_73 = vector.shape_cast %broadcast_in_dim3A_1 : vector<16xf32> to vector<1x16xf32>
      tpu.vector_store %arg10[%swap3A_69, %swap3A_70], %swap3A_73 {strides = array<i32>} : memref<16x128xf32, #tpu.memory_space<vmem>>, vector<1x16xf32>,
    }
    %scan3A_16 = arith.constant 16 : i32
    %scan3A_17 = arith.constant 0 : i32
    %scan3A_18 = arith.constant 0 : i32
    %scan3A_19 = arith.constant 41 : i32
    %scan3A_20 = arith.addi %scan3A_18, %scan3A_19 : i32
    %scan3A_21 = arith.constant 1 : i32
    scf.for %scan3A_34 = %scan3A_18 to %scan3A_20 step %scan3A_21  : i32 {
      %mul3A_35 = arith.constant 656 : i32
      %mul3A_36 = arith.muli %arg1, %mul3A_35 : i32
      %mul3A_37 = arith.constant 16 : i32
      %mul3A_38 = arith.muli %scan3A_34, %mul3A_37 : i32
      %add3A_39 = arith.addi %mul3A_36, %mul3A_38 : i32
      "tpu.region"() ({
        %run_scoped3A = tpu.sem_alloc : memref<!tpu.dma_semaphore, #tpu.memory_space<semaphore_mem>>
        %dma_start3A = arith.constant 0 : i32
        %dma_start3A_40 = tpu.memref_slice %arg11[%add3A_39, %dma_start3A] : memref<10496x128xf32, #tpu.memory_space<vmem_shared>> -> memref<16x128xf32, #tpu.memory_space<vmem_shared>>
        %dma_start3A_41 = arith.constant 0 : i32
        %dma_start3A_42 = tpu.memref_slice %arg11[%add3A_39, %dma_start3A_41] : memref<10496x128xf32, #tpu.memory_space<vmem_shared>> -> memref<16x128xf32, #tpu.memory_space<vmem_shared>>
        tpu.enqueue_dma source(%arg10 : memref<16x128xf32, #tpu.memory_space<vmem>>) target(%dma_start3A_42 : memref<16x128xf32, #tpu.memory_space<vmem_shared>>) target_semaphore(%run_scoped3A : memref<!tpu.dma_semaphore, #tpu.memory_space<semaphore_mem>>)
        %dma_wait3A = arith.constant 0 : i32
        %dma_wait3A_43 = tpu.memref_slice %arg11[%add3A_39, %dma_wait3A] : memref<10496x128xf32, #tpu.memory_space<vmem_shared>> -> memref<16x128xf32, #tpu.memory_space<vmem_shared>>
        %dma_wait3A_44 = arith.constant 0 : i32
        %dma_wait3A_45 = tpu.memref_slice %arg11[%add3A_39, %dma_wait3A_44] : memref<10496x128xf32, #tpu.memory_space<vmem_shared>> -> memref<16x128xf32, #tpu.memory_space<vmem_shared>>
        tpu.wait_dma2 semaphore(%run_scoped3A : memref<!tpu.dma_semaphore, #tpu.memory_space<semaphore_mem>>) src(%arg10 : memref<16x128xf32, #tpu.memory_space<vmem>>) dst(%dma_wait3A_45 : memref<16x128xf32, #tpu.memory_space<vmem_shared>>)
        tpu.yield
      }) : () -> ()
    }
    %scan3A_22 = arith.constant 41 : i32
    %barrier3A = arith.constant 0 : index
    tpu.barrier barrier_id(%barrier3A)
    %scan3A_23 = arith.constant 0 : i32
    %scan3A_24 = arith.constant 0 : i32
    %scan3A_25 = arith.constant 80 : i32
    %scan3A_26 = arith.addi %scan3A_24, %scan3A_25 : i32
    %scan3A_27 = arith.constant 1 : i32
    scf.for %scan3A_34 = %scan3A_24 to %scan3A_26 step %scan3A_27  : i32 {
      %mul3A_35 = arith.constant 10240 : i32
      %mul3A_36 = arith.muli %add3A, %mul3A_35 : i32
      %mul3A_37 = arith.constant 128 : i32
      %mul3A_38 = arith.muli %scan3A_34, %mul3A_37 : i32
      %add3A_39 = arith.addi %mul3A_36, %mul3A_38 : i32
      "tpu.region"() ({
        %run_scoped3A = tpu.sem_alloc : memref<!tpu.dma_semaphore, #tpu.memory_space<semaphore_mem>>
        %dma_start3A = tpu.memref_slice %arg2[%add3A_39] : memref<327680xi32, #tpu.memory_space<hbm>> -> memref<128xi32, #tpu.memory_space<hbm>>
        %dma_start3A_49 = tpu.memref_slice %arg2[%add3A_39] : memref<327680xi32, #tpu.memory_space<hbm>> -> memref<128xi32, #tpu.memory_space<hbm>>
        tpu.enqueue_dma source(%dma_start3A_49 : memref<128xi32, #tpu.memory_space<hbm>>) target(%arg6 : memref<128xi32, #tpu.memory_space<vmem>>) target_semaphore(%run_scoped3A : memref<!tpu.dma_semaphore, #tpu.memory_space<semaphore_mem>>)
        %dma_wait3A = tpu.memref_slice %arg2[%add3A_39] : memref<327680xi32, #tpu.memory_space<hbm>> -> memref<128xi32, #tpu.memory_space<hbm>>
        %dma_wait3A_50 = tpu.memref_slice %arg2[%add3A_39] : memref<327680xi32, #tpu.memory_space<hbm>> -> memref<128xi32, #tpu.memory_space<hbm>>
        tpu.wait_dma2 semaphore(%run_scoped3A : memref<!tpu.dma_semaphore, #tpu.memory_space<semaphore_mem>>) src(%dma_wait3A_50 : memref<128xi32, #tpu.memory_space<hbm>>) dst(%arg6 : memref<128xi32, #tpu.memory_space<vmem>>)
        tpu.yield
      }) : () -> ()
      "tpu.region"() ({
        %run_scoped3A = tpu.sem_alloc : memref<!tpu.dma_semaphore, #tpu.memory_space<semaphore_mem>>
        %dma_start3A = tpu.memref_slice %arg3[%add3A_39] : memref<327680xi32, #tpu.memory_space<hbm>> -> memref<128xi32, #tpu.memory_space<hbm>>
        %dma_start3A_49 = tpu.memref_slice %arg3[%add3A_39] : memref<327680xi32, #tpu.memory_space<hbm>> -> memref<128xi32, #tpu.memory_space<hbm>>
        tpu.enqueue_dma source(%dma_start3A_49 : memref<128xi32, #tpu.memory_space<hbm>>) target(%arg7 : memref<128xi32, #tpu.memory_space<vmem>>) target_semaphore(%run_scoped3A : memref<!tpu.dma_semaphore, #tpu.memory_space<semaphore_mem>>)
        %dma_wait3A = tpu.memref_slice %arg3[%add3A_39] : memref<327680xi32, #tpu.memory_space<hbm>> -> memref<128xi32, #tpu.memory_space<hbm>>
        %dma_wait3A_50 = tpu.memref_slice %arg3[%add3A_39] : memref<327680xi32, #tpu.memory_space<hbm>> -> memref<128xi32, #tpu.memory_space<hbm>>
        tpu.wait_dma2 semaphore(%run_scoped3A : memref<!tpu.dma_semaphore, #tpu.memory_space<semaphore_mem>>) src(%dma_wait3A_50 : memref<128xi32, #tpu.memory_space<hbm>>) dst(%arg7 : memref<128xi32, #tpu.memory_space<vmem>>)
        tpu.yield
      }) : () -> ()
      %scan3A_40 = arith.constant 0 : i32
      %scan3A_41 = arith.constant 0 : i32
      %scan3A_42 = arith.constant 8 : i32
      %scan3A_43 = arith.addi %scan3A_41, %scan3A_42 : i32
      %scan3A_44 = arith.constant 1 : i32
      scf.for %scan3A_49 = %scan3A_41 to %scan3A_43 step %scan3A_44  : i32 {
        %mul3A_50 = arith.constant 16 : i32
        %mul3A_51 = arith.muli %scan3A_49, %mul3A_50 : i32
        %get3A = arith.index_cast %mul3A_51 : i32 to index
        %get3A_52 = tpu.vector_load %arg6[%get3A] {strides = array<i32>} : memref<128xi32, #tpu.memory_space<vmem>>, vector<16xi32>,
        %get3A_53 = vector.shape_cast %get3A_52 : vector<16xi32> to vector<16xi32>
        %mul3A_54 = arith.constant 16 : i32
        %mul3A_55 = arith.muli %scan3A_49, %mul3A_54 : i32
        %get3A_56 = arith.index_cast %mul3A_55 : i32 to index
        %get3A_57 = tpu.vector_load %arg7[%get3A_56] {strides = array<i32>} : memref<128xi32, #tpu.memory_space<vmem>>, vector<16xi32>,
        %get3A_58 = vector.shape_cast %get3A_57 : vector<16xi32> to vector<16xi32>
        %ne3A = arith.cmpi ne, %get3A_53, %get3A_58 : vector<16xi32>
        %select_n3A = arith.select %ne3A, %get3A_58, %broadcast_in_dim3A_5 : vector<16xi1>, vector<16xi32>
        %mul3A_59 = arith.constant 16 : i32
        %mul3A_60 = arith.muli %scan3A_49, %mul3A_59 : i32
        %swap3A = arith.index_cast %mul3A_60 : i32 to index
        %swap3A_61 = tpu.vector_load %arg8[%swap3A] {strides = array<i32>} : memref<128xi32, #tpu.memory_space<vmem>>, vector<16xi32>,
        %swap3A_62 = vector.shape_cast %swap3A_61 : vector<16xi32> to vector<16xi32>
        %swap3A_63 = vector.shape_cast %select_n3A : vector<16xi32> to vector<16xi32>
        tpu.vector_store %arg8[%swap3A], %swap3A_63 {strides = array<i32>} : memref<128xi32, #tpu.memory_space<vmem>>, vector<16xi32>,
      }
      %scan3A_45 = arith.constant 8 : i32
      %mul3A_46 = arith.constant 80 : i32
      %mul3A_47 = arith.muli %add3A, %mul3A_46 : i32
      %add3A_48 = arith.addi %mul3A_47, %scan3A_34 : i32
      "tpu.region"() ({
        %run_scoped3A = tpu.sem_alloc : memref<!tpu.dma_semaphore, #tpu.memory_space<semaphore_mem>>
        %dma_start3A = arith.constant 0 : i32
        %dma_start3A_49 = tpu.memref_slice %arg4[%add3A_48, %dma_start3A] : memref<2560x128xi32, #tpu.memory_space<hbm>> -> memref<1x128xi32, #tpu.memory_space<hbm>>
        %dma_start3A_50 = tpu.memref_squeeze %dma_start3A_49 : memref<1x128xi32, #tpu.memory_space<hbm>> -> memref<128xi32, #tpu.memory_space<hbm>>
        %dma_start3A_51 = arith.constant 0 : i32
        %dma_start3A_52 = tpu.memref_slice %arg4[%add3A_48, %dma_start3A_51] : memref<2560x128xi32, #tpu.memory_space<hbm>> -> memref<1x128xi32, #tpu.memory_space<hbm>>
        %dma_start3A_53 = tpu.memref_squeeze %dma_start3A_52 : memref<1x128xi32, #tpu.memory_space<hbm>> -> memref<128xi32, #tpu.memory_space<hbm>>
        tpu.enqueue_dma source(%arg8 : memref<128xi32, #tpu.memory_space<vmem>>) target(%dma_start3A_53 : memref<128xi32, #tpu.memory_space<hbm>>) target_semaphore(%run_scoped3A : memref<!tpu.dma_semaphore, #tpu.memory_space<semaphore_mem>>)
        %dma_wait3A = arith.constant 0 : i32
        %dma_wait3A_54 = tpu.memref_slice %arg4[%add3A_48, %dma_wait3A] : memref<2560x128xi32, #tpu.memory_space<hbm>> -> memref<1x128xi32, #tpu.memory_space<hbm>>
        %dma_wait3A_55 = tpu.memref_squeeze %dma_wait3A_54 : memref<1x128xi32, #tpu.memory_space<hbm>> -> memref<128xi32, #tpu.memory_space<hbm>>
        %dma_wait3A_56 = arith.constant 0 : i32
        %dma_wait3A_57 = tpu.memref_slice %arg4[%add3A_48, %dma_wait3A_56] : memref<2560x128xi32, #tpu.memory_space<hbm>> -> memref<1x128xi32, #tpu.memory_space<hbm>>
        %dma_wait3A_58 = tpu.memref_squeeze %dma_wait3A_57 : memref<1x128xi32, #tpu.memory_space<hbm>> -> memref<128xi32, #tpu.memory_space<hbm>>
        tpu.wait_dma2 semaphore(%run_scoped3A : memref<!tpu.dma_semaphore, #tpu.memory_space<semaphore_mem>>) src(%arg8 : memref<128xi32, #tpu.memory_space<vmem>>) dst(%dma_wait3A_58 : memref<128xi32, #tpu.memory_space<hbm>>)
        tpu.yield
      }) : () -> ()
      "tpu.region"() ({
        %run_scoped3A = tpu.sem_alloc : memref<!tpu.dma_semaphore, #tpu.memory_space<semaphore_mem>>
        %dma_start3A = arith.constant 0 : i32
        %dma_start3A_49 = arith.constant 0 : i32
        %dma_start3A_50 = tpu.memref_slice %arg11[%dma_start3A, %dma_start3A_49] : memref<10496x128xf32, #tpu.memory_space<vmem_shared>> -> memref<10496x128xf32, #tpu.memory_space<vmem_shared>>
        tpu.enqueue_indirect_dma source(%arg9 : memref<128x128xf32, #tpu.memory_space<vmem>>) target(%dma_start3A_50 : memref<10496x128xf32, #tpu.memory_space<vmem_shared>>) offsets(%arg8 : memref<128xi32, #tpu.memory_space<vmem>>) semaphore(%run_scoped3A : memref<!tpu.dma_semaphore, #tpu.memory_space<semaphore_mem>>) {add = true}
        %dma_wait3A = arith.constant 0 : i32
        %dma_wait3A_51 = arith.constant 0 : i32
        %dma_wait3A_52 = tpu.memref_slice %arg11[%dma_wait3A, %dma_wait3A_51] : memref<10496x128xf32, #tpu.memory_space<vmem_shared>> -> memref<10496x128xf32, #tpu.memory_space<vmem_shared>>
        tpu.wait_indirect_dma semaphore(%run_scoped3A : memref<!tpu.dma_semaphore, #tpu.memory_space<semaphore_mem>>) src(%arg9 : memref<128x128xf32, #tpu.memory_space<vmem>>) dst(%dma_wait3A_52 : memref<10496x128xf32, #tpu.memory_space<vmem_shared>>)
        tpu.yield
      }) : () -> ()
    }
    %scan3A_28 = arith.constant 80 : i32
    %barrier3A_29 = arith.constant 0 : index
    tpu.barrier barrier_id(%barrier3A_29)
    %mul3A_30 = arith.constant 640 : i32
    %mul3A_31 = arith.muli %arg1, %mul3A_30 : i32
    %mul3A_32 = arith.constant 640 : i32
    %mul3A_33 = arith.muli %arg1, %mul3A_32 : i32
    "tpu.region"() ({
      %run_scoped3A = tpu.sem_alloc : memref<!tpu.dma_semaphore, #tpu.memory_space<semaphore_mem>>
      %dma_start3A = arith.constant 0 : i32
      %dma_start3A_34 = tpu.memref_slice %arg5[%arg0, %mul3A_33, %dma_start3A] : memref<2x10240x128xf32, #tpu.memory_space<hbm>> -> memref<1x640x128xf32, #tpu.memory_space<hbm>>
      %dma_start3A_35 = tpu.memref_squeeze %dma_start3A_34 : memref<1x640x128xf32, #tpu.memory_space<hbm>> -> memref<640x128xf32, #tpu.memory_space<hbm>>
      %dma_start3A_36 = arith.constant 0 : i32
      %dma_start3A_37 = tpu.memref_slice %arg11[%mul3A_31, %dma_start3A_36] : memref<10496x128xf32, #tpu.memory_space<vmem_shared>> -> memref<640x128xf32, #tpu.memory_space<vmem_shared>>
      tpu.enqueue_dma source(%dma_start3A_37 : memref<640x128xf32, #tpu.memory_space<vmem_shared>>) target(%dma_start3A_35 : memref<640x128xf32, #tpu.memory_space<hbm>>) target_semaphore(%run_scoped3A : memref<!tpu.dma_semaphore, #tpu.memory_space<semaphore_mem>>)
      %dma_wait3A = arith.constant 0 : i32
      %dma_wait3A_38 = tpu.memref_slice %arg5[%arg0, %mul3A_33, %dma_wait3A] : memref<2x10240x128xf32, #tpu.memory_space<hbm>> -> memref<1x640x128xf32, #tpu.memory_space<hbm>>
      %dma_wait3A_39 = tpu.memref_squeeze %dma_wait3A_38 : memref<1x640x128xf32, #tpu.memory_space<hbm>> -> memref<640x128xf32, #tpu.memory_space<hbm>>
      %dma_wait3A_40 = arith.constant 0 : i32
      %dma_wait3A_41 = tpu.memref_slice %arg11[%mul3A_31, %dma_wait3A_40] : memref<10496x128xf32, #tpu.memory_space<vmem_shared>> -> memref<640x128xf32, #tpu.memory_space<vmem_shared>>
      tpu.wait_dma2 semaphore(%run_scoped3A : memref<!tpu.dma_semaphore, #tpu.memory_space<semaphore_mem>>) src(%dma_wait3A_41 : memref<640x128xf32, #tpu.memory_space<vmem_shared>>) dst(%dma_wait3A_39 : memref<640x128xf32, #tpu.memory_space<hbm>>)
      tpu.yield
    }) : () -> ()
    return
  }
}

#map = affine_map<(d0, d1) -> (0, 0)>
#map1 = affine_map<(d0, d1) -> (0, 0, 0)>
module attributes {stable_mosaic.version = 14 : i64} {
  func.func @_agg_body(%arg0: i32, %arg1: i32, %arg2: memref<10240x128xf32, #tpu.memory_space<hbm>>, %arg3: memref<2560x128xi32, #tpu.memory_space<hbm>>, %arg4: memref<2560x128xi32, #tpu.memory_space<hbm>>, %arg5: memref<2x10240x128xf32, #tpu.memory_space<hbm>>, %arg6: memref<128xi32, #tpu.memory_space<vmem>>, %arg7: memref<128xi32, #tpu.memory_space<vmem>>, %arg8: memref<128x128xf32, #tpu.memory_space<vmem>>, %arg9: memref<16x128xf32, #tpu.memory_space<vmem>>, %arg10: memref<10496x128xf32, #tpu.memory_space<vmem_shared>>) attributes {dimension_semantics = [#tpu.dimension_semantics<core_parallel>, #tpu.dimension_semantics<subcore_parallel>], iteration_bounds = array<i64: 2, 16>, scalar_prefetch = 0 : i64, scratch_operands = 5 : i64, tpu.core_type = #tpu.core_type<sc_vector_subcore>, window_params = [{transform_indices = #map}, {transform_indices = #map}, {transform_indices = #map}, {transform_indices = #map1}]} {
    %broadcast_in_dim3A = arith.constant 0.000000e+00 : f32
    %broadcast_in_dim3A_0 = vector.broadcast %broadcast_in_dim3A : f32 to vector<16xf32>
    %scan3A = arith.constant 0 : i32
    %scan3A_1 = arith.constant 0 : i32
    %scan3A_2 = arith.constant 16 : i32
    %scan3A_3 = arith.addi %scan3A_1, %scan3A_2 : i32
    %scan3A_4 = arith.constant 1 : i32
    scf.for %scan3A_35 = %scan3A_1 to %scan3A_3 step %scan3A_4  : i32 {
      %swap3A = arith.index_cast %scan3A_35 : i32 to index
      %swap3A_36 = arith.constant 0 : index
      %swap3A_37 = tpu.vector_load %arg9[%swap3A, %swap3A_36] {strides = array<i32>} : memref<16x128xf32, #tpu.memory_space<vmem>>, vector<1x16xf32>,
      %swap3A_38 = vector.shape_cast %swap3A_37 : vector<1x16xf32> to vector<16xf32>
      %swap3A_39 = vector.shape_cast %broadcast_in_dim3A_0 : vector<16xf32> to vector<1x16xf32>
      tpu.vector_store %arg9[%swap3A, %swap3A_36], %swap3A_39 {strides = array<i32>} : memref<16x128xf32, #tpu.memory_space<vmem>>, vector<1x16xf32>,
      %swap3A_40 = arith.index_cast %scan3A_35 : i32 to index
      %swap3A_41 = arith.constant 16 : index
      %swap3A_42 = tpu.vector_load %arg9[%swap3A_40, %swap3A_41] {strides = array<i32>} : memref<16x128xf32, #tpu.memory_space<vmem>>, vector<1x16xf32>,
      %swap3A_43 = vector.shape_cast %swap3A_42 : vector<1x16xf32> to vector<16xf32>
      %swap3A_44 = vector.shape_cast %broadcast_in_dim3A_0 : vector<16xf32> to vector<1x16xf32>
      tpu.vector_store %arg9[%swap3A_40, %swap3A_41], %swap3A_44 {strides = array<i32>} : memref<16x128xf32, #tpu.memory_space<vmem>>, vector<1x16xf32>,
      %swap3A_45 = arith.index_cast %scan3A_35 : i32 to index
      %swap3A_46 = arith.constant 32 : index
      %swap3A_47 = tpu.vector_load %arg9[%swap3A_45, %swap3A_46] {strides = array<i32>} : memref<16x128xf32, #tpu.memory_space<vmem>>, vector<1x16xf32>,
      %swap3A_48 = vector.shape_cast %swap3A_47 : vector<1x16xf32> to vector<16xf32>
      %swap3A_49 = vector.shape_cast %broadcast_in_dim3A_0 : vector<16xf32> to vector<1x16xf32>
      tpu.vector_store %arg9[%swap3A_45, %swap3A_46], %swap3A_49 {strides = array<i32>} : memref<16x128xf32, #tpu.memory_space<vmem>>, vector<1x16xf32>,
      %swap3A_50 = arith.index_cast %scan3A_35 : i32 to index
      %swap3A_51 = arith.constant 48 : index
      %swap3A_52 = tpu.vector_load %arg9[%swap3A_50, %swap3A_51] {strides = array<i32>} : memref<16x128xf32, #tpu.memory_space<vmem>>, vector<1x16xf32>,
      %swap3A_53 = vector.shape_cast %swap3A_52 : vector<1x16xf32> to vector<16xf32>
      %swap3A_54 = vector.shape_cast %broadcast_in_dim3A_0 : vector<16xf32> to vector<1x16xf32>
      tpu.vector_store %arg9[%swap3A_50, %swap3A_51], %swap3A_54 {strides = array<i32>} : memref<16x128xf32, #tpu.memory_space<vmem>>, vector<1x16xf32>,
      %swap3A_55 = arith.index_cast %scan3A_35 : i32 to index
      %swap3A_56 = arith.constant 64 : index
      %swap3A_57 = tpu.vector_load %arg9[%swap3A_55, %swap3A_56] {strides = array<i32>} : memref<16x128xf32, #tpu.memory_space<vmem>>, vector<1x16xf32>,
      %swap3A_58 = vector.shape_cast %swap3A_57 : vector<1x16xf32> to vector<16xf32>
      %swap3A_59 = vector.shape_cast %broadcast_in_dim3A_0 : vector<16xf32> to vector<1x16xf32>
      tpu.vector_store %arg9[%swap3A_55, %swap3A_56], %swap3A_59 {strides = array<i32>} : memref<16x128xf32, #tpu.memory_space<vmem>>, vector<1x16xf32>,
      %swap3A_60 = arith.index_cast %scan3A_35 : i32 to index
      %swap3A_61 = arith.constant 80 : index
      %swap3A_62 = tpu.vector_load %arg9[%swap3A_60, %swap3A_61] {strides = array<i32>} : memref<16x128xf32, #tpu.memory_space<vmem>>, vector<1x16xf32>,
      %swap3A_63 = vector.shape_cast %swap3A_62 : vector<1x16xf32> to vector<16xf32>
      %swap3A_64 = vector.shape_cast %broadcast_in_dim3A_0 : vector<16xf32> to vector<1x16xf32>
      tpu.vector_store %arg9[%swap3A_60, %swap3A_61], %swap3A_64 {strides = array<i32>} : memref<16x128xf32, #tpu.memory_space<vmem>>, vector<1x16xf32>,
      %swap3A_65 = arith.index_cast %scan3A_35 : i32 to index
      %swap3A_66 = arith.constant 96 : index
      %swap3A_67 = tpu.vector_load %arg9[%swap3A_65, %swap3A_66] {strides = array<i32>} : memref<16x128xf32, #tpu.memory_space<vmem>>, vector<1x16xf32>,
      %swap3A_68 = vector.shape_cast %swap3A_67 : vector<1x16xf32> to vector<16xf32>
      %swap3A_69 = vector.shape_cast %broadcast_in_dim3A_0 : vector<16xf32> to vector<1x16xf32>
      tpu.vector_store %arg9[%swap3A_65, %swap3A_66], %swap3A_69 {strides = array<i32>} : memref<16x128xf32, #tpu.memory_space<vmem>>, vector<1x16xf32>,
      %swap3A_70 = arith.index_cast %scan3A_35 : i32 to index
      %swap3A_71 = arith.constant 112 : index
      %swap3A_72 = tpu.vector_load %arg9[%swap3A_70, %swap3A_71] {strides = array<i32>} : memref<16x128xf32, #tpu.memory_space<vmem>>, vector<1x16xf32>,
      %swap3A_73 = vector.shape_cast %swap3A_72 : vector<1x16xf32> to vector<16xf32>
      %swap3A_74 = vector.shape_cast %broadcast_in_dim3A_0 : vector<16xf32> to vector<1x16xf32>
      tpu.vector_store %arg9[%swap3A_70, %swap3A_71], %swap3A_74 {strides = array<i32>} : memref<16x128xf32, #tpu.memory_space<vmem>>, vector<1x16xf32>,
    }
    %scan3A_5 = arith.constant 16 : i32
    %scan3A_6 = arith.constant 0 : i32
    %scan3A_7 = arith.constant 0 : i32
    %scan3A_8 = arith.constant 41 : i32
    %scan3A_9 = arith.addi %scan3A_7, %scan3A_8 : i32
    %scan3A_10 = arith.constant 1 : i32
    scf.for %scan3A_35 = %scan3A_7 to %scan3A_9 step %scan3A_10  : i32 {
      %mul3A_36 = arith.constant 656 : i32
      %mul3A_37 = arith.muli %arg1, %mul3A_36 : i32
      %mul3A_38 = arith.constant 16 : i32
      %mul3A_39 = arith.muli %scan3A_35, %mul3A_38 : i32
      %add3A_40 = arith.addi %mul3A_37, %mul3A_39 : i32
      "tpu.region"() ({
        %run_scoped3A = tpu.sem_alloc : memref<!tpu.dma_semaphore, #tpu.memory_space<semaphore_mem>>
        %dma_start3A = arith.constant 0 : i32
        %dma_start3A_41 = tpu.memref_slice %arg10[%add3A_40, %dma_start3A] : memref<10496x128xf32, #tpu.memory_space<vmem_shared>> -> memref<16x128xf32, #tpu.memory_space<vmem_shared>>
        %dma_start3A_42 = arith.constant 0 : i32
        %dma_start3A_43 = tpu.memref_slice %arg10[%add3A_40, %dma_start3A_42] : memref<10496x128xf32, #tpu.memory_space<vmem_shared>> -> memref<16x128xf32, #tpu.memory_space<vmem_shared>>
        tpu.enqueue_dma source(%arg9 : memref<16x128xf32, #tpu.memory_space<vmem>>) target(%dma_start3A_43 : memref<16x128xf32, #tpu.memory_space<vmem_shared>>) target_semaphore(%run_scoped3A : memref<!tpu.dma_semaphore, #tpu.memory_space<semaphore_mem>>)
        %dma_wait3A = arith.constant 0 : i32
        %dma_wait3A_44 = tpu.memref_slice %arg10[%add3A_40, %dma_wait3A] : memref<10496x128xf32, #tpu.memory_space<vmem_shared>> -> memref<16x128xf32, #tpu.memory_space<vmem_shared>>
        %dma_wait3A_45 = arith.constant 0 : i32
        %dma_wait3A_46 = tpu.memref_slice %arg10[%add3A_40, %dma_wait3A_45] : memref<10496x128xf32, #tpu.memory_space<vmem_shared>> -> memref<16x128xf32, #tpu.memory_space<vmem_shared>>
        tpu.wait_dma2 semaphore(%run_scoped3A : memref<!tpu.dma_semaphore, #tpu.memory_space<semaphore_mem>>) src(%arg9 : memref<16x128xf32, #tpu.memory_space<vmem>>) dst(%dma_wait3A_46 : memref<16x128xf32, #tpu.memory_space<vmem_shared>>)
        tpu.yield
      }) : () -> ()
    }
    %scan3A_11 = arith.constant 41 : i32
    %barrier3A = arith.constant 0 : index
    tpu.barrier barrier_id(%barrier3A)
    %eq3A = arith.constant 0 : i32
    %eq3A_12 = arith.cmpi eq, %arg0, %eq3A : i32
    %jit3A = arith.constant 134 : i32
    %jit3A_13 = arith.constant 26 : i32
    %select_n3A = arith.select %eq3A_12, %jit3A, %jit3A_13 : i32
    %eq3A_14 = arith.constant 0 : i32
    %eq3A_15 = arith.cmpi eq, %arg0, %eq3A_14 : i32
    %mul3A = arith.constant 134 : i32
    %mul3A_16 = arith.muli %arg1, %mul3A : i32
    %mul3A_17 = arith.constant 26 : i32
    %mul3A_18 = arith.muli %arg1, %mul3A_17 : i32
    %add3A = arith.constant 2144 : i32
    %add3A_19 = arith.addi %add3A, %mul3A_18 : i32
    %select_n3A_20 = arith.select %eq3A_15, %mul3A_16, %add3A_19 : i32
    %while3A = arith.constant 0 : i32
    %while3A_21 = arith.constant 0 : i32
    %while3A_22 = arith.subi %select_n3A, %while3A_21 : i32
    %while3A_23 = arith.addi %while3A_21, %while3A_22 : i32
    %while3A_24 = arith.constant 1 : i32
    %while3A_25 = arith.divsi %while3A_22, %while3A_24 : i32
    %while3A_26 = arith.muli %while3A_25, %while3A_24 : i32
    %while3A_27 = arith.addi %while3A_21, %while3A_26 : i32
    %while3A_28 = arith.constant 1 : i32
    scf.for %while3A_35 = %while3A_21 to %while3A_27 step %while3A_28  : i32 {
      %add3A_36 = arith.addi %select_n3A_20, %while3A_35 : i32
      "tpu.region"() ({
        %run_scoped3A = tpu.sem_alloc : memref<!tpu.dma_semaphore, #tpu.memory_space<semaphore_mem>>
        %dma_start3A = arith.constant 0 : i32
        %dma_start3A_38 = tpu.memref_slice %arg3[%add3A_36, %dma_start3A] : memref<2560x128xi32, #tpu.memory_space<hbm>> -> memref<1x128xi32, #tpu.memory_space<hbm>>
        %dma_start3A_39 = tpu.memref_squeeze %dma_start3A_38 : memref<1x128xi32, #tpu.memory_space<hbm>> -> memref<128xi32, #tpu.memory_space<hbm>>
        %dma_start3A_40 = arith.constant 0 : i32
        %dma_start3A_41 = tpu.memref_slice %arg3[%add3A_36, %dma_start3A_40] : memref<2560x128xi32, #tpu.memory_space<hbm>> -> memref<1x128xi32, #tpu.memory_space<hbm>>
        %dma_start3A_42 = tpu.memref_squeeze %dma_start3A_41 : memref<1x128xi32, #tpu.memory_space<hbm>> -> memref<128xi32, #tpu.memory_space<hbm>>
        tpu.enqueue_dma source(%dma_start3A_42 : memref<128xi32, #tpu.memory_space<hbm>>) target(%arg6 : memref<128xi32, #tpu.memory_space<vmem>>) target_semaphore(%run_scoped3A : memref<!tpu.dma_semaphore, #tpu.memory_space<semaphore_mem>>)
        %dma_wait3A = arith.constant 0 : i32
        %dma_wait3A_43 = tpu.memref_slice %arg3[%add3A_36, %dma_wait3A] : memref<2560x128xi32, #tpu.memory_space<hbm>> -> memref<1x128xi32, #tpu.memory_space<hbm>>
        %dma_wait3A_44 = tpu.memref_squeeze %dma_wait3A_43 : memref<1x128xi32, #tpu.memory_space<hbm>> -> memref<128xi32, #tpu.memory_space<hbm>>
        %dma_wait3A_45 = arith.constant 0 : i32
        %dma_wait3A_46 = tpu.memref_slice %arg3[%add3A_36, %dma_wait3A_45] : memref<2560x128xi32, #tpu.memory_space<hbm>> -> memref<1x128xi32, #tpu.memory_space<hbm>>
        %dma_wait3A_47 = tpu.memref_squeeze %dma_wait3A_46 : memref<1x128xi32, #tpu.memory_space<hbm>> -> memref<128xi32, #tpu.memory_space<hbm>>
        tpu.wait_dma2 semaphore(%run_scoped3A : memref<!tpu.dma_semaphore, #tpu.memory_space<semaphore_mem>>) src(%dma_wait3A_47 : memref<128xi32, #tpu.memory_space<hbm>>) dst(%arg6 : memref<128xi32, #tpu.memory_space<vmem>>)
        tpu.yield
      }) : () -> ()
      %add3A_37 = arith.addi %select_n3A_20, %while3A_35 : i32
      "tpu.region"() ({
        %run_scoped3A = tpu.sem_alloc : memref<!tpu.dma_semaphore, #tpu.memory_space<semaphore_mem>>
        %dma_start3A = arith.constant 0 : i32
        %dma_start3A_38 = tpu.memref_slice %arg4[%add3A_37, %dma_start3A] : memref<2560x128xi32, #tpu.memory_space<hbm>> -> memref<1x128xi32, #tpu.memory_space<hbm>>
        %dma_start3A_39 = tpu.memref_squeeze %dma_start3A_38 : memref<1x128xi32, #tpu.memory_space<hbm>> -> memref<128xi32, #tpu.memory_space<hbm>>
        %dma_start3A_40 = arith.constant 0 : i32
        %dma_start3A_41 = tpu.memref_slice %arg4[%add3A_37, %dma_start3A_40] : memref<2560x128xi32, #tpu.memory_space<hbm>> -> memref<1x128xi32, #tpu.memory_space<hbm>>
        %dma_start3A_42 = tpu.memref_squeeze %dma_start3A_41 : memref<1x128xi32, #tpu.memory_space<hbm>> -> memref<128xi32, #tpu.memory_space<hbm>>
        tpu.enqueue_dma source(%dma_start3A_42 : memref<128xi32, #tpu.memory_space<hbm>>) target(%arg7 : memref<128xi32, #tpu.memory_space<vmem>>) target_semaphore(%run_scoped3A : memref<!tpu.dma_semaphore, #tpu.memory_space<semaphore_mem>>)
        %dma_wait3A = arith.constant 0 : i32
        %dma_wait3A_43 = tpu.memref_slice %arg4[%add3A_37, %dma_wait3A] : memref<2560x128xi32, #tpu.memory_space<hbm>> -> memref<1x128xi32, #tpu.memory_space<hbm>>
        %dma_wait3A_44 = tpu.memref_squeeze %dma_wait3A_43 : memref<1x128xi32, #tpu.memory_space<hbm>> -> memref<128xi32, #tpu.memory_space<hbm>>
        %dma_wait3A_45 = arith.constant 0 : i32
        %dma_wait3A_46 = tpu.memref_slice %arg4[%add3A_37, %dma_wait3A_45] : memref<2560x128xi32, #tpu.memory_space<hbm>> -> memref<1x128xi32, #tpu.memory_space<hbm>>
        %dma_wait3A_47 = tpu.memref_squeeze %dma_wait3A_46 : memref<1x128xi32, #tpu.memory_space<hbm>> -> memref<128xi32, #tpu.memory_space<hbm>>
        tpu.wait_dma2 semaphore(%run_scoped3A : memref<!tpu.dma_semaphore, #tpu.memory_space<semaphore_mem>>) src(%dma_wait3A_47 : memref<128xi32, #tpu.memory_space<hbm>>) dst(%arg7 : memref<128xi32, #tpu.memory_space<vmem>>)
        tpu.yield
      }) : () -> ()
      "tpu.region"() ({
        %run_scoped3A = tpu.sem_alloc : memref<!tpu.dma_semaphore, #tpu.memory_space<semaphore_mem>>
        %dma_start3A = arith.constant 0 : i32
        %dma_start3A_38 = arith.constant 0 : i32
        %dma_start3A_39 = tpu.memref_slice %arg2[%dma_start3A, %dma_start3A_38] : memref<10240x128xf32, #tpu.memory_space<hbm>> -> memref<10240x128xf32, #tpu.memory_space<hbm>>
        tpu.enqueue_indirect_dma source(%dma_start3A_39 : memref<10240x128xf32, #tpu.memory_space<hbm>>) target(%arg8 : memref<128x128xf32, #tpu.memory_space<vmem>>) offsets(%arg6 : memref<128xi32, #tpu.memory_space<vmem>>) semaphore(%run_scoped3A : memref<!tpu.dma_semaphore, #tpu.memory_space<semaphore_mem>>)
        %dma_wait3A = arith.constant 0 : i32
        %dma_wait3A_40 = arith.constant 0 : i32
        %dma_wait3A_41 = tpu.memref_slice %arg2[%dma_wait3A, %dma_wait3A_40] : memref<10240x128xf32, #tpu.memory_space<hbm>> -> memref<10240x128xf32, #tpu.memory_space<hbm>>
        tpu.wait_indirect_dma semaphore(%run_scoped3A : memref<!tpu.dma_semaphore, #tpu.memory_space<semaphore_mem>>) src(%dma_wait3A_41 : memref<10240x128xf32, #tpu.memory_space<hbm>>) dst(%arg8 : memref<128x128xf32, #tpu.memory_space<vmem>>)
        tpu.yield
      }) : () -> ()
      "tpu.region"() ({
        %run_scoped3A = tpu.sem_alloc : memref<!tpu.dma_semaphore, #tpu.memory_space<semaphore_mem>>
        %dma_start3A = arith.constant 0 : i32
        %dma_start3A_38 = arith.constant 0 : i32
        %dma_start3A_39 = tpu.memref_slice %arg10[%dma_start3A, %dma_start3A_38] : memref<10496x128xf32, #tpu.memory_space<vmem_shared>> -> memref<10496x128xf32, #tpu.memory_space<vmem_shared>>
        tpu.enqueue_indirect_dma source(%arg8 : memref<128x128xf32, #tpu.memory_space<vmem>>) target(%dma_start3A_39 : memref<10496x128xf32, #tpu.memory_space<vmem_shared>>) offsets(%arg7 : memref<128xi32, #tpu.memory_space<vmem>>) semaphore(%run_scoped3A : memref<!tpu.dma_semaphore, #tpu.memory_space<semaphore_mem>>) {add = true}
        %dma_wait3A = arith.constant 0 : i32
        %dma_wait3A_40 = arith.constant 0 : i32
        %dma_wait3A_41 = tpu.memref_slice %arg10[%dma_wait3A, %dma_wait3A_40] : memref<10496x128xf32, #tpu.memory_space<vmem_shared>> -> memref<10496x128xf32, #tpu.memory_space<vmem_shared>>
        tpu.wait_indirect_dma semaphore(%run_scoped3A : memref<!tpu.dma_semaphore, #tpu.memory_space<semaphore_mem>>) src(%arg8 : memref<128x128xf32, #tpu.memory_space<vmem>>) dst(%dma_wait3A_41 : memref<10496x128xf32, #tpu.memory_space<vmem_shared>>)
        tpu.yield
      }) : () -> ()
    }
    %while3A_29 = arith.constant 1 : i32
    scf.for %while3A_35 = %while3A_27 to %while3A_23 step %while3A_29  : i32 {
      %add3A_36 = arith.addi %select_n3A_20, %while3A_35 : i32
      "tpu.region"() ({
        %run_scoped3A = tpu.sem_alloc : memref<!tpu.dma_semaphore, #tpu.memory_space<semaphore_mem>>
        %dma_start3A = arith.constant 0 : i32
        %dma_start3A_38 = tpu.memref_slice %arg3[%add3A_36, %dma_start3A] : memref<2560x128xi32, #tpu.memory_space<hbm>> -> memref<1x128xi32, #tpu.memory_space<hbm>>
        %dma_start3A_39 = tpu.memref_squeeze %dma_start3A_38 : memref<1x128xi32, #tpu.memory_space<hbm>> -> memref<128xi32, #tpu.memory_space<hbm>>
        %dma_start3A_40 = arith.constant 0 : i32
        %dma_start3A_41 = tpu.memref_slice %arg3[%add3A_36, %dma_start3A_40] : memref<2560x128xi32, #tpu.memory_space<hbm>> -> memref<1x128xi32, #tpu.memory_space<hbm>>
        %dma_start3A_42 = tpu.memref_squeeze %dma_start3A_41 : memref<1x128xi32, #tpu.memory_space<hbm>> -> memref<128xi32, #tpu.memory_space<hbm>>
        tpu.enqueue_dma source(%dma_start3A_42 : memref<128xi32, #tpu.memory_space<hbm>>) target(%arg6 : memref<128xi32, #tpu.memory_space<vmem>>) target_semaphore(%run_scoped3A : memref<!tpu.dma_semaphore, #tpu.memory_space<semaphore_mem>>)
        %dma_wait3A = arith.constant 0 : i32
        %dma_wait3A_43 = tpu.memref_slice %arg3[%add3A_36, %dma_wait3A] : memref<2560x128xi32, #tpu.memory_space<hbm>> -> memref<1x128xi32, #tpu.memory_space<hbm>>
        %dma_wait3A_44 = tpu.memref_squeeze %dma_wait3A_43 : memref<1x128xi32, #tpu.memory_space<hbm>> -> memref<128xi32, #tpu.memory_space<hbm>>
        %dma_wait3A_45 = arith.constant 0 : i32
        %dma_wait3A_46 = tpu.memref_slice %arg3[%add3A_36, %dma_wait3A_45] : memref<2560x128xi32, #tpu.memory_space<hbm>> -> memref<1x128xi32, #tpu.memory_space<hbm>>
        %dma_wait3A_47 = tpu.memref_squeeze %dma_wait3A_46 : memref<1x128xi32, #tpu.memory_space<hbm>> -> memref<128xi32, #tpu.memory_space<hbm>>
        tpu.wait_dma2 semaphore(%run_scoped3A : memref<!tpu.dma_semaphore, #tpu.memory_space<semaphore_mem>>) src(%dma_wait3A_47 : memref<128xi32, #tpu.memory_space<hbm>>) dst(%arg6 : memref<128xi32, #tpu.memory_space<vmem>>)
        tpu.yield
      }) : () -> ()
      %add3A_37 = arith.addi %select_n3A_20, %while3A_35 : i32
      "tpu.region"() ({
        %run_scoped3A = tpu.sem_alloc : memref<!tpu.dma_semaphore, #tpu.memory_space<semaphore_mem>>
        %dma_start3A = arith.constant 0 : i32
        %dma_start3A_38 = tpu.memref_slice %arg4[%add3A_37, %dma_start3A] : memref<2560x128xi32, #tpu.memory_space<hbm>> -> memref<1x128xi32, #tpu.memory_space<hbm>>
        %dma_start3A_39 = tpu.memref_squeeze %dma_start3A_38 : memref<1x128xi32, #tpu.memory_space<hbm>> -> memref<128xi32, #tpu.memory_space<hbm>>
        %dma_start3A_40 = arith.constant 0 : i32
        %dma_start3A_41 = tpu.memref_slice %arg4[%add3A_37, %dma_start3A_40] : memref<2560x128xi32, #tpu.memory_space<hbm>> -> memref<1x128xi32, #tpu.memory_space<hbm>>
        %dma_start3A_42 = tpu.memref_squeeze %dma_start3A_41 : memref<1x128xi32, #tpu.memory_space<hbm>> -> memref<128xi32, #tpu.memory_space<hbm>>
        tpu.enqueue_dma source(%dma_start3A_42 : memref<128xi32, #tpu.memory_space<hbm>>) target(%arg7 : memref<128xi32, #tpu.memory_space<vmem>>) target_semaphore(%run_scoped3A : memref<!tpu.dma_semaphore, #tpu.memory_space<semaphore_mem>>)
        %dma_wait3A = arith.constant 0 : i32
        %dma_wait3A_43 = tpu.memref_slice %arg4[%add3A_37, %dma_wait3A] : memref<2560x128xi32, #tpu.memory_space<hbm>> -> memref<1x128xi32, #tpu.memory_space<hbm>>
        %dma_wait3A_44 = tpu.memref_squeeze %dma_wait3A_43 : memref<1x128xi32, #tpu.memory_space<hbm>> -> memref<128xi32, #tpu.memory_space<hbm>>
        %dma_wait3A_45 = arith.constant 0 : i32
        %dma_wait3A_46 = tpu.memref_slice %arg4[%add3A_37, %dma_wait3A_45] : memref<2560x128xi32, #tpu.memory_space<hbm>> -> memref<1x128xi32, #tpu.memory_space<hbm>>
        %dma_wait3A_47 = tpu.memref_squeeze %dma_wait3A_46 : memref<1x128xi32, #tpu.memory_space<hbm>> -> memref<128xi32, #tpu.memory_space<hbm>>
        tpu.wait_dma2 semaphore(%run_scoped3A : memref<!tpu.dma_semaphore, #tpu.memory_space<semaphore_mem>>) src(%dma_wait3A_47 : memref<128xi32, #tpu.memory_space<hbm>>) dst(%arg7 : memref<128xi32, #tpu.memory_space<vmem>>)
        tpu.yield
      }) : () -> ()
      "tpu.region"() ({
        %run_scoped3A = tpu.sem_alloc : memref<!tpu.dma_semaphore, #tpu.memory_space<semaphore_mem>>
        %dma_start3A = arith.constant 0 : i32
        %dma_start3A_38 = arith.constant 0 : i32
        %dma_start3A_39 = tpu.memref_slice %arg2[%dma_start3A, %dma_start3A_38] : memref<10240x128xf32, #tpu.memory_space<hbm>> -> memref<10240x128xf32, #tpu.memory_space<hbm>>
        tpu.enqueue_indirect_dma source(%dma_start3A_39 : memref<10240x128xf32, #tpu.memory_space<hbm>>) target(%arg8 : memref<128x128xf32, #tpu.memory_space<vmem>>) offsets(%arg6 : memref<128xi32, #tpu.memory_space<vmem>>) semaphore(%run_scoped3A : memref<!tpu.dma_semaphore, #tpu.memory_space<semaphore_mem>>)
        %dma_wait3A = arith.constant 0 : i32
        %dma_wait3A_40 = arith.constant 0 : i32
        %dma_wait3A_41 = tpu.memref_slice %arg2[%dma_wait3A, %dma_wait3A_40] : memref<10240x128xf32, #tpu.memory_space<hbm>> -> memref<10240x128xf32, #tpu.memory_space<hbm>>
        tpu.wait_indirect_dma semaphore(%run_scoped3A : memref<!tpu.dma_semaphore, #tpu.memory_space<semaphore_mem>>) src(%dma_wait3A_41 : memref<10240x128xf32, #tpu.memory_space<hbm>>) dst(%arg8 : memref<128x128xf32, #tpu.memory_space<vmem>>)
        tpu.yield
      }) : () -> ()
      "tpu.region"() ({
        %run_scoped3A = tpu.sem_alloc : memref<!tpu.dma_semaphore, #tpu.memory_space<semaphore_mem>>
        %dma_start3A = arith.constant 0 : i32
        %dma_start3A_38 = arith.constant 0 : i32
        %dma_start3A_39 = tpu.memref_slice %arg10[%dma_start3A, %dma_start3A_38] : memref<10496x128xf32, #tpu.memory_space<vmem_shared>> -> memref<10496x128xf32, #tpu.memory_space<vmem_shared>>
        tpu.enqueue_indirect_dma source(%arg8 : memref<128x128xf32, #tpu.memory_space<vmem>>) target(%dma_start3A_39 : memref<10496x128xf32, #tpu.memory_space<vmem_shared>>) offsets(%arg7 : memref<128xi32, #tpu.memory_space<vmem>>) semaphore(%run_scoped3A : memref<!tpu.dma_semaphore, #tpu.memory_space<semaphore_mem>>) {add = true}
        %dma_wait3A = arith.constant 0 : i32
        %dma_wait3A_40 = arith.constant 0 : i32
        %dma_wait3A_41 = tpu.memref_slice %arg10[%dma_wait3A, %dma_wait3A_40] : memref<10496x128xf32, #tpu.memory_space<vmem_shared>> -> memref<10496x128xf32, #tpu.memory_space<vmem_shared>>
        tpu.wait_indirect_dma semaphore(%run_scoped3A : memref<!tpu.dma_semaphore, #tpu.memory_space<semaphore_mem>>) src(%arg8 : memref<128x128xf32, #tpu.memory_space<vmem>>) dst(%dma_wait3A_41 : memref<10496x128xf32, #tpu.memory_space<vmem_shared>>)
        tpu.yield
      }) : () -> ()
    }
    %barrier3A_30 = arith.constant 0 : index
    tpu.barrier barrier_id(%barrier3A_30)
    %mul3A_31 = arith.constant 640 : i32
    %mul3A_32 = arith.muli %arg1, %mul3A_31 : i32
    %mul3A_33 = arith.constant 640 : i32
    %mul3A_34 = arith.muli %arg1, %mul3A_33 : i32
    "tpu.region"() ({
      %run_scoped3A = tpu.sem_alloc : memref<!tpu.dma_semaphore, #tpu.memory_space<semaphore_mem>>
      %dma_start3A = arith.constant 0 : i32
      %dma_start3A_35 = tpu.memref_slice %arg5[%arg0, %mul3A_34, %dma_start3A] : memref<2x10240x128xf32, #tpu.memory_space<hbm>> -> memref<1x640x128xf32, #tpu.memory_space<hbm>>
      %dma_start3A_36 = tpu.memref_squeeze %dma_start3A_35 : memref<1x640x128xf32, #tpu.memory_space<hbm>> -> memref<640x128xf32, #tpu.memory_space<hbm>>
      %dma_start3A_37 = arith.constant 0 : i32
      %dma_start3A_38 = tpu.memref_slice %arg10[%mul3A_32, %dma_start3A_37] : memref<10496x128xf32, #tpu.memory_space<vmem_shared>> -> memref<640x128xf32, #tpu.memory_space<vmem_shared>>
      tpu.enqueue_dma source(%dma_start3A_38 : memref<640x128xf32, #tpu.memory_space<vmem_shared>>) target(%dma_start3A_36 : memref<640x128xf32, #tpu.memory_space<hbm>>) target_semaphore(%run_scoped3A : memref<!tpu.dma_semaphore, #tpu.memory_space<semaphore_mem>>)
      %dma_wait3A = arith.constant 0 : i32
      %dma_wait3A_39 = tpu.memref_slice %arg5[%arg0, %mul3A_34, %dma_wait3A] : memref<2x10240x128xf32, #tpu.memory_space<hbm>> -> memref<1x640x128xf32, #tpu.memory_space<hbm>>
      %dma_wait3A_40 = tpu.memref_squeeze %dma_wait3A_39 : memref<1x640x128xf32, #tpu.memory_space<hbm>> -> memref<640x128xf32, #tpu.memory_space<hbm>>
      %dma_wait3A_41 = arith.constant 0 : i32
      %dma_wait3A_42 = tpu.memref_slice %arg10[%mul3A_32, %dma_wait3A_41] : memref<10496x128xf32, #tpu.memory_space<vmem_shared>> -> memref<640x128xf32, #tpu.memory_space<vmem_shared>>
      tpu.wait_dma2 semaphore(%run_scoped3A : memref<!tpu.dma_semaphore, #tpu.memory_space<semaphore_mem>>) src(%dma_wait3A_42 : memref<640x128xf32, #tpu.memory_space<vmem_shared>>) dst(%dma_wait3A_40 : memref<640x128xf32, #tpu.memory_space<hbm>>)
      tpu.yield
    }) : () -> ()
    return
  }
}

#map = affine_map<(d0, d1) -> (0, 0)>
#map1 = affine_map<(d0, d1) -> (0, 0, 0)>
module attributes {stable_mosaic.version = 14 : i64} {
  func.func @_agg_body(%arg0: i32, %arg1: i32, %arg2: memref<10240x128xf32, #tpu.memory_space<hbm>>, %arg3: memref<2560x128xi32, #tpu.memory_space<hbm>>, %arg4: memref<2560x128xi32, #tpu.memory_space<hbm>>, %arg5: memref<2x10240x128xf32, #tpu.memory_space<hbm>>, %arg6: memref<128xi32, #tpu.memory_space<vmem>>, %arg7: memref<128xi32, #tpu.memory_space<vmem>>, %arg8: memref<128x128xf32, #tpu.memory_space<vmem>>, %arg9: memref<16x128xf32, #tpu.memory_space<vmem>>, %arg10: memref<10496x128xf32, #tpu.memory_space<vmem_shared>>) attributes {dimension_semantics = [#tpu.dimension_semantics<core_parallel>, #tpu.dimension_semantics<subcore_parallel>], iteration_bounds = array<i64: 2, 16>, scalar_prefetch = 0 : i64, scratch_operands = 5 : i64, tpu.core_type = #tpu.core_type<sc_vector_subcore>, window_params = [{transform_indices = #map}, {transform_indices = #map}, {transform_indices = #map}, {transform_indices = #map1}]} {
    %broadcast_in_dim3A = arith.constant 0.000000e+00 : f32
    %broadcast_in_dim3A_0 = vector.broadcast %broadcast_in_dim3A : f32 to vector<16xf32>
    %scan3A = arith.constant 0 : i32
    %scan3A_1 = arith.constant 0 : i32
    %scan3A_2 = arith.constant 16 : i32
    %scan3A_3 = arith.addi %scan3A_1, %scan3A_2 : i32
    %scan3A_4 = arith.constant 1 : i32
    scf.for %scan3A_35 = %scan3A_1 to %scan3A_3 step %scan3A_4  : i32 {
      %swap3A = arith.index_cast %scan3A_35 : i32 to index
      %swap3A_36 = arith.constant 0 : index
      %swap3A_37 = tpu.vector_load %arg9[%swap3A, %swap3A_36] {strides = array<i32>} : memref<16x128xf32, #tpu.memory_space<vmem>>, vector<1x16xf32>,
      %swap3A_38 = vector.shape_cast %swap3A_37 : vector<1x16xf32> to vector<16xf32>
      %swap3A_39 = vector.shape_cast %broadcast_in_dim3A_0 : vector<16xf32> to vector<1x16xf32>
      tpu.vector_store %arg9[%swap3A, %swap3A_36], %swap3A_39 {strides = array<i32>} : memref<16x128xf32, #tpu.memory_space<vmem>>, vector<1x16xf32>,
      %swap3A_40 = arith.index_cast %scan3A_35 : i32 to index
      %swap3A_41 = arith.constant 16 : index
      %swap3A_42 = tpu.vector_load %arg9[%swap3A_40, %swap3A_41] {strides = array<i32>} : memref<16x128xf32, #tpu.memory_space<vmem>>, vector<1x16xf32>,
      %swap3A_43 = vector.shape_cast %swap3A_42 : vector<1x16xf32> to vector<16xf32>
      %swap3A_44 = vector.shape_cast %broadcast_in_dim3A_0 : vector<16xf32> to vector<1x16xf32>
      tpu.vector_store %arg9[%swap3A_40, %swap3A_41], %swap3A_44 {strides = array<i32>} : memref<16x128xf32, #tpu.memory_space<vmem>>, vector<1x16xf32>,
      %swap3A_45 = arith.index_cast %scan3A_35 : i32 to index
      %swap3A_46 = arith.constant 32 : index
      %swap3A_47 = tpu.vector_load %arg9[%swap3A_45, %swap3A_46] {strides = array<i32>} : memref<16x128xf32, #tpu.memory_space<vmem>>, vector<1x16xf32>,
      %swap3A_48 = vector.shape_cast %swap3A_47 : vector<1x16xf32> to vector<16xf32>
      %swap3A_49 = vector.shape_cast %broadcast_in_dim3A_0 : vector<16xf32> to vector<1x16xf32>
      tpu.vector_store %arg9[%swap3A_45, %swap3A_46], %swap3A_49 {strides = array<i32>} : memref<16x128xf32, #tpu.memory_space<vmem>>, vector<1x16xf32>,
      %swap3A_50 = arith.index_cast %scan3A_35 : i32 to index
      %swap3A_51 = arith.constant 48 : index
      %swap3A_52 = tpu.vector_load %arg9[%swap3A_50, %swap3A_51] {strides = array<i32>} : memref<16x128xf32, #tpu.memory_space<vmem>>, vector<1x16xf32>,
      %swap3A_53 = vector.shape_cast %swap3A_52 : vector<1x16xf32> to vector<16xf32>
      %swap3A_54 = vector.shape_cast %broadcast_in_dim3A_0 : vector<16xf32> to vector<1x16xf32>
      tpu.vector_store %arg9[%swap3A_50, %swap3A_51], %swap3A_54 {strides = array<i32>} : memref<16x128xf32, #tpu.memory_space<vmem>>, vector<1x16xf32>,
      %swap3A_55 = arith.index_cast %scan3A_35 : i32 to index
      %swap3A_56 = arith.constant 64 : index
      %swap3A_57 = tpu.vector_load %arg9[%swap3A_55, %swap3A_56] {strides = array<i32>} : memref<16x128xf32, #tpu.memory_space<vmem>>, vector<1x16xf32>,
      %swap3A_58 = vector.shape_cast %swap3A_57 : vector<1x16xf32> to vector<16xf32>
      %swap3A_59 = vector.shape_cast %broadcast_in_dim3A_0 : vector<16xf32> to vector<1x16xf32>
      tpu.vector_store %arg9[%swap3A_55, %swap3A_56], %swap3A_59 {strides = array<i32>} : memref<16x128xf32, #tpu.memory_space<vmem>>, vector<1x16xf32>,
      %swap3A_60 = arith.index_cast %scan3A_35 : i32 to index
      %swap3A_61 = arith.constant 80 : index
      %swap3A_62 = tpu.vector_load %arg9[%swap3A_60, %swap3A_61] {strides = array<i32>} : memref<16x128xf32, #tpu.memory_space<vmem>>, vector<1x16xf32>,
      %swap3A_63 = vector.shape_cast %swap3A_62 : vector<1x16xf32> to vector<16xf32>
      %swap3A_64 = vector.shape_cast %broadcast_in_dim3A_0 : vector<16xf32> to vector<1x16xf32>
      tpu.vector_store %arg9[%swap3A_60, %swap3A_61], %swap3A_64 {strides = array<i32>} : memref<16x128xf32, #tpu.memory_space<vmem>>, vector<1x16xf32>,
      %swap3A_65 = arith.index_cast %scan3A_35 : i32 to index
      %swap3A_66 = arith.constant 96 : index
      %swap3A_67 = tpu.vector_load %arg9[%swap3A_65, %swap3A_66] {strides = array<i32>} : memref<16x128xf32, #tpu.memory_space<vmem>>, vector<1x16xf32>,
      %swap3A_68 = vector.shape_cast %swap3A_67 : vector<1x16xf32> to vector<16xf32>
      %swap3A_69 = vector.shape_cast %broadcast_in_dim3A_0 : vector<16xf32> to vector<1x16xf32>
      tpu.vector_store %arg9[%swap3A_65, %swap3A_66], %swap3A_69 {strides = array<i32>} : memref<16x128xf32, #tpu.memory_space<vmem>>, vector<1x16xf32>,
      %swap3A_70 = arith.index_cast %scan3A_35 : i32 to index
      %swap3A_71 = arith.constant 112 : index
      %swap3A_72 = tpu.vector_load %arg9[%swap3A_70, %swap3A_71] {strides = array<i32>} : memref<16x128xf32, #tpu.memory_space<vmem>>, vector<1x16xf32>,
      %swap3A_73 = vector.shape_cast %swap3A_72 : vector<1x16xf32> to vector<16xf32>
      %swap3A_74 = vector.shape_cast %broadcast_in_dim3A_0 : vector<16xf32> to vector<1x16xf32>
      tpu.vector_store %arg9[%swap3A_70, %swap3A_71], %swap3A_74 {strides = array<i32>} : memref<16x128xf32, #tpu.memory_space<vmem>>, vector<1x16xf32>,
    }
    %scan3A_5 = arith.constant 16 : i32
    %scan3A_6 = arith.constant 0 : i32
    %scan3A_7 = arith.constant 0 : i32
    %scan3A_8 = arith.constant 41 : i32
    %scan3A_9 = arith.addi %scan3A_7, %scan3A_8 : i32
    %scan3A_10 = arith.constant 1 : i32
    scf.for %scan3A_35 = %scan3A_7 to %scan3A_9 step %scan3A_10  : i32 {
      %mul3A_36 = arith.constant 656 : i32
      %mul3A_37 = arith.muli %arg1, %mul3A_36 : i32
      %mul3A_38 = arith.constant 16 : i32
      %mul3A_39 = arith.muli %scan3A_35, %mul3A_38 : i32
      %add3A_40 = arith.addi %mul3A_37, %mul3A_39 : i32
      "tpu.region"() ({
        %run_scoped3A = tpu.sem_alloc : memref<!tpu.dma_semaphore, #tpu.memory_space<semaphore_mem>>
        %dma_start3A = arith.constant 0 : i32
        %dma_start3A_41 = tpu.memref_slice %arg10[%add3A_40, %dma_start3A] : memref<10496x128xf32, #tpu.memory_space<vmem_shared>> -> memref<16x128xf32, #tpu.memory_space<vmem_shared>>
        %dma_start3A_42 = arith.constant 0 : i32
        %dma_start3A_43 = tpu.memref_slice %arg10[%add3A_40, %dma_start3A_42] : memref<10496x128xf32, #tpu.memory_space<vmem_shared>> -> memref<16x128xf32, #tpu.memory_space<vmem_shared>>
        tpu.enqueue_dma source(%arg9 : memref<16x128xf32, #tpu.memory_space<vmem>>) target(%dma_start3A_43 : memref<16x128xf32, #tpu.memory_space<vmem_shared>>) target_semaphore(%run_scoped3A : memref<!tpu.dma_semaphore, #tpu.memory_space<semaphore_mem>>)
        %dma_wait3A = arith.constant 0 : i32
        %dma_wait3A_44 = tpu.memref_slice %arg10[%add3A_40, %dma_wait3A] : memref<10496x128xf32, #tpu.memory_space<vmem_shared>> -> memref<16x128xf32, #tpu.memory_space<vmem_shared>>
        %dma_wait3A_45 = arith.constant 0 : i32
        %dma_wait3A_46 = tpu.memref_slice %arg10[%add3A_40, %dma_wait3A_45] : memref<10496x128xf32, #tpu.memory_space<vmem_shared>> -> memref<16x128xf32, #tpu.memory_space<vmem_shared>>
        tpu.wait_dma2 semaphore(%run_scoped3A : memref<!tpu.dma_semaphore, #tpu.memory_space<semaphore_mem>>) src(%arg9 : memref<16x128xf32, #tpu.memory_space<vmem>>) dst(%dma_wait3A_46 : memref<16x128xf32, #tpu.memory_space<vmem_shared>>)
        tpu.yield
      }) : () -> ()
    }
    %scan3A_11 = arith.constant 41 : i32
    %barrier3A = arith.constant 0 : index
    tpu.barrier barrier_id(%barrier3A)
    %eq3A = arith.constant 0 : i32
    %eq3A_12 = arith.cmpi eq, %arg0, %eq3A : i32
    %jit3A = arith.constant 134 : i32
    %jit3A_13 = arith.constant 26 : i32
    %select_n3A = arith.select %eq3A_12, %jit3A, %jit3A_13 : i32
    %eq3A_14 = arith.constant 0 : i32
    %eq3A_15 = arith.cmpi eq, %arg0, %eq3A_14 : i32
    %mul3A = arith.constant 134 : i32
    %mul3A_16 = arith.muli %arg1, %mul3A : i32
    %mul3A_17 = arith.constant 26 : i32
    %mul3A_18 = arith.muli %arg1, %mul3A_17 : i32
    %add3A = arith.constant 2144 : i32
    %add3A_19 = arith.addi %add3A, %mul3A_18 : i32
    %select_n3A_20 = arith.select %eq3A_15, %mul3A_16, %add3A_19 : i32
    %while3A = arith.constant 0 : i32
    %while3A_21 = arith.constant 0 : i32
    %while3A_22 = arith.subi %select_n3A, %while3A_21 : i32
    %while3A_23 = arith.addi %while3A_21, %while3A_22 : i32
    %while3A_24 = arith.constant 1 : i32
    %while3A_25 = arith.divsi %while3A_22, %while3A_24 : i32
    %while3A_26 = arith.muli %while3A_25, %while3A_24 : i32
    %while3A_27 = arith.addi %while3A_21, %while3A_26 : i32
    %while3A_28 = arith.constant 1 : i32
    scf.for %while3A_35 = %while3A_21 to %while3A_27 step %while3A_28  : i32 {
      %add3A_36 = arith.addi %select_n3A_20, %while3A_35 : i32
      "tpu.region"() ({
        %run_scoped3A = tpu.sem_alloc : memref<!tpu.dma_semaphore, #tpu.memory_space<semaphore_mem>>
        %dma_start3A = arith.constant 0 : i32
        %dma_start3A_38 = tpu.memref_slice %arg3[%add3A_36, %dma_start3A] : memref<2560x128xi32, #tpu.memory_space<hbm>> -> memref<1x128xi32, #tpu.memory_space<hbm>>
        %dma_start3A_39 = tpu.memref_squeeze %dma_start3A_38 : memref<1x128xi32, #tpu.memory_space<hbm>> -> memref<128xi32, #tpu.memory_space<hbm>>
        %dma_start3A_40 = arith.constant 0 : i32
        %dma_start3A_41 = tpu.memref_slice %arg3[%add3A_36, %dma_start3A_40] : memref<2560x128xi32, #tpu.memory_space<hbm>> -> memref<1x128xi32, #tpu.memory_space<hbm>>
        %dma_start3A_42 = tpu.memref_squeeze %dma_start3A_41 : memref<1x128xi32, #tpu.memory_space<hbm>> -> memref<128xi32, #tpu.memory_space<hbm>>
        tpu.enqueue_dma source(%dma_start3A_42 : memref<128xi32, #tpu.memory_space<hbm>>) target(%arg6 : memref<128xi32, #tpu.memory_space<vmem>>) target_semaphore(%run_scoped3A : memref<!tpu.dma_semaphore, #tpu.memory_space<semaphore_mem>>)
        %dma_wait3A = arith.constant 0 : i32
        %dma_wait3A_43 = tpu.memref_slice %arg3[%add3A_36, %dma_wait3A] : memref<2560x128xi32, #tpu.memory_space<hbm>> -> memref<1x128xi32, #tpu.memory_space<hbm>>
        %dma_wait3A_44 = tpu.memref_squeeze %dma_wait3A_43 : memref<1x128xi32, #tpu.memory_space<hbm>> -> memref<128xi32, #tpu.memory_space<hbm>>
        %dma_wait3A_45 = arith.constant 0 : i32
        %dma_wait3A_46 = tpu.memref_slice %arg3[%add3A_36, %dma_wait3A_45] : memref<2560x128xi32, #tpu.memory_space<hbm>> -> memref<1x128xi32, #tpu.memory_space<hbm>>
        %dma_wait3A_47 = tpu.memref_squeeze %dma_wait3A_46 : memref<1x128xi32, #tpu.memory_space<hbm>> -> memref<128xi32, #tpu.memory_space<hbm>>
        tpu.wait_dma2 semaphore(%run_scoped3A : memref<!tpu.dma_semaphore, #tpu.memory_space<semaphore_mem>>) src(%dma_wait3A_47 : memref<128xi32, #tpu.memory_space<hbm>>) dst(%arg6 : memref<128xi32, #tpu.memory_space<vmem>>)
        tpu.yield
      }) : () -> ()
      %add3A_37 = arith.addi %select_n3A_20, %while3A_35 : i32
      "tpu.region"() ({
        %run_scoped3A = tpu.sem_alloc : memref<!tpu.dma_semaphore, #tpu.memory_space<semaphore_mem>>
        %dma_start3A = arith.constant 0 : i32
        %dma_start3A_38 = tpu.memref_slice %arg4[%add3A_37, %dma_start3A] : memref<2560x128xi32, #tpu.memory_space<hbm>> -> memref<1x128xi32, #tpu.memory_space<hbm>>
        %dma_start3A_39 = tpu.memref_squeeze %dma_start3A_38 : memref<1x128xi32, #tpu.memory_space<hbm>> -> memref<128xi32, #tpu.memory_space<hbm>>
        %dma_start3A_40 = arith.constant 0 : i32
        %dma_start3A_41 = tpu.memref_slice %arg4[%add3A_37, %dma_start3A_40] : memref<2560x128xi32, #tpu.memory_space<hbm>> -> memref<1x128xi32, #tpu.memory_space<hbm>>
        %dma_start3A_42 = tpu.memref_squeeze %dma_start3A_41 : memref<1x128xi32, #tpu.memory_space<hbm>> -> memref<128xi32, #tpu.memory_space<hbm>>
        tpu.enqueue_dma source(%dma_start3A_42 : memref<128xi32, #tpu.memory_space<hbm>>) target(%arg7 : memref<128xi32, #tpu.memory_space<vmem>>) target_semaphore(%run_scoped3A : memref<!tpu.dma_semaphore, #tpu.memory_space<semaphore_mem>>)
        %dma_wait3A = arith.constant 0 : i32
        %dma_wait3A_43 = tpu.memref_slice %arg4[%add3A_37, %dma_wait3A] : memref<2560x128xi32, #tpu.memory_space<hbm>> -> memref<1x128xi32, #tpu.memory_space<hbm>>
        %dma_wait3A_44 = tpu.memref_squeeze %dma_wait3A_43 : memref<1x128xi32, #tpu.memory_space<hbm>> -> memref<128xi32, #tpu.memory_space<hbm>>
        %dma_wait3A_45 = arith.constant 0 : i32
        %dma_wait3A_46 = tpu.memref_slice %arg4[%add3A_37, %dma_wait3A_45] : memref<2560x128xi32, #tpu.memory_space<hbm>> -> memref<1x128xi32, #tpu.memory_space<hbm>>
        %dma_wait3A_47 = tpu.memref_squeeze %dma_wait3A_46 : memref<1x128xi32, #tpu.memory_space<hbm>> -> memref<128xi32, #tpu.memory_space<hbm>>
        tpu.wait_dma2 semaphore(%run_scoped3A : memref<!tpu.dma_semaphore, #tpu.memory_space<semaphore_mem>>) src(%dma_wait3A_47 : memref<128xi32, #tpu.memory_space<hbm>>) dst(%arg7 : memref<128xi32, #tpu.memory_space<vmem>>)
        tpu.yield
      }) : () -> ()
      "tpu.region"() ({
        %run_scoped3A = tpu.sem_alloc : memref<!tpu.dma_semaphore, #tpu.memory_space<semaphore_mem>>
        %dma_start3A = arith.constant 0 : i32
        %dma_start3A_38 = arith.constant 0 : i32
        %dma_start3A_39 = tpu.memref_slice %arg2[%dma_start3A, %dma_start3A_38] : memref<10240x128xf32, #tpu.memory_space<hbm>> -> memref<10240x128xf32, #tpu.memory_space<hbm>>
        tpu.enqueue_indirect_dma source(%dma_start3A_39 : memref<10240x128xf32, #tpu.memory_space<hbm>>) target(%arg8 : memref<128x128xf32, #tpu.memory_space<vmem>>) offsets(%arg6 : memref<128xi32, #tpu.memory_space<vmem>>) semaphore(%run_scoped3A : memref<!tpu.dma_semaphore, #tpu.memory_space<semaphore_mem>>)
        %dma_wait3A = arith.constant 0 : i32
        %dma_wait3A_40 = arith.constant 0 : i32
        %dma_wait3A_41 = tpu.memref_slice %arg2[%dma_wait3A, %dma_wait3A_40] : memref<10240x128xf32, #tpu.memory_space<hbm>> -> memref<10240x128xf32, #tpu.memory_space<hbm>>
        tpu.wait_indirect_dma semaphore(%run_scoped3A : memref<!tpu.dma_semaphore, #tpu.memory_space<semaphore_mem>>) src(%dma_wait3A_41 : memref<10240x128xf32, #tpu.memory_space<hbm>>) dst(%arg8 : memref<128x128xf32, #tpu.memory_space<vmem>>)
        tpu.yield
      }) : () -> ()
      "tpu.region"() ({
        %run_scoped3A = tpu.sem_alloc : memref<!tpu.dma_semaphore, #tpu.memory_space<semaphore_mem>>
        %dma_start3A = arith.constant 0 : i32
        %dma_start3A_38 = arith.constant 0 : i32
        %dma_start3A_39 = tpu.memref_slice %arg10[%dma_start3A, %dma_start3A_38] : memref<10496x128xf32, #tpu.memory_space<vmem_shared>> -> memref<10496x128xf32, #tpu.memory_space<vmem_shared>>
        tpu.enqueue_indirect_dma source(%arg8 : memref<128x128xf32, #tpu.memory_space<vmem>>) target(%dma_start3A_39 : memref<10496x128xf32, #tpu.memory_space<vmem_shared>>) offsets(%arg7 : memref<128xi32, #tpu.memory_space<vmem>>) semaphore(%run_scoped3A : memref<!tpu.dma_semaphore, #tpu.memory_space<semaphore_mem>>) {add = true}
        %dma_wait3A = arith.constant 0 : i32
        %dma_wait3A_40 = arith.constant 0 : i32
        %dma_wait3A_41 = tpu.memref_slice %arg10[%dma_wait3A, %dma_wait3A_40] : memref<10496x128xf32, #tpu.memory_space<vmem_shared>> -> memref<10496x128xf32, #tpu.memory_space<vmem_shared>>
        tpu.wait_indirect_dma semaphore(%run_scoped3A : memref<!tpu.dma_semaphore, #tpu.memory_space<semaphore_mem>>) src(%arg8 : memref<128x128xf32, #tpu.memory_space<vmem>>) dst(%dma_wait3A_41 : memref<10496x128xf32, #tpu.memory_space<vmem_shared>>)
        tpu.yield
      }) : () -> ()
    }
    %while3A_29 = arith.constant 1 : i32
    scf.for %while3A_35 = %while3A_27 to %while3A_23 step %while3A_29  : i32 {
      %add3A_36 = arith.addi %select_n3A_20, %while3A_35 : i32
      "tpu.region"() ({
        %run_scoped3A = tpu.sem_alloc : memref<!tpu.dma_semaphore, #tpu.memory_space<semaphore_mem>>
        %dma_start3A = arith.constant 0 : i32
        %dma_start3A_38 = tpu.memref_slice %arg3[%add3A_36, %dma_start3A] : memref<2560x128xi32, #tpu.memory_space<hbm>> -> memref<1x128xi32, #tpu.memory_space<hbm>>
        %dma_start3A_39 = tpu.memref_squeeze %dma_start3A_38 : memref<1x128xi32, #tpu.memory_space<hbm>> -> memref<128xi32, #tpu.memory_space<hbm>>
        %dma_start3A_40 = arith.constant 0 : i32
        %dma_start3A_41 = tpu.memref_slice %arg3[%add3A_36, %dma_start3A_40] : memref<2560x128xi32, #tpu.memory_space<hbm>> -> memref<1x128xi32, #tpu.memory_space<hbm>>
        %dma_start3A_42 = tpu.memref_squeeze %dma_start3A_41 : memref<1x128xi32, #tpu.memory_space<hbm>> -> memref<128xi32, #tpu.memory_space<hbm>>
        tpu.enqueue_dma source(%dma_start3A_42 : memref<128xi32, #tpu.memory_space<hbm>>) target(%arg6 : memref<128xi32, #tpu.memory_space<vmem>>) target_semaphore(%run_scoped3A : memref<!tpu.dma_semaphore, #tpu.memory_space<semaphore_mem>>)
        %dma_wait3A = arith.constant 0 : i32
        %dma_wait3A_43 = tpu.memref_slice %arg3[%add3A_36, %dma_wait3A] : memref<2560x128xi32, #tpu.memory_space<hbm>> -> memref<1x128xi32, #tpu.memory_space<hbm>>
        %dma_wait3A_44 = tpu.memref_squeeze %dma_wait3A_43 : memref<1x128xi32, #tpu.memory_space<hbm>> -> memref<128xi32, #tpu.memory_space<hbm>>
        %dma_wait3A_45 = arith.constant 0 : i32
        %dma_wait3A_46 = tpu.memref_slice %arg3[%add3A_36, %dma_wait3A_45] : memref<2560x128xi32, #tpu.memory_space<hbm>> -> memref<1x128xi32, #tpu.memory_space<hbm>>
        %dma_wait3A_47 = tpu.memref_squeeze %dma_wait3A_46 : memref<1x128xi32, #tpu.memory_space<hbm>> -> memref<128xi32, #tpu.memory_space<hbm>>
        tpu.wait_dma2 semaphore(%run_scoped3A : memref<!tpu.dma_semaphore, #tpu.memory_space<semaphore_mem>>) src(%dma_wait3A_47 : memref<128xi32, #tpu.memory_space<hbm>>) dst(%arg6 : memref<128xi32, #tpu.memory_space<vmem>>)
        tpu.yield
      }) : () -> ()
      %add3A_37 = arith.addi %select_n3A_20, %while3A_35 : i32
      "tpu.region"() ({
        %run_scoped3A = tpu.sem_alloc : memref<!tpu.dma_semaphore, #tpu.memory_space<semaphore_mem>>
        %dma_start3A = arith.constant 0 : i32
        %dma_start3A_38 = tpu.memref_slice %arg4[%add3A_37, %dma_start3A] : memref<2560x128xi32, #tpu.memory_space<hbm>> -> memref<1x128xi32, #tpu.memory_space<hbm>>
        %dma_start3A_39 = tpu.memref_squeeze %dma_start3A_38 : memref<1x128xi32, #tpu.memory_space<hbm>> -> memref<128xi32, #tpu.memory_space<hbm>>
        %dma_start3A_40 = arith.constant 0 : i32
        %dma_start3A_41 = tpu.memref_slice %arg4[%add3A_37, %dma_start3A_40] : memref<2560x128xi32, #tpu.memory_space<hbm>> -> memref<1x128xi32, #tpu.memory_space<hbm>>
        %dma_start3A_42 = tpu.memref_squeeze %dma_start3A_41 : memref<1x128xi32, #tpu.memory_space<hbm>> -> memref<128xi32, #tpu.memory_space<hbm>>
        tpu.enqueue_dma source(%dma_start3A_42 : memref<128xi32, #tpu.memory_space<hbm>>) target(%arg7 : memref<128xi32, #tpu.memory_space<vmem>>) target_semaphore(%run_scoped3A : memref<!tpu.dma_semaphore, #tpu.memory_space<semaphore_mem>>)
        %dma_wait3A = arith.constant 0 : i32
        %dma_wait3A_43 = tpu.memref_slice %arg4[%add3A_37, %dma_wait3A] : memref<2560x128xi32, #tpu.memory_space<hbm>> -> memref<1x128xi32, #tpu.memory_space<hbm>>
        %dma_wait3A_44 = tpu.memref_squeeze %dma_wait3A_43 : memref<1x128xi32, #tpu.memory_space<hbm>> -> memref<128xi32, #tpu.memory_space<hbm>>
        %dma_wait3A_45 = arith.constant 0 : i32
        %dma_wait3A_46 = tpu.memref_slice %arg4[%add3A_37, %dma_wait3A_45] : memref<2560x128xi32, #tpu.memory_space<hbm>> -> memref<1x128xi32, #tpu.memory_space<hbm>>
        %dma_wait3A_47 = tpu.memref_squeeze %dma_wait3A_46 : memref<1x128xi32, #tpu.memory_space<hbm>> -> memref<128xi32, #tpu.memory_space<hbm>>
        tpu.wait_dma2 semaphore(%run_scoped3A : memref<!tpu.dma_semaphore, #tpu.memory_space<semaphore_mem>>) src(%dma_wait3A_47 : memref<128xi32, #tpu.memory_space<hbm>>) dst(%arg7 : memref<128xi32, #tpu.memory_space<vmem>>)
        tpu.yield
      }) : () -> ()
      "tpu.region"() ({
        %run_scoped3A = tpu.sem_alloc : memref<!tpu.dma_semaphore, #tpu.memory_space<semaphore_mem>>
        %dma_start3A = arith.constant 0 : i32
        %dma_start3A_38 = arith.constant 0 : i32
        %dma_start3A_39 = tpu.memref_slice %arg2[%dma_start3A, %dma_start3A_38] : memref<10240x128xf32, #tpu.memory_space<hbm>> -> memref<10240x128xf32, #tpu.memory_space<hbm>>
        tpu.enqueue_indirect_dma source(%dma_start3A_39 : memref<10240x128xf32, #tpu.memory_space<hbm>>) target(%arg8 : memref<128x128xf32, #tpu.memory_space<vmem>>) offsets(%arg6 : memref<128xi32, #tpu.memory_space<vmem>>) semaphore(%run_scoped3A : memref<!tpu.dma_semaphore, #tpu.memory_space<semaphore_mem>>)
        %dma_wait3A = arith.constant 0 : i32
        %dma_wait3A_40 = arith.constant 0 : i32
        %dma_wait3A_41 = tpu.memref_slice %arg2[%dma_wait3A, %dma_wait3A_40] : memref<10240x128xf32, #tpu.memory_space<hbm>> -> memref<10240x128xf32, #tpu.memory_space<hbm>>
        tpu.wait_indirect_dma semaphore(%run_scoped3A : memref<!tpu.dma_semaphore, #tpu.memory_space<semaphore_mem>>) src(%dma_wait3A_41 : memref<10240x128xf32, #tpu.memory_space<hbm>>) dst(%arg8 : memref<128x128xf32, #tpu.memory_space<vmem>>)
        tpu.yield
      }) : () -> ()
      "tpu.region"() ({
        %run_scoped3A = tpu.sem_alloc : memref<!tpu.dma_semaphore, #tpu.memory_space<semaphore_mem>>
        %dma_start3A = arith.constant 0 : i32
        %dma_start3A_38 = arith.constant 0 : i32
        %dma_start3A_39 = tpu.memref_slice %arg10[%dma_start3A, %dma_start3A_38] : memref<10496x128xf32, #tpu.memory_space<vmem_shared>> -> memref<10496x128xf32, #tpu.memory_space<vmem_shared>>
        tpu.enqueue_indirect_dma source(%arg8 : memref<128x128xf32, #tpu.memory_space<vmem>>) target(%dma_start3A_39 : memref<10496x128xf32, #tpu.memory_space<vmem_shared>>) offsets(%arg7 : memref<128xi32, #tpu.memory_space<vmem>>) semaphore(%run_scoped3A : memref<!tpu.dma_semaphore, #tpu.memory_space<semaphore_mem>>) {add = true}
        %dma_wait3A = arith.constant 0 : i32
        %dma_wait3A_40 = arith.constant 0 : i32
        %dma_wait3A_41 = tpu.memref_slice %arg10[%dma_wait3A, %dma_wait3A_40] : memref<10496x128xf32, #tpu.memory_space<vmem_shared>> -> memref<10496x128xf32, #tpu.memory_space<vmem_shared>>
        tpu.wait_indirect_dma semaphore(%run_scoped3A : memref<!tpu.dma_semaphore, #tpu.memory_space<semaphore_mem>>) src(%arg8 : memref<128x128xf32, #tpu.memory_space<vmem>>) dst(%dma_wait3A_41 : memref<10496x128xf32, #tpu.memory_space<vmem_shared>>)
        tpu.yield
      }) : () -> ()
    }
    %barrier3A_30 = arith.constant 0 : index
    tpu.barrier barrier_id(%barrier3A_30)
    %mul3A_31 = arith.constant 640 : i32
    %mul3A_32 = arith.muli %arg1, %mul3A_31 : i32
    %mul3A_33 = arith.constant 640 : i32
    %mul3A_34 = arith.muli %arg1, %mul3A_33 : i32
    "tpu.region"() ({
      %run_scoped3A = tpu.sem_alloc : memref<!tpu.dma_semaphore, #tpu.memory_space<semaphore_mem>>
      %dma_start3A = arith.constant 0 : i32
      %dma_start3A_35 = tpu.memref_slice %arg5[%arg0, %mul3A_34, %dma_start3A] : memref<2x10240x128xf32, #tpu.memory_space<hbm>> -> memref<1x640x128xf32, #tpu.memory_space<hbm>>
      %dma_start3A_36 = tpu.memref_squeeze %dma_start3A_35 : memref<1x640x128xf32, #tpu.memory_space<hbm>> -> memref<640x128xf32, #tpu.memory_space<hbm>>
      %dma_start3A_37 = arith.constant 0 : i32
      %dma_start3A_38 = tpu.memref_slice %arg10[%mul3A_32, %dma_start3A_37] : memref<10496x128xf32, #tpu.memory_space<vmem_shared>> -> memref<640x128xf32, #tpu.memory_space<vmem_shared>>
      tpu.enqueue_dma source(%dma_start3A_38 : memref<640x128xf32, #tpu.memory_space<vmem_shared>>) target(%dma_start3A_36 : memref<640x128xf32, #tpu.memory_space<hbm>>) target_semaphore(%run_scoped3A : memref<!tpu.dma_semaphore, #tpu.memory_space<semaphore_mem>>)
      %dma_wait3A = arith.constant 0 : i32
      %dma_wait3A_39 = tpu.memref_slice %arg5[%arg0, %mul3A_34, %dma_wait3A] : memref<2x10240x128xf32, #tpu.memory_space<hbm>> -> memref<1x640x128xf32, #tpu.memory_space<hbm>>
      %dma_wait3A_40 = tpu.memref_squeeze %dma_wait3A_39 : memref<1x640x128xf32, #tpu.memory_space<hbm>> -> memref<640x128xf32, #tpu.memory_space<hbm>>
      %dma_wait3A_41 = arith.constant 0 : i32
      %dma_wait3A_42 = tpu.memref_slice %arg10[%mul3A_32, %dma_wait3A_41] : memref<10496x128xf32, #tpu.memory_space<vmem_shared>> -> memref<640x128xf32, #tpu.memory_space<vmem_shared>>
      tpu.wait_dma2 semaphore(%run_scoped3A : memref<!tpu.dma_semaphore, #tpu.memory_space<semaphore_mem>>) src(%dma_wait3A_42 : memref<640x128xf32, #tpu.memory_space<vmem_shared>>) dst(%dma_wait3A_40 : memref<640x128xf32, #tpu.memory_space<hbm>>)
      tpu.yield
    }) : () -> ()
    return
  }
}

#map = affine_map<(d0, d1) -> (0, 0)>
#map1 = affine_map<(d0, d1) -> (0, 0, 0)>
module attributes {stable_mosaic.version = 14 : i64} {
  func.func @_agg_body(%arg0: i32, %arg1: i32, %arg2: memref<10240x128xf32, #tpu.memory_space<hbm>>, %arg3: memref<2560x128xi32, #tpu.memory_space<hbm>>, %arg4: memref<2560x128xi32, #tpu.memory_space<hbm>>, %arg5: memref<2x10240x128xf32, #tpu.memory_space<hbm>>, %arg6: memref<128xi32, #tpu.memory_space<vmem>>, %arg7: memref<128xi32, #tpu.memory_space<vmem>>, %arg8: memref<128x128xf32, #tpu.memory_space<vmem>>, %arg9: memref<16x128xf32, #tpu.memory_space<vmem>>, %arg10: memref<10496x128xf32, #tpu.memory_space<vmem_shared>>) attributes {dimension_semantics = [#tpu.dimension_semantics<core_parallel>, #tpu.dimension_semantics<subcore_parallel>], iteration_bounds = array<i64: 2, 16>, scalar_prefetch = 0 : i64, scratch_operands = 5 : i64, tpu.core_type = #tpu.core_type<sc_vector_subcore>, window_params = [{transform_indices = #map}, {transform_indices = #map}, {transform_indices = #map}, {transform_indices = #map1}]} {
    %broadcast_in_dim3A = arith.constant 0.000000e+00 : f32
    %broadcast_in_dim3A_0 = vector.broadcast %broadcast_in_dim3A : f32 to vector<16xf32>
    %scan3A = arith.constant 0 : i32
    %scan3A_1 = arith.constant 0 : i32
    %scan3A_2 = arith.constant 16 : i32
    %scan3A_3 = arith.addi %scan3A_1, %scan3A_2 : i32
    %scan3A_4 = arith.constant 1 : i32
    scf.for %scan3A_35 = %scan3A_1 to %scan3A_3 step %scan3A_4  : i32 {
      %swap3A = arith.index_cast %scan3A_35 : i32 to index
      %swap3A_36 = arith.constant 0 : index
      %swap3A_37 = tpu.vector_load %arg9[%swap3A, %swap3A_36] {strides = array<i32>} : memref<16x128xf32, #tpu.memory_space<vmem>>, vector<1x16xf32>,
      %swap3A_38 = vector.shape_cast %swap3A_37 : vector<1x16xf32> to vector<16xf32>
      %swap3A_39 = vector.shape_cast %broadcast_in_dim3A_0 : vector<16xf32> to vector<1x16xf32>
      tpu.vector_store %arg9[%swap3A, %swap3A_36], %swap3A_39 {strides = array<i32>} : memref<16x128xf32, #tpu.memory_space<vmem>>, vector<1x16xf32>,
      %swap3A_40 = arith.index_cast %scan3A_35 : i32 to index
      %swap3A_41 = arith.constant 16 : index
      %swap3A_42 = tpu.vector_load %arg9[%swap3A_40, %swap3A_41] {strides = array<i32>} : memref<16x128xf32, #tpu.memory_space<vmem>>, vector<1x16xf32>,
      %swap3A_43 = vector.shape_cast %swap3A_42 : vector<1x16xf32> to vector<16xf32>
      %swap3A_44 = vector.shape_cast %broadcast_in_dim3A_0 : vector<16xf32> to vector<1x16xf32>
      tpu.vector_store %arg9[%swap3A_40, %swap3A_41], %swap3A_44 {strides = array<i32>} : memref<16x128xf32, #tpu.memory_space<vmem>>, vector<1x16xf32>,
      %swap3A_45 = arith.index_cast %scan3A_35 : i32 to index
      %swap3A_46 = arith.constant 32 : index
      %swap3A_47 = tpu.vector_load %arg9[%swap3A_45, %swap3A_46] {strides = array<i32>} : memref<16x128xf32, #tpu.memory_space<vmem>>, vector<1x16xf32>,
      %swap3A_48 = vector.shape_cast %swap3A_47 : vector<1x16xf32> to vector<16xf32>
      %swap3A_49 = vector.shape_cast %broadcast_in_dim3A_0 : vector<16xf32> to vector<1x16xf32>
      tpu.vector_store %arg9[%swap3A_45, %swap3A_46], %swap3A_49 {strides = array<i32>} : memref<16x128xf32, #tpu.memory_space<vmem>>, vector<1x16xf32>,
      %swap3A_50 = arith.index_cast %scan3A_35 : i32 to index
      %swap3A_51 = arith.constant 48 : index
      %swap3A_52 = tpu.vector_load %arg9[%swap3A_50, %swap3A_51] {strides = array<i32>} : memref<16x128xf32, #tpu.memory_space<vmem>>, vector<1x16xf32>,
      %swap3A_53 = vector.shape_cast %swap3A_52 : vector<1x16xf32> to vector<16xf32>
      %swap3A_54 = vector.shape_cast %broadcast_in_dim3A_0 : vector<16xf32> to vector<1x16xf32>
      tpu.vector_store %arg9[%swap3A_50, %swap3A_51], %swap3A_54 {strides = array<i32>} : memref<16x128xf32, #tpu.memory_space<vmem>>, vector<1x16xf32>,
      %swap3A_55 = arith.index_cast %scan3A_35 : i32 to index
      %swap3A_56 = arith.constant 64 : index
      %swap3A_57 = tpu.vector_load %arg9[%swap3A_55, %swap3A_56] {strides = array<i32>} : memref<16x128xf32, #tpu.memory_space<vmem>>, vector<1x16xf32>,
      %swap3A_58 = vector.shape_cast %swap3A_57 : vector<1x16xf32> to vector<16xf32>
      %swap3A_59 = vector.shape_cast %broadcast_in_dim3A_0 : vector<16xf32> to vector<1x16xf32>
      tpu.vector_store %arg9[%swap3A_55, %swap3A_56], %swap3A_59 {strides = array<i32>} : memref<16x128xf32, #tpu.memory_space<vmem>>, vector<1x16xf32>,
      %swap3A_60 = arith.index_cast %scan3A_35 : i32 to index
      %swap3A_61 = arith.constant 80 : index
      %swap3A_62 = tpu.vector_load %arg9[%swap3A_60, %swap3A_61] {strides = array<i32>} : memref<16x128xf32, #tpu.memory_space<vmem>>, vector<1x16xf32>,
      %swap3A_63 = vector.shape_cast %swap3A_62 : vector<1x16xf32> to vector<16xf32>
      %swap3A_64 = vector.shape_cast %broadcast_in_dim3A_0 : vector<16xf32> to vector<1x16xf32>
      tpu.vector_store %arg9[%swap3A_60, %swap3A_61], %swap3A_64 {strides = array<i32>} : memref<16x128xf32, #tpu.memory_space<vmem>>, vector<1x16xf32>,
      %swap3A_65 = arith.index_cast %scan3A_35 : i32 to index
      %swap3A_66 = arith.constant 96 : index
      %swap3A_67 = tpu.vector_load %arg9[%swap3A_65, %swap3A_66] {strides = array<i32>} : memref<16x128xf32, #tpu.memory_space<vmem>>, vector<1x16xf32>,
      %swap3A_68 = vector.shape_cast %swap3A_67 : vector<1x16xf32> to vector<16xf32>
      %swap3A_69 = vector.shape_cast %broadcast_in_dim3A_0 : vector<16xf32> to vector<1x16xf32>
      tpu.vector_store %arg9[%swap3A_65, %swap3A_66], %swap3A_69 {strides = array<i32>} : memref<16x128xf32, #tpu.memory_space<vmem>>, vector<1x16xf32>,
      %swap3A_70 = arith.index_cast %scan3A_35 : i32 to index
      %swap3A_71 = arith.constant 112 : index
      %swap3A_72 = tpu.vector_load %arg9[%swap3A_70, %swap3A_71] {strides = array<i32>} : memref<16x128xf32, #tpu.memory_space<vmem>>, vector<1x16xf32>,
      %swap3A_73 = vector.shape_cast %swap3A_72 : vector<1x16xf32> to vector<16xf32>
      %swap3A_74 = vector.shape_cast %broadcast_in_dim3A_0 : vector<16xf32> to vector<1x16xf32>
      tpu.vector_store %arg9[%swap3A_70, %swap3A_71], %swap3A_74 {strides = array<i32>} : memref<16x128xf32, #tpu.memory_space<vmem>>, vector<1x16xf32>,
    }
    %scan3A_5 = arith.constant 16 : i32
    %scan3A_6 = arith.constant 0 : i32
    %scan3A_7 = arith.constant 0 : i32
    %scan3A_8 = arith.constant 41 : i32
    %scan3A_9 = arith.addi %scan3A_7, %scan3A_8 : i32
    %scan3A_10 = arith.constant 1 : i32
    scf.for %scan3A_35 = %scan3A_7 to %scan3A_9 step %scan3A_10  : i32 {
      %mul3A_36 = arith.constant 656 : i32
      %mul3A_37 = arith.muli %arg1, %mul3A_36 : i32
      %mul3A_38 = arith.constant 16 : i32
      %mul3A_39 = arith.muli %scan3A_35, %mul3A_38 : i32
      %add3A_40 = arith.addi %mul3A_37, %mul3A_39 : i32
      "tpu.region"() ({
        %run_scoped3A = tpu.sem_alloc : memref<!tpu.dma_semaphore, #tpu.memory_space<semaphore_mem>>
        %dma_start3A = arith.constant 0 : i32
        %dma_start3A_41 = tpu.memref_slice %arg10[%add3A_40, %dma_start3A] : memref<10496x128xf32, #tpu.memory_space<vmem_shared>> -> memref<16x128xf32, #tpu.memory_space<vmem_shared>>
        %dma_start3A_42 = arith.constant 0 : i32
        %dma_start3A_43 = tpu.memref_slice %arg10[%add3A_40, %dma_start3A_42] : memref<10496x128xf32, #tpu.memory_space<vmem_shared>> -> memref<16x128xf32, #tpu.memory_space<vmem_shared>>
        tpu.enqueue_dma source(%arg9 : memref<16x128xf32, #tpu.memory_space<vmem>>) target(%dma_start3A_43 : memref<16x128xf32, #tpu.memory_space<vmem_shared>>) target_semaphore(%run_scoped3A : memref<!tpu.dma_semaphore, #tpu.memory_space<semaphore_mem>>)
        %dma_wait3A = arith.constant 0 : i32
        %dma_wait3A_44 = tpu.memref_slice %arg10[%add3A_40, %dma_wait3A] : memref<10496x128xf32, #tpu.memory_space<vmem_shared>> -> memref<16x128xf32, #tpu.memory_space<vmem_shared>>
        %dma_wait3A_45 = arith.constant 0 : i32
        %dma_wait3A_46 = tpu.memref_slice %arg10[%add3A_40, %dma_wait3A_45] : memref<10496x128xf32, #tpu.memory_space<vmem_shared>> -> memref<16x128xf32, #tpu.memory_space<vmem_shared>>
        tpu.wait_dma2 semaphore(%run_scoped3A : memref<!tpu.dma_semaphore, #tpu.memory_space<semaphore_mem>>) src(%arg9 : memref<16x128xf32, #tpu.memory_space<vmem>>) dst(%dma_wait3A_46 : memref<16x128xf32, #tpu.memory_space<vmem_shared>>)
        tpu.yield
      }) : () -> ()
    }
    %scan3A_11 = arith.constant 41 : i32
    %barrier3A = arith.constant 0 : index
    tpu.barrier barrier_id(%barrier3A)
    %eq3A = arith.constant 0 : i32
    %eq3A_12 = arith.cmpi eq, %arg0, %eq3A : i32
    %jit3A = arith.constant 134 : i32
    %jit3A_13 = arith.constant 26 : i32
    %select_n3A = arith.select %eq3A_12, %jit3A, %jit3A_13 : i32
    %eq3A_14 = arith.constant 0 : i32
    %eq3A_15 = arith.cmpi eq, %arg0, %eq3A_14 : i32
    %mul3A = arith.constant 134 : i32
    %mul3A_16 = arith.muli %arg1, %mul3A : i32
    %mul3A_17 = arith.constant 26 : i32
    %mul3A_18 = arith.muli %arg1, %mul3A_17 : i32
    %add3A = arith.constant 2144 : i32
    %add3A_19 = arith.addi %add3A, %mul3A_18 : i32
    %select_n3A_20 = arith.select %eq3A_15, %mul3A_16, %add3A_19 : i32
    %while3A = arith.constant 0 : i32
    %while3A_21 = arith.constant 0 : i32
    %while3A_22 = arith.subi %select_n3A, %while3A_21 : i32
    %while3A_23 = arith.addi %while3A_21, %while3A_22 : i32
    %while3A_24 = arith.constant 1 : i32
    %while3A_25 = arith.divsi %while3A_22, %while3A_24 : i32
    %while3A_26 = arith.muli %while3A_25, %while3A_24 : i32
    %while3A_27 = arith.addi %while3A_21, %while3A_26 : i32
    %while3A_28 = arith.constant 1 : i32
    scf.for %while3A_35 = %while3A_21 to %while3A_27 step %while3A_28  : i32 {
      %add3A_36 = arith.addi %select_n3A_20, %while3A_35 : i32
      "tpu.region"() ({
        %run_scoped3A = tpu.sem_alloc : memref<!tpu.dma_semaphore, #tpu.memory_space<semaphore_mem>>
        %dma_start3A = arith.constant 0 : i32
        %dma_start3A_38 = tpu.memref_slice %arg3[%add3A_36, %dma_start3A] : memref<2560x128xi32, #tpu.memory_space<hbm>> -> memref<1x128xi32, #tpu.memory_space<hbm>>
        %dma_start3A_39 = tpu.memref_squeeze %dma_start3A_38 : memref<1x128xi32, #tpu.memory_space<hbm>> -> memref<128xi32, #tpu.memory_space<hbm>>
        %dma_start3A_40 = arith.constant 0 : i32
        %dma_start3A_41 = tpu.memref_slice %arg3[%add3A_36, %dma_start3A_40] : memref<2560x128xi32, #tpu.memory_space<hbm>> -> memref<1x128xi32, #tpu.memory_space<hbm>>
        %dma_start3A_42 = tpu.memref_squeeze %dma_start3A_41 : memref<1x128xi32, #tpu.memory_space<hbm>> -> memref<128xi32, #tpu.memory_space<hbm>>
        tpu.enqueue_dma source(%dma_start3A_42 : memref<128xi32, #tpu.memory_space<hbm>>) target(%arg6 : memref<128xi32, #tpu.memory_space<vmem>>) target_semaphore(%run_scoped3A : memref<!tpu.dma_semaphore, #tpu.memory_space<semaphore_mem>>)
        %dma_wait3A = arith.constant 0 : i32
        %dma_wait3A_43 = tpu.memref_slice %arg3[%add3A_36, %dma_wait3A] : memref<2560x128xi32, #tpu.memory_space<hbm>> -> memref<1x128xi32, #tpu.memory_space<hbm>>
        %dma_wait3A_44 = tpu.memref_squeeze %dma_wait3A_43 : memref<1x128xi32, #tpu.memory_space<hbm>> -> memref<128xi32, #tpu.memory_space<hbm>>
        %dma_wait3A_45 = arith.constant 0 : i32
        %dma_wait3A_46 = tpu.memref_slice %arg3[%add3A_36, %dma_wait3A_45] : memref<2560x128xi32, #tpu.memory_space<hbm>> -> memref<1x128xi32, #tpu.memory_space<hbm>>
        %dma_wait3A_47 = tpu.memref_squeeze %dma_wait3A_46 : memref<1x128xi32, #tpu.memory_space<hbm>> -> memref<128xi32, #tpu.memory_space<hbm>>
        tpu.wait_dma2 semaphore(%run_scoped3A : memref<!tpu.dma_semaphore, #tpu.memory_space<semaphore_mem>>) src(%dma_wait3A_47 : memref<128xi32, #tpu.memory_space<hbm>>) dst(%arg6 : memref<128xi32, #tpu.memory_space<vmem>>)
        tpu.yield
      }) : () -> ()
      %add3A_37 = arith.addi %select_n3A_20, %while3A_35 : i32
      "tpu.region"() ({
        %run_scoped3A = tpu.sem_alloc : memref<!tpu.dma_semaphore, #tpu.memory_space<semaphore_mem>>
        %dma_start3A = arith.constant 0 : i32
        %dma_start3A_38 = tpu.memref_slice %arg4[%add3A_37, %dma_start3A] : memref<2560x128xi32, #tpu.memory_space<hbm>> -> memref<1x128xi32, #tpu.memory_space<hbm>>
        %dma_start3A_39 = tpu.memref_squeeze %dma_start3A_38 : memref<1x128xi32, #tpu.memory_space<hbm>> -> memref<128xi32, #tpu.memory_space<hbm>>
        %dma_start3A_40 = arith.constant 0 : i32
        %dma_start3A_41 = tpu.memref_slice %arg4[%add3A_37, %dma_start3A_40] : memref<2560x128xi32, #tpu.memory_space<hbm>> -> memref<1x128xi32, #tpu.memory_space<hbm>>
        %dma_start3A_42 = tpu.memref_squeeze %dma_start3A_41 : memref<1x128xi32, #tpu.memory_space<hbm>> -> memref<128xi32, #tpu.memory_space<hbm>>
        tpu.enqueue_dma source(%dma_start3A_42 : memref<128xi32, #tpu.memory_space<hbm>>) target(%arg7 : memref<128xi32, #tpu.memory_space<vmem>>) target_semaphore(%run_scoped3A : memref<!tpu.dma_semaphore, #tpu.memory_space<semaphore_mem>>)
        %dma_wait3A = arith.constant 0 : i32
        %dma_wait3A_43 = tpu.memref_slice %arg4[%add3A_37, %dma_wait3A] : memref<2560x128xi32, #tpu.memory_space<hbm>> -> memref<1x128xi32, #tpu.memory_space<hbm>>
        %dma_wait3A_44 = tpu.memref_squeeze %dma_wait3A_43 : memref<1x128xi32, #tpu.memory_space<hbm>> -> memref<128xi32, #tpu.memory_space<hbm>>
        %dma_wait3A_45 = arith.constant 0 : i32
        %dma_wait3A_46 = tpu.memref_slice %arg4[%add3A_37, %dma_wait3A_45] : memref<2560x128xi32, #tpu.memory_space<hbm>> -> memref<1x128xi32, #tpu.memory_space<hbm>>
        %dma_wait3A_47 = tpu.memref_squeeze %dma_wait3A_46 : memref<1x128xi32, #tpu.memory_space<hbm>> -> memref<128xi32, #tpu.memory_space<hbm>>
        tpu.wait_dma2 semaphore(%run_scoped3A : memref<!tpu.dma_semaphore, #tpu.memory_space<semaphore_mem>>) src(%dma_wait3A_47 : memref<128xi32, #tpu.memory_space<hbm>>) dst(%arg7 : memref<128xi32, #tpu.memory_space<vmem>>)
        tpu.yield
      }) : () -> ()
      "tpu.region"() ({
        %run_scoped3A = tpu.sem_alloc : memref<!tpu.dma_semaphore, #tpu.memory_space<semaphore_mem>>
        %dma_start3A = arith.constant 0 : i32
        %dma_start3A_38 = arith.constant 0 : i32
        %dma_start3A_39 = tpu.memref_slice %arg2[%dma_start3A, %dma_start3A_38] : memref<10240x128xf32, #tpu.memory_space<hbm>> -> memref<10240x128xf32, #tpu.memory_space<hbm>>
        tpu.enqueue_indirect_dma source(%dma_start3A_39 : memref<10240x128xf32, #tpu.memory_space<hbm>>) target(%arg8 : memref<128x128xf32, #tpu.memory_space<vmem>>) offsets(%arg6 : memref<128xi32, #tpu.memory_space<vmem>>) semaphore(%run_scoped3A : memref<!tpu.dma_semaphore, #tpu.memory_space<semaphore_mem>>)
        %dma_wait3A = arith.constant 0 : i32
        %dma_wait3A_40 = arith.constant 0 : i32
        %dma_wait3A_41 = tpu.memref_slice %arg2[%dma_wait3A, %dma_wait3A_40] : memref<10240x128xf32, #tpu.memory_space<hbm>> -> memref<10240x128xf32, #tpu.memory_space<hbm>>
        tpu.wait_indirect_dma semaphore(%run_scoped3A : memref<!tpu.dma_semaphore, #tpu.memory_space<semaphore_mem>>) src(%dma_wait3A_41 : memref<10240x128xf32, #tpu.memory_space<hbm>>) dst(%arg8 : memref<128x128xf32, #tpu.memory_space<vmem>>)
        tpu.yield
      }) : () -> ()
      "tpu.region"() ({
        %run_scoped3A = tpu.sem_alloc : memref<!tpu.dma_semaphore, #tpu.memory_space<semaphore_mem>>
        %dma_start3A = arith.constant 0 : i32
        %dma_start3A_38 = arith.constant 0 : i32
        %dma_start3A_39 = tpu.memref_slice %arg10[%dma_start3A, %dma_start3A_38] : memref<10496x128xf32, #tpu.memory_space<vmem_shared>> -> memref<10496x128xf32, #tpu.memory_space<vmem_shared>>
        tpu.enqueue_indirect_dma source(%arg8 : memref<128x128xf32, #tpu.memory_space<vmem>>) target(%dma_start3A_39 : memref<10496x128xf32, #tpu.memory_space<vmem_shared>>) offsets(%arg7 : memref<128xi32, #tpu.memory_space<vmem>>) semaphore(%run_scoped3A : memref<!tpu.dma_semaphore, #tpu.memory_space<semaphore_mem>>) {add = true}
        %dma_wait3A = arith.constant 0 : i32
        %dma_wait3A_40 = arith.constant 0 : i32
        %dma_wait3A_41 = tpu.memref_slice %arg10[%dma_wait3A, %dma_wait3A_40] : memref<10496x128xf32, #tpu.memory_space<vmem_shared>> -> memref<10496x128xf32, #tpu.memory_space<vmem_shared>>
        tpu.wait_indirect_dma semaphore(%run_scoped3A : memref<!tpu.dma_semaphore, #tpu.memory_space<semaphore_mem>>) src(%arg8 : memref<128x128xf32, #tpu.memory_space<vmem>>) dst(%dma_wait3A_41 : memref<10496x128xf32, #tpu.memory_space<vmem_shared>>)
        tpu.yield
      }) : () -> ()
    }
    %while3A_29 = arith.constant 1 : i32
    scf.for %while3A_35 = %while3A_27 to %while3A_23 step %while3A_29  : i32 {
      %add3A_36 = arith.addi %select_n3A_20, %while3A_35 : i32
      "tpu.region"() ({
        %run_scoped3A = tpu.sem_alloc : memref<!tpu.dma_semaphore, #tpu.memory_space<semaphore_mem>>
        %dma_start3A = arith.constant 0 : i32
        %dma_start3A_38 = tpu.memref_slice %arg3[%add3A_36, %dma_start3A] : memref<2560x128xi32, #tpu.memory_space<hbm>> -> memref<1x128xi32, #tpu.memory_space<hbm>>
        %dma_start3A_39 = tpu.memref_squeeze %dma_start3A_38 : memref<1x128xi32, #tpu.memory_space<hbm>> -> memref<128xi32, #tpu.memory_space<hbm>>
        %dma_start3A_40 = arith.constant 0 : i32
        %dma_start3A_41 = tpu.memref_slice %arg3[%add3A_36, %dma_start3A_40] : memref<2560x128xi32, #tpu.memory_space<hbm>> -> memref<1x128xi32, #tpu.memory_space<hbm>>
        %dma_start3A_42 = tpu.memref_squeeze %dma_start3A_41 : memref<1x128xi32, #tpu.memory_space<hbm>> -> memref<128xi32, #tpu.memory_space<hbm>>
        tpu.enqueue_dma source(%dma_start3A_42 : memref<128xi32, #tpu.memory_space<hbm>>) target(%arg6 : memref<128xi32, #tpu.memory_space<vmem>>) target_semaphore(%run_scoped3A : memref<!tpu.dma_semaphore, #tpu.memory_space<semaphore_mem>>)
        %dma_wait3A = arith.constant 0 : i32
        %dma_wait3A_43 = tpu.memref_slice %arg3[%add3A_36, %dma_wait3A] : memref<2560x128xi32, #tpu.memory_space<hbm>> -> memref<1x128xi32, #tpu.memory_space<hbm>>
        %dma_wait3A_44 = tpu.memref_squeeze %dma_wait3A_43 : memref<1x128xi32, #tpu.memory_space<hbm>> -> memref<128xi32, #tpu.memory_space<hbm>>
        %dma_wait3A_45 = arith.constant 0 : i32
        %dma_wait3A_46 = tpu.memref_slice %arg3[%add3A_36, %dma_wait3A_45] : memref<2560x128xi32, #tpu.memory_space<hbm>> -> memref<1x128xi32, #tpu.memory_space<hbm>>
        %dma_wait3A_47 = tpu.memref_squeeze %dma_wait3A_46 : memref<1x128xi32, #tpu.memory_space<hbm>> -> memref<128xi32, #tpu.memory_space<hbm>>
        tpu.wait_dma2 semaphore(%run_scoped3A : memref<!tpu.dma_semaphore, #tpu.memory_space<semaphore_mem>>) src(%dma_wait3A_47 : memref<128xi32, #tpu.memory_space<hbm>>) dst(%arg6 : memref<128xi32, #tpu.memory_space<vmem>>)
        tpu.yield
      }) : () -> ()
      %add3A_37 = arith.addi %select_n3A_20, %while3A_35 : i32
      "tpu.region"() ({
        %run_scoped3A = tpu.sem_alloc : memref<!tpu.dma_semaphore, #tpu.memory_space<semaphore_mem>>
        %dma_start3A = arith.constant 0 : i32
        %dma_start3A_38 = tpu.memref_slice %arg4[%add3A_37, %dma_start3A] : memref<2560x128xi32, #tpu.memory_space<hbm>> -> memref<1x128xi32, #tpu.memory_space<hbm>>
        %dma_start3A_39 = tpu.memref_squeeze %dma_start3A_38 : memref<1x128xi32, #tpu.memory_space<hbm>> -> memref<128xi32, #tpu.memory_space<hbm>>
        %dma_start3A_40 = arith.constant 0 : i32
        %dma_start3A_41 = tpu.memref_slice %arg4[%add3A_37, %dma_start3A_40] : memref<2560x128xi32, #tpu.memory_space<hbm>> -> memref<1x128xi32, #tpu.memory_space<hbm>>
        %dma_start3A_42 = tpu.memref_squeeze %dma_start3A_41 : memref<1x128xi32, #tpu.memory_space<hbm>> -> memref<128xi32, #tpu.memory_space<hbm>>
        tpu.enqueue_dma source(%dma_start3A_42 : memref<128xi32, #tpu.memory_space<hbm>>) target(%arg7 : memref<128xi32, #tpu.memory_space<vmem>>) target_semaphore(%run_scoped3A : memref<!tpu.dma_semaphore, #tpu.memory_space<semaphore_mem>>)
        %dma_wait3A = arith.constant 0 : i32
        %dma_wait3A_43 = tpu.memref_slice %arg4[%add3A_37, %dma_wait3A] : memref<2560x128xi32, #tpu.memory_space<hbm>> -> memref<1x128xi32, #tpu.memory_space<hbm>>
        %dma_wait3A_44 = tpu.memref_squeeze %dma_wait3A_43 : memref<1x128xi32, #tpu.memory_space<hbm>> -> memref<128xi32, #tpu.memory_space<hbm>>
        %dma_wait3A_45 = arith.constant 0 : i32
        %dma_wait3A_46 = tpu.memref_slice %arg4[%add3A_37, %dma_wait3A_45] : memref<2560x128xi32, #tpu.memory_space<hbm>> -> memref<1x128xi32, #tpu.memory_space<hbm>>
        %dma_wait3A_47 = tpu.memref_squeeze %dma_wait3A_46 : memref<1x128xi32, #tpu.memory_space<hbm>> -> memref<128xi32, #tpu.memory_space<hbm>>
        tpu.wait_dma2 semaphore(%run_scoped3A : memref<!tpu.dma_semaphore, #tpu.memory_space<semaphore_mem>>) src(%dma_wait3A_47 : memref<128xi32, #tpu.memory_space<hbm>>) dst(%arg7 : memref<128xi32, #tpu.memory_space<vmem>>)
        tpu.yield
      }) : () -> ()
      "tpu.region"() ({
        %run_scoped3A = tpu.sem_alloc : memref<!tpu.dma_semaphore, #tpu.memory_space<semaphore_mem>>
        %dma_start3A = arith.constant 0 : i32
        %dma_start3A_38 = arith.constant 0 : i32
        %dma_start3A_39 = tpu.memref_slice %arg2[%dma_start3A, %dma_start3A_38] : memref<10240x128xf32, #tpu.memory_space<hbm>> -> memref<10240x128xf32, #tpu.memory_space<hbm>>
        tpu.enqueue_indirect_dma source(%dma_start3A_39 : memref<10240x128xf32, #tpu.memory_space<hbm>>) target(%arg8 : memref<128x128xf32, #tpu.memory_space<vmem>>) offsets(%arg6 : memref<128xi32, #tpu.memory_space<vmem>>) semaphore(%run_scoped3A : memref<!tpu.dma_semaphore, #tpu.memory_space<semaphore_mem>>)
        %dma_wait3A = arith.constant 0 : i32
        %dma_wait3A_40 = arith.constant 0 : i32
        %dma_wait3A_41 = tpu.memref_slice %arg2[%dma_wait3A, %dma_wait3A_40] : memref<10240x128xf32, #tpu.memory_space<hbm>> -> memref<10240x128xf32, #tpu.memory_space<hbm>>
        tpu.wait_indirect_dma semaphore(%run_scoped3A : memref<!tpu.dma_semaphore, #tpu.memory_space<semaphore_mem>>) src(%dma_wait3A_41 : memref<10240x128xf32, #tpu.memory_space<hbm>>) dst(%arg8 : memref<128x128xf32, #tpu.memory_space<vmem>>)
        tpu.yield
      }) : () -> ()
      "tpu.region"() ({
        %run_scoped3A = tpu.sem_alloc : memref<!tpu.dma_semaphore, #tpu.memory_space<semaphore_mem>>
        %dma_start3A = arith.constant 0 : i32
        %dma_start3A_38 = arith.constant 0 : i32
        %dma_start3A_39 = tpu.memref_slice %arg10[%dma_start3A, %dma_start3A_38] : memref<10496x128xf32, #tpu.memory_space<vmem_shared>> -> memref<10496x128xf32, #tpu.memory_space<vmem_shared>>
        tpu.enqueue_indirect_dma source(%arg8 : memref<128x128xf32, #tpu.memory_space<vmem>>) target(%dma_start3A_39 : memref<10496x128xf32, #tpu.memory_space<vmem_shared>>) offsets(%arg7 : memref<128xi32, #tpu.memory_space<vmem>>) semaphore(%run_scoped3A : memref<!tpu.dma_semaphore, #tpu.memory_space<semaphore_mem>>) {add = true}
        %dma_wait3A = arith.constant 0 : i32
        %dma_wait3A_40 = arith.constant 0 : i32
        %dma_wait3A_41 = tpu.memref_slice %arg10[%dma_wait3A, %dma_wait3A_40] : memref<10496x128xf32, #tpu.memory_space<vmem_shared>> -> memref<10496x128xf32, #tpu.memory_space<vmem_shared>>
        tpu.wait_indirect_dma semaphore(%run_scoped3A : memref<!tpu.dma_semaphore, #tpu.memory_space<semaphore_mem>>) src(%arg8 : memref<128x128xf32, #tpu.memory_space<vmem>>) dst(%dma_wait3A_41 : memref<10496x128xf32, #tpu.memory_space<vmem_shared>>)
        tpu.yield
      }) : () -> ()
    }
    %barrier3A_30 = arith.constant 0 : index
    tpu.barrier barrier_id(%barrier3A_30)
    %mul3A_31 = arith.constant 640 : i32
    %mul3A_32 = arith.muli %arg1, %mul3A_31 : i32
    %mul3A_33 = arith.constant 640 : i32
    %mul3A_34 = arith.muli %arg1, %mul3A_33 : i32
    "tpu.region"() ({
      %run_scoped3A = tpu.sem_alloc : memref<!tpu.dma_semaphore, #tpu.memory_space<semaphore_mem>>
      %dma_start3A = arith.constant 0 : i32
      %dma_start3A_35 = tpu.memref_slice %arg5[%arg0, %mul3A_34, %dma_start3A] : memref<2x10240x128xf32, #tpu.memory_space<hbm>> -> memref<1x640x128xf32, #tpu.memory_space<hbm>>
      %dma_start3A_36 = tpu.memref_squeeze %dma_start3A_35 : memref<1x640x128xf32, #tpu.memory_space<hbm>> -> memref<640x128xf32, #tpu.memory_space<hbm>>
      %dma_start3A_37 = arith.constant 0 : i32
      %dma_start3A_38 = tpu.memref_slice %arg10[%mul3A_32, %dma_start3A_37] : memref<10496x128xf32, #tpu.memory_space<vmem_shared>> -> memref<640x128xf32, #tpu.memory_space<vmem_shared>>
      tpu.enqueue_dma source(%dma_start3A_38 : memref<640x128xf32, #tpu.memory_space<vmem_shared>>) target(%dma_start3A_36 : memref<640x128xf32, #tpu.memory_space<hbm>>) target_semaphore(%run_scoped3A : memref<!tpu.dma_semaphore, #tpu.memory_space<semaphore_mem>>)
      %dma_wait3A = arith.constant 0 : i32
      %dma_wait3A_39 = tpu.memref_slice %arg5[%arg0, %mul3A_34, %dma_wait3A] : memref<2x10240x128xf32, #tpu.memory_space<hbm>> -> memref<1x640x128xf32, #tpu.memory_space<hbm>>
      %dma_wait3A_40 = tpu.memref_squeeze %dma_wait3A_39 : memref<1x640x128xf32, #tpu.memory_space<hbm>> -> memref<640x128xf32, #tpu.memory_space<hbm>>
      %dma_wait3A_41 = arith.constant 0 : i32
      %dma_wait3A_42 = tpu.memref_slice %arg10[%mul3A_32, %dma_wait3A_41] : memref<10496x128xf32, #tpu.memory_space<vmem_shared>> -> memref<640x128xf32, #tpu.memory_space<vmem_shared>>
      tpu.wait_dma2 semaphore(%run_scoped3A : memref<!tpu.dma_semaphore, #tpu.memory_space<semaphore_mem>>) src(%dma_wait3A_42 : memref<640x128xf32, #tpu.memory_space<vmem_shared>>) dst(%dma_wait3A_40 : memref<640x128xf32, #tpu.memory_space<hbm>>)
      tpu.yield
    }) : () -> ()
    return
  }
}

module attributes {stable_mosaic.version = 14 : i64} {
  func.func @_t0_body(%arg0: i32, %arg1: memref<512x128xf32, #tpu.memory_space<vmem>>, %arg2: memref<128x128xf32, #tpu.memory_space<vmem>>, %arg3: memref<1x128xf32, #tpu.memory_space<vmem>>, %arg4: memref<1x128xf32, #tpu.memory_space<vmem>>, %arg5: memref<1x128xf32, #tpu.memory_space<vmem>>, %arg6: memref<512x128xf32, #tpu.memory_space<vmem>>, %arg7: memref<512x128xf32, #tpu.memory_space<vmem>>, %arg8: memref<512x128xf32, #tpu.memory_space<vmem>>, %arg9: memref<512x1xf32, #tpu.memory_space<vmem>>) attributes {dimension_semantics = [#tpu.dimension_semantics<arbitrary>], iteration_bounds = array<i64: 20>, scalar_prefetch = 0 : i64, scratch_operands = 0 : i64, tpu.core_type = #tpu.core_type<tc>, window_params = [{transform_indices = @transform_0, window_bounds = array<i64: 512, 128>}, {pipeline_mode = #tpu.pipeline_mode<synchronous>, transform_indices = @transform_1, window_bounds = array<i64: 128, 128>}, {pipeline_mode = #tpu.pipeline_mode<synchronous>, transform_indices = @transform_2, window_bounds = array<i64: 1, 128>}, {pipeline_mode = #tpu.pipeline_mode<synchronous>, transform_indices = @transform_3, window_bounds = array<i64: 1, 128>}, {pipeline_mode = #tpu.pipeline_mode<synchronous>, transform_indices = @transform_4, window_bounds = array<i64: 1, 128>}, {transform_indices = @transform_5, window_bounds = array<i64: 512, 128>}, {transform_indices = @transform_6, window_bounds = array<i64: 512, 128>}, {transform_indices = @transform_7, window_bounds = array<i64: 512, 128>}, {transform_indices = @transform_8, window_bounds = array<i64: 512, 1>}]} {
    %get3A = arith.constant 0 : index
    %get3A_0 = arith.constant 0 : index
    %get3A_1 = vector.load %arg1[%get3A, %get3A_0] : memref<512x128xf32, #tpu.memory_space<vmem>>, vector<512x128xf32>
    %get3A_2 = arith.constant 0 : index
    %get3A_3 = arith.constant 0 : index
    %get3A_4 = vector.load %arg2[%get3A_2, %get3A_3] : memref<128x128xf32, #tpu.memory_space<vmem>>, vector<128x128xf32>
    %dot_general3A = arith.constant dense<0.000000e+00> : vector<512x128xf32>
    %dot_general3A_5 = tpu.matmul %get3A_1, %get3A_4, %dot_general3A {dimension_numbers = #tpu.dot_dimension_numbers<[1], [0], [0], [1], [0, 0, 1, 1], [], []>, transpose_lhs_hint = false} : vector<512x128xf32>, vector<128x128xf32>, vector<512x128xf32> -> vector<512x128xf32>
    %get3A_6 = arith.constant 0 : index
    %get3A_7 = arith.constant 0 : index
    %get3A_8 = vector.load %arg3[%get3A_6, %get3A_7] : memref<1x128xf32, #tpu.memory_space<vmem>>, vector<1x128xf32>
    %add3A = vector.broadcast %get3A_8 : vector<1x128xf32> to vector<512x128xf32>
    %add3A_9 = arith.addf %dot_general3A_5, %add3A : vector<512x128xf32>
    %max3A = arith.constant 0.000000e+00 : f32
    %max3A_10 = vector.broadcast %max3A : f32 to vector<512x128xf32>
    %max3A_11 = arith.maximumf %add3A_9, %max3A_10 : vector<512x128xf32>
    %reduce_sum3A = arith.constant dense<0.000000e+00> : vector<512xf32>
    %reduce_sum3A_12 = vector.multi_reduction <add>, %max3A_11, %reduce_sum3A [1] : vector<512x128xf32> to vector<512xf32>
    %broadcast_in_dim3A = vector.shape_cast %reduce_sum3A_12 : vector<512xf32> to vector<512x1xf32>
    %div3A = arith.constant 1.280000e+02 : f32
    %div3A_13 = vector.broadcast %div3A : f32 to vector<512x1xf32>
    %div3A_14 = arith.divf %broadcast_in_dim3A, %div3A_13 : vector<512x1xf32>
    %sub3A = vector.broadcast %div3A_14 : vector<512x1xf32> to vector<512x128xf32>
    %sub3A_15 = arith.subf %max3A_11, %sub3A : vector<512x128xf32>
    %integer_pow3A = arith.mulf %sub3A_15, %sub3A_15 : vector<512x128xf32>
    %reduce_sum3A_16 = arith.constant dense<0.000000e+00> : vector<512xf32>
    %reduce_sum3A_17 = vector.multi_reduction <add>, %integer_pow3A, %reduce_sum3A_16 [1] : vector<512x128xf32> to vector<512xf32>
    %broadcast_in_dim3A_18 = vector.shape_cast %reduce_sum3A_17 : vector<512xf32> to vector<512x1xf32>
    %div3A_19 = arith.constant 1.280000e+02 : f32
    %div3A_20 = vector.broadcast %div3A_19 : f32 to vector<512x1xf32>
    %div3A_21 = arith.divf %broadcast_in_dim3A_18, %div3A_20 : vector<512x1xf32>
    %sub3A_22 = vector.broadcast %div3A_14 : vector<512x1xf32> to vector<512x128xf32>
    %sub3A_23 = arith.subf %max3A_11, %sub3A_22 : vector<512x128xf32>
    %add3A_24 = arith.constant 9.99999974E-6 : f32
    %add3A_25 = vector.broadcast %add3A_24 : f32 to vector<512x1xf32>
    %add3A_26 = arith.addf %div3A_21, %add3A_25 : vector<512x1xf32>
    %rsqrt3A = math.rsqrt %add3A_26 : vector<512x1xf32>
    %mul3A = vector.broadcast %rsqrt3A : vector<512x1xf32> to vector<512x128xf32>
    %mul3A_27 = arith.mulf %sub3A_23, %mul3A : vector<512x128xf32>
    %get3A_28 = arith.constant 0 : index
    %get3A_29 = arith.constant 0 : index
    %get3A_30 = vector.load %arg4[%get3A_28, %get3A_29] : memref<1x128xf32, #tpu.memory_space<vmem>>, vector<1x128xf32>
    %mul3A_31 = vector.broadcast %get3A_30 : vector<1x128xf32> to vector<512x128xf32>
    %mul3A_32 = arith.mulf %mul3A_27, %mul3A_31 : vector<512x128xf32>
    %get3A_33 = arith.constant 0 : index
    %get3A_34 = arith.constant 0 : index
    %get3A_35 = vector.load %arg5[%get3A_33, %get3A_34] : memref<1x128xf32, #tpu.memory_space<vmem>>, vector<1x128xf32>
    %add3A_36 = vector.broadcast %get3A_35 : vector<1x128xf32> to vector<512x128xf32>
    %add3A_37 = arith.addf %mul3A_32, %add3A_36 : vector<512x128xf32>
    %mul3A_38 = arith.constant 512 : i32
    %mul3A_39 = arith.muli %arg0, %mul3A_38 : i32
    %iota3A = tpu.iota {dimensions = array<i32: 0>} : vector<512x1xi32>
    %add3A_40 = vector.broadcast %mul3A_39 : i32 to vector<512x1xi32>
    %add3A_41 = arith.addi %add3A_40, %iota3A : vector<512x1xi32>
    %lt3A = arith.constant 10000 : i32
    %lt3A_42 = vector.broadcast %lt3A : i32 to vector<512x1xi32>
    %lt3A_43 = arith.cmpi slt, %add3A_41, %lt3A_42 : vector<512x1xi32>
    %jit3A = arith.constant 0.000000e+00 : f32
    %broadcast_in_dim3A_44 = vector.shape_cast %lt3A_43 : vector<512x1xi1> to vector<512x1xi1>
    %broadcast_in_dim3A_45 = vector.broadcast %broadcast_in_dim3A_44 : vector<512x1xi1> to vector<512x128xi1>
    %broadcast_in_dim3A_46 = vector.broadcast %jit3A : f32 to vector<512x128xf32>
    %select_n3A = arith.select %broadcast_in_dim3A_45, %add3A_37, %broadcast_in_dim3A_46 : vector<512x128xi1>, vector<512x128xf32>
    %swap3A = arith.constant 0 : index
    %swap3A_47 = arith.constant 0 : index
    %swap3A_48 = vector.load %arg8[%swap3A, %swap3A_47] : memref<512x128xf32, #tpu.memory_space<vmem>>, vector<512x128xf32>
    tpu.vector_store %arg8[%swap3A, %swap3A_47], %select_n3A {strides = array<i32>} : memref<512x128xf32, #tpu.memory_space<vmem>>, vector<512x128xf32>,
    %get3A_49 = arith.constant 0 : index
    %get3A_50 = arith.constant 0 : index
    %get3A_51 = vector.load %arg6[%get3A_49, %get3A_50] : memref<512x128xf32, #tpu.memory_space<vmem>>, vector<512x128xf32>
    %slice3A = vector.extract_strided_slice %get3A_51 {offsets = [0, 0], sizes = [512, 1], strides = [1, 1]} : vector<512x128xf32> to vector<512x1xf32>
    %get3A_52 = arith.constant 0 : index
    %get3A_53 = arith.constant 0 : index
    %get3A_54 = vector.load %arg7[%get3A_52, %get3A_53] : memref<512x128xf32, #tpu.memory_space<vmem>>, vector<512x128xf32>
    %slice3A_55 = vector.extract_strided_slice %get3A_54 {offsets = [0, 0], sizes = [512, 1], strides = [1, 1]} : vector<512x128xf32> to vector<512x1xf32>
    %add3A_56 = arith.addf %slice3A, %slice3A_55 : vector<512x1xf32>
    %add3A_57 = arith.constant 1.000000e+00 : f32
    %add3A_58 = vector.broadcast %add3A_57 : f32 to vector<512x1xf32>
    %add3A_59 = arith.addf %add3A_56, %add3A_58 : vector<512x1xf32>
    %div3A_60 = arith.constant 1.000000e+00 : f32
    %div3A_61 = vector.broadcast %div3A_60 : f32 to vector<512x1xf32>
    %div3A_62 = arith.divf %div3A_61, %add3A_59 : vector<512x1xf32>
    %swap3A_63 = arith.constant 0 : index
    %swap3A_64 = arith.constant 0 : index
    %swap3A_65 = vector.load %arg9[%swap3A_63, %swap3A_64] : memref<512x1xf32, #tpu.memory_space<vmem>>, vector<512x1xf32>
    tpu.vector_store %arg9[%swap3A_63, %swap3A_64], %div3A_62 {strides = array<i32>} : memref<512x1xf32, #tpu.memory_space<vmem>>, vector<512x1xf32>,
    return
  }
  func.func @transform_0(%arg0: i32) -> (i32, i32) {
    %c0_i32 = arith.constant 0 : i32
    %c0_i32_0 = arith.constant 0 : i32
    return %arg0, %c0_i32 : i32, i32
  }
  func.func @transform_1(%arg0: i32) -> (i32, i32) {
    %c0_i32 = arith.constant 0 : i32
    %c0_i32_0 = arith.constant 0 : i32
    %c0_i32_1 = arith.constant 0 : i32
    return %c0_i32, %c0_i32_0 : i32, i32
  }
  func.func @transform_2(%arg0: i32) -> (i32, i32) {
    %c0_i32 = arith.constant 0 : i32
    %c0_i32_0 = arith.constant 0 : i32
    %c0_i32_1 = arith.constant 0 : i32
    return %c0_i32, %c0_i32_0 : i32, i32
  }
  func.func @transform_3(%arg0: i32) -> (i32, i32) {
    %c0_i32 = arith.constant 0 : i32
    %c0_i32_0 = arith.constant 0 : i32
    %c0_i32_1 = arith.constant 0 : i32
    return %c0_i32, %c0_i32_0 : i32, i32
  }
  func.func @transform_4(%arg0: i32) -> (i32, i32) {
    %c0_i32 = arith.constant 0 : i32
    %c0_i32_0 = arith.constant 0 : i32
    %c0_i32_1 = arith.constant 0 : i32
    return %c0_i32, %c0_i32_0 : i32, i32
  }
  func.func @transform_5(%arg0: i32) -> (i32, i32) {
    %c0_i32 = arith.constant 0 : i32
    %c0_i32_0 = arith.constant 0 : i32
    return %arg0, %c0_i32 : i32, i32
  }
  func.func @transform_6(%arg0: i32) -> (i32, i32) {
    %c0_i32 = arith.constant 0 : i32
    %c0_i32_0 = arith.constant 0 : i32
    return %arg0, %c0_i32 : i32, i32
  }
  func.func @transform_7(%arg0: i32) -> (i32, i32) {
    %c0_i32 = arith.constant 0 : i32
    %c0_i32_0 = arith.constant 0 : i32
    return %arg0, %c0_i32 : i32, i32
  }
  func.func @transform_8(%arg0: i32) -> (i32, i32) {
    %c0_i32 = arith.constant 0 : i32
    %c0_i32_0 = arith.constant 0 : i32
    return %arg0, %c0_i32 : i32, i32
  }
}

module attributes {stable_mosaic.version = 14 : i64} {
  func.func @_layer_body(%arg0: i32, %arg1: memref<512x128xf32, #tpu.memory_space<vmem>>, %arg2: memref<2x512x128xf32, #tpu.memory_space<vmem>>, %arg3: memref<512x1xf32, #tpu.memory_space<vmem>>, %arg4: memref<512x16xf32, #tpu.memory_space<vmem>>, %arg5: memref<128x16xf32, #tpu.memory_space<vmem>>, %arg6: memref<128x16xf32, #tpu.memory_space<vmem>>, %arg7: memref<1x16xf32, #tpu.memory_space<vmem>>, %arg8: memref<1x128xf32, #tpu.memory_space<vmem>>, %arg9: memref<1x128xf32, #tpu.memory_space<vmem>>, %arg10: memref<16x16xf32, #tpu.memory_space<vmem>>, %arg11: memref<16x128xf32, #tpu.memory_space<vmem>>, %arg12: memref<512x128xf32, #tpu.memory_space<vmem>>, %arg13: memref<512x16xf32, #tpu.memory_space<vmem>>) attributes {dimension_semantics = [#tpu.dimension_semantics<arbitrary>], iteration_bounds = array<i64: 20>, scalar_prefetch = 0 : i64, scratch_operands = 0 : i64, tpu.core_type = #tpu.core_type<tc>, window_params = [{transform_indices = @transform_0, window_bounds = array<i64: 512, 128>}, {transform_indices = @transform_1, window_bounds = array<i64: 2, 512, 128>}, {transform_indices = @transform_2, window_bounds = array<i64: 512, 1>}, {transform_indices = @transform_3, window_bounds = array<i64: 512, 16>}, {pipeline_mode = #tpu.pipeline_mode<synchronous>, transform_indices = @transform_4, window_bounds = array<i64: 128, 16>}, {pipeline_mode = #tpu.pipeline_mode<synchronous>, transform_indices = @transform_5, window_bounds = array<i64: 128, 16>}, {pipeline_mode = #tpu.pipeline_mode<synchronous>, transform_indices = @transform_6, window_bounds = array<i64: 1, 16>}, {pipeline_mode = #tpu.pipeline_mode<synchronous>, transform_indices = @transform_7, window_bounds = array<i64: 1, 128>}, {pipeline_mode = #tpu.pipeline_mode<synchronous>, transform_indices = @transform_8, window_bounds = array<i64: 1, 128>}, {pipeline_mode = #tpu.pipeline_mode<synchronous>, transform_indices = @transform_9, window_bounds = array<i64: 16, 16>}, {pipeline_mode = #tpu.pipeline_mode<synchronous>, transform_indices = @transform_10, window_bounds = array<i64: 16, 128>}, {transform_indices = @transform_11, window_bounds = array<i64: 512, 128>}, {transform_indices = @transform_12, window_bounds = array<i64: 512, 16>}]} {
    %get3A = arith.constant 0 : index
    %get3A_0 = arith.constant 0 : index
    %get3A_1 = vector.load %arg1[%get3A, %get3A_0] : memref<512x128xf32, #tpu.memory_space<vmem>>, vector<512x128xf32>
    %get3A_2 = arith.constant 0 : index
    %get3A_3 = arith.constant 0 : index
    %get3A_4 = arith.constant 0 : index
    %get3A_5 = vector.load %arg2[%get3A_2, %get3A_3, %get3A_4] : memref<2x512x128xf32, #tpu.memory_space<vmem>>, vector<2x512x128xf32>
    %slice3A = vector.extract_strided_slice %get3A_5 {offsets = [0, 0, 0], sizes = [1, 512, 128], strides = [1, 1, 1]} : vector<2x512x128xf32> to vector<1x512x128xf32>
    %squeeze3A = vector.shape_cast %slice3A : vector<1x512x128xf32> to vector<512x128xf32>
    %slice3A_6 = vector.extract_strided_slice %get3A_5 {offsets = [1, 0, 0], sizes = [1, 512, 128], strides = [1, 1, 1]} : vector<2x512x128xf32> to vector<1x512x128xf32>
    %squeeze3A_7 = vector.shape_cast %slice3A_6 : vector<1x512x128xf32> to vector<512x128xf32>
    %add3A = arith.addf %squeeze3A, %squeeze3A_7 : vector<512x128xf32>
    %add3A_8 = arith.addf %add3A, %get3A_1 : vector<512x128xf32>
    %get3A_9 = arith.constant 0 : index
    %get3A_10 = arith.constant 0 : index
    %get3A_11 = vector.load %arg3[%get3A_9, %get3A_10] : memref<512x1xf32, #tpu.memory_space<vmem>>, vector<512x1xf32>
    %mul3A = vector.broadcast %get3A_11 : vector<512x1xf32> to vector<512x128xf32>
    %mul3A_12 = arith.mulf %add3A_8, %mul3A : vector<512x128xf32>
    %get3A_13 = arith.constant 0 : index
    %get3A_14 = arith.constant 0 : index
    %get3A_15 = vector.load %arg5[%get3A_13, %get3A_14] : memref<128x16xf32, #tpu.memory_space<vmem>>, vector<128x16xf32>
    %dot_general3A = arith.constant dense<0.000000e+00> : vector<512x16xf32>
    %dot_general3A_16 = tpu.matmul %get3A_1, %get3A_15, %dot_general3A {dimension_numbers = #tpu.dot_dimension_numbers<[1], [0], [0], [1], [0, 0, 1, 1], [], []>, transpose_lhs_hint = false} : vector<512x128xf32>, vector<128x16xf32>, vector<512x16xf32> -> vector<512x16xf32>
    %get3A_17 = arith.constant 0 : index
    %get3A_18 = arith.constant 0 : index
    %get3A_19 = vector.load %arg6[%get3A_17, %get3A_18] : memref<128x16xf32, #tpu.memory_space<vmem>>, vector<128x16xf32>
    %dot_general3A_20 = arith.constant dense<0.000000e+00> : vector<512x16xf32>
    %dot_general3A_21 = tpu.matmul %mul3A_12, %get3A_19, %dot_general3A_20 {dimension_numbers = #tpu.dot_dimension_numbers<[1], [0], [0], [1], [0, 0, 1, 1], [], []>, transpose_lhs_hint = false} : vector<512x128xf32>, vector<128x16xf32>, vector<512x16xf32> -> vector<512x16xf32>
    %add3A_22 = arith.addf %dot_general3A_16, %dot_general3A_21 : vector<512x16xf32>
    %get3A_23 = arith.constant 0 : index
    %get3A_24 = arith.constant 0 : index
    %get3A_25 = vector.load %arg7[%get3A_23, %get3A_24] : memref<1x16xf32, #tpu.memory_space<vmem>>, vector<1x16xf32>
    %add3A_26 = vector.broadcast %get3A_25 : vector<1x16xf32> to vector<512x16xf32>
    %add3A_27 = arith.addf %add3A_22, %add3A_26 : vector<512x16xf32>
    %reduce_max3A = arith.constant dense<0xFF800000> : vector<512xf32>
    %reduce_max3A_28 = vector.multi_reduction <maximumf>, %add3A_27, %reduce_max3A [1] : vector<512x16xf32> to vector<512xf32>
    %broadcast_in_dim3A = vector.shape_cast %reduce_max3A_28 : vector<512xf32> to vector<512x1xf32>
    %sub3A = vector.broadcast %broadcast_in_dim3A : vector<512x1xf32> to vector<512x16xf32>
    %sub3A_29 = arith.subf %add3A_27, %sub3A : vector<512x16xf32>
    %exp3A = math.exp %sub3A_29 : vector<512x16xf32>
    %reduce_sum3A = arith.constant dense<0.000000e+00> : vector<512xf32>
    %reduce_sum3A_30 = vector.multi_reduction <add>, %exp3A, %reduce_sum3A [1] : vector<512x16xf32> to vector<512xf32>
    %broadcast_in_dim3A_31 = vector.shape_cast %reduce_sum3A_30 : vector<512xf32> to vector<512x1xf32>
    %div3A = vector.broadcast %broadcast_in_dim3A_31 : vector<512x1xf32> to vector<512x16xf32>
    %div3A_32 = arith.divf %exp3A, %div3A : vector<512x16xf32>
    %get3A_33 = arith.constant 0 : index
    %get3A_34 = arith.constant 0 : index
    %get3A_35 = vector.load %arg10[%get3A_33, %get3A_34] : memref<16x16xf32, #tpu.memory_space<vmem>>, vector<16x16xf32>
    %dot_general3A_36 = arith.constant dense<0.000000e+00> : vector<512x16xf32>
    %dot_general3A_37 = tpu.matmul %div3A_32, %get3A_35, %dot_general3A_36 {dimension_numbers = #tpu.dot_dimension_numbers<[1], [0], [0], [1], [0, 0, 1, 1], [], []>, transpose_lhs_hint = false} : vector<512x16xf32>, vector<16x16xf32>, vector<512x16xf32> -> vector<512x16xf32>
    %get3A_38 = arith.constant 0 : index
    %get3A_39 = arith.constant 0 : index
    %get3A_40 = vector.load %arg4[%get3A_38, %get3A_39] : memref<512x16xf32, #tpu.memory_space<vmem>>, vector<512x16xf32>
    %sub3A_41 = arith.constant 1.000000e+00 : f32
    %sub3A_42 = vector.broadcast %sub3A_41 : f32 to vector<512x16xf32>
    %sub3A_43 = arith.subf %sub3A_42, %get3A_40 : vector<512x16xf32>
    %mul3A_44 = arith.mulf %sub3A_43, %dot_general3A_37 : vector<512x16xf32>
    %add3A_45 = arith.addf %get3A_40, %mul3A_44 : vector<512x16xf32>
    %get3A_46 = arith.constant 0 : index
    %get3A_47 = arith.constant 0 : index
    %get3A_48 = vector.load %arg11[%get3A_46, %get3A_47] : memref<16x128xf32, #tpu.memory_space<vmem>>, vector<16x128xf32>
    %dot_general3A_49 = arith.constant dense<0.000000e+00> : vector<512x128xf32>
    %dot_general3A_50 = tpu.matmul %add3A_45, %get3A_48, %dot_general3A_49 {dimension_numbers = #tpu.dot_dimension_numbers<[1], [0], [0], [1], [0, 0, 1, 1], [], []>, transpose_lhs_hint = false} : vector<512x16xf32>, vector<16x128xf32>, vector<512x128xf32> -> vector<512x128xf32>
    %mul3A_51 = arith.mulf %get3A_1, %dot_general3A_50 : vector<512x128xf32>
    %sub3A_52 = arith.constant 1.000000e+00 : f32
    %sub3A_53 = vector.broadcast %sub3A_52 : f32 to vector<512x128xf32>
    %sub3A_54 = arith.subf %sub3A_53, %dot_general3A_50 : vector<512x128xf32>
    %mul3A_55 = arith.mulf %mul3A_12, %sub3A_54 : vector<512x128xf32>
    %add3A_56 = arith.addf %mul3A_51, %mul3A_55 : vector<512x128xf32>
    %reduce_sum3A_57 = arith.constant dense<0.000000e+00> : vector<512xf32>
    %reduce_sum3A_58 = vector.multi_reduction <add>, %add3A_56, %reduce_sum3A_57 [1] : vector<512x128xf32> to vector<512xf32>
    %broadcast_in_dim3A_59 = vector.shape_cast %reduce_sum3A_58 : vector<512xf32> to vector<512x1xf32>
    %div3A_60 = arith.constant 1.280000e+02 : f32
    %div3A_61 = vector.broadcast %div3A_60 : f32 to vector<512x1xf32>
    %div3A_62 = arith.divf %broadcast_in_dim3A_59, %div3A_61 : vector<512x1xf32>
    %sub3A_63 = vector.broadcast %div3A_62 : vector<512x1xf32> to vector<512x128xf32>
    %sub3A_64 = arith.subf %add3A_56, %sub3A_63 : vector<512x128xf32>
    %integer_pow3A = arith.mulf %sub3A_64, %sub3A_64 : vector<512x128xf32>
    %reduce_sum3A_65 = arith.constant dense<0.000000e+00> : vector<512xf32>
    %reduce_sum3A_66 = vector.multi_reduction <add>, %integer_pow3A, %reduce_sum3A_65 [1] : vector<512x128xf32> to vector<512xf32>
    %broadcast_in_dim3A_67 = vector.shape_cast %reduce_sum3A_66 : vector<512xf32> to vector<512x1xf32>
    %div3A_68 = arith.constant 1.280000e+02 : f32
    %div3A_69 = vector.broadcast %div3A_68 : f32 to vector<512x1xf32>
    %div3A_70 = arith.divf %broadcast_in_dim3A_67, %div3A_69 : vector<512x1xf32>
    %sub3A_71 = vector.broadcast %div3A_62 : vector<512x1xf32> to vector<512x128xf32>
    %sub3A_72 = arith.subf %add3A_56, %sub3A_71 : vector<512x128xf32>
    %add3A_73 = arith.constant 9.99999974E-6 : f32
    %add3A_74 = vector.broadcast %add3A_73 : f32 to vector<512x1xf32>
    %add3A_75 = arith.addf %div3A_70, %add3A_74 : vector<512x1xf32>
    %rsqrt3A = math.rsqrt %add3A_75 : vector<512x1xf32>
    %mul3A_76 = vector.broadcast %rsqrt3A : vector<512x1xf32> to vector<512x128xf32>
    %mul3A_77 = arith.mulf %sub3A_72, %mul3A_76 : vector<512x128xf32>
    %get3A_78 = arith.constant 0 : index
    %get3A_79 = arith.constant 0 : index
    %get3A_80 = vector.load %arg8[%get3A_78, %get3A_79] : memref<1x128xf32, #tpu.memory_space<vmem>>, vector<1x128xf32>
    %mul3A_81 = vector.broadcast %get3A_80 : vector<1x128xf32> to vector<512x128xf32>
    %mul3A_82 = arith.mulf %mul3A_77, %mul3A_81 : vector<512x128xf32>
    %get3A_83 = arith.constant 0 : index
    %get3A_84 = arith.constant 0 : index
    %get3A_85 = vector.load %arg9[%get3A_83, %get3A_84] : memref<1x128xf32, #tpu.memory_space<vmem>>, vector<1x128xf32>
    %add3A_86 = vector.broadcast %get3A_85 : vector<1x128xf32> to vector<512x128xf32>
    %add3A_87 = arith.addf %mul3A_82, %add3A_86 : vector<512x128xf32>
    %mul3A_88 = arith.constant 512 : i32
    %mul3A_89 = arith.muli %arg0, %mul3A_88 : i32
    %iota3A = tpu.iota {dimensions = array<i32: 0>} : vector<512x1xi32>
    %add3A_90 = vector.broadcast %mul3A_89 : i32 to vector<512x1xi32>
    %add3A_91 = arith.addi %add3A_90, %iota3A : vector<512x1xi32>
    %lt3A = arith.constant 10000 : i32
    %lt3A_92 = vector.broadcast %lt3A : i32 to vector<512x1xi32>
    %lt3A_93 = arith.cmpi slt, %add3A_91, %lt3A_92 : vector<512x1xi32>
    %jit3A = arith.constant 0.000000e+00 : f32
    %broadcast_in_dim3A_94 = vector.shape_cast %lt3A_93 : vector<512x1xi1> to vector<512x1xi1>
    %broadcast_in_dim3A_95 = vector.broadcast %broadcast_in_dim3A_94 : vector<512x1xi1> to vector<512x128xi1>
    %broadcast_in_dim3A_96 = vector.broadcast %jit3A : f32 to vector<512x128xf32>
    %select_n3A = arith.select %broadcast_in_dim3A_95, %add3A_87, %broadcast_in_dim3A_96 : vector<512x128xi1>, vector<512x128xf32>
    %swap3A = arith.constant 0 : index
    %swap3A_97 = arith.constant 0 : index
    %swap3A_98 = vector.load %arg12[%swap3A, %swap3A_97] : memref<512x128xf32, #tpu.memory_space<vmem>>, vector<512x128xf32>
    tpu.vector_store %arg12[%swap3A, %swap3A_97], %select_n3A {strides = array<i32>} : memref<512x128xf32, #tpu.memory_space<vmem>>, vector<512x128xf32>,
    %swap3A_99 = arith.constant 0 : index
    %swap3A_100 = arith.constant 0 : index
    %swap3A_101 = vector.load %arg13[%swap3A_99, %swap3A_100] : memref<512x16xf32, #tpu.memory_space<vmem>>, vector<512x16xf32>
    tpu.vector_store %arg13[%swap3A_99, %swap3A_100], %add3A_45 {strides = array<i32>} : memref<512x16xf32, #tpu.memory_space<vmem>>, vector<512x16xf32>,
    return
  }
  func.func @transform_0(%arg0: i32) -> (i32, i32) {
    %c0_i32 = arith.constant 0 : i32
    %c0_i32_0 = arith.constant 0 : i32
    return %arg0, %c0_i32 : i32, i32
  }
  func.func @transform_1(%arg0: i32) -> (i32, i32, i32) {
    %c0_i32 = arith.constant 0 : i32
    %c0_i32_0 = arith.constant 0 : i32
    %c0_i32_1 = arith.constant 0 : i32
    return %c0_i32, %arg0, %c0_i32_0 : i32, i32, i32
  }
  func.func @transform_2(%arg0: i32) -> (i32, i32) {
    %c0_i32 = arith.constant 0 : i32
    %c0_i32_0 = arith.constant 0 : i32
    return %arg0, %c0_i32 : i32, i32
  }
  func.func @transform_3(%arg0: i32) -> (i32, i32) {
    %c0_i32 = arith.constant 0 : i32
    %c0_i32_0 = arith.constant 0 : i32
    return %arg0, %c0_i32 : i32, i32
  }
  func.func @transform_4(%arg0: i32) -> (i32, i32) {
    %c0_i32 = arith.constant 0 : i32
    %c0_i32_0 = arith.constant 0 : i32
    %c0_i32_1 = arith.constant 0 : i32
    return %c0_i32, %c0_i32_0 : i32, i32
  }
  func.func @transform_5(%arg0: i32) -> (i32, i32) {
    %c0_i32 = arith.constant 0 : i32
    %c0_i32_0 = arith.constant 0 : i32
    %c0_i32_1 = arith.constant 0 : i32
    return %c0_i32, %c0_i32_0 : i32, i32
  }
  func.func @transform_6(%arg0: i32) -> (i32, i32) {
    %c0_i32 = arith.constant 0 : i32
    %c0_i32_0 = arith.constant 0 : i32
    %c0_i32_1 = arith.constant 0 : i32
    return %c0_i32, %c0_i32_0 : i32, i32
  }
  func.func @transform_7(%arg0: i32) -> (i32, i32) {
    %c0_i32 = arith.constant 0 : i32
    %c0_i32_0 = arith.constant 0 : i32
    %c0_i32_1 = arith.constant 0 : i32
    return %c0_i32, %c0_i32_0 : i32, i32
  }
  func.func @transform_8(%arg0: i32) -> (i32, i32) {
    %c0_i32 = arith.constant 0 : i32
    %c0_i32_0 = arith.constant 0 : i32
    %c0_i32_1 = arith.constant 0 : i32
    return %c0_i32, %c0_i32_0 : i32, i32
  }
  func.func @transform_9(%arg0: i32) -> (i32, i32) {
    %c0_i32 = arith.constant 0 : i32
    %c0_i32_0 = arith.constant 0 : i32
    %c0_i32_1 = arith.constant 0 : i32
    return %c0_i32, %c0_i32_0 : i32, i32
  }
  func.func @transform_10(%arg0: i32) -> (i32, i32) {
    %c0_i32 = arith.constant 0 : i32
    %c0_i32_0 = arith.constant 0 : i32
    %c0_i32_1 = arith.constant 0 : i32
    return %c0_i32, %c0_i32_0 : i32, i32
  }
  func.func @transform_11(%arg0: i32) -> (i32, i32) {
    %c0_i32 = arith.constant 0 : i32
    %c0_i32_0 = arith.constant 0 : i32
    return %arg0, %c0_i32 : i32, i32
  }
  func.func @transform_12(%arg0: i32) -> (i32, i32) {
    %c0_i32 = arith.constant 0 : i32
    %c0_i32_0 = arith.constant 0 : i32
    return %arg0, %c0_i32 : i32, i32
  }
}

module attributes {stable_mosaic.version = 14 : i64} {
  func.func @_tout_body(%arg0: i32, %arg1: memref<512x128xf32, #tpu.memory_space<vmem>>, %arg2: memref<128x16xf32, #tpu.memory_space<vmem>>, %arg3: memref<1x16xf32, #tpu.memory_space<vmem>>, %arg4: memref<512x16xf32, #tpu.memory_space<vmem>>) attributes {dimension_semantics = [#tpu.dimension_semantics<arbitrary>], iteration_bounds = array<i64: 20>, scalar_prefetch = 0 : i64, scratch_operands = 0 : i64, tpu.core_type = #tpu.core_type<tc>, window_params = [{transform_indices = @transform_0, window_bounds = array<i64: 512, 128>}, {pipeline_mode = #tpu.pipeline_mode<synchronous>, transform_indices = @transform_1, window_bounds = array<i64: 128, 16>}, {pipeline_mode = #tpu.pipeline_mode<synchronous>, transform_indices = @transform_2, window_bounds = array<i64: 1, 16>}, {transform_indices = @transform_3, window_bounds = array<i64: 512, 16>}]} {
    %get3A = arith.constant 0 : index
    %get3A_0 = arith.constant 0 : index
    %get3A_1 = vector.load %arg1[%get3A, %get3A_0] : memref<512x128xf32, #tpu.memory_space<vmem>>, vector<512x128xf32>
    %get3A_2 = arith.constant 0 : index
    %get3A_3 = arith.constant 0 : index
    %get3A_4 = vector.load %arg2[%get3A_2, %get3A_3] : memref<128x16xf32, #tpu.memory_space<vmem>>, vector<128x16xf32>
    %dot_general3A = arith.constant dense<0.000000e+00> : vector<512x16xf32>
    %dot_general3A_5 = tpu.matmul %get3A_1, %get3A_4, %dot_general3A {dimension_numbers = #tpu.dot_dimension_numbers<[1], [0], [0], [1], [0, 0, 1, 1], [], []>, transpose_lhs_hint = false} : vector<512x128xf32>, vector<128x16xf32>, vector<512x16xf32> -> vector<512x16xf32>
    %get3A_6 = arith.constant 0 : index
    %get3A_7 = arith.constant 0 : index
    %get3A_8 = vector.load %arg3[%get3A_6, %get3A_7] : memref<1x16xf32, #tpu.memory_space<vmem>>, vector<1x16xf32>
    %add3A = vector.broadcast %get3A_8 : vector<1x16xf32> to vector<512x16xf32>
    %add3A_9 = arith.addf %dot_general3A_5, %add3A : vector<512x16xf32>
    %swap3A = arith.constant 0 : index
    %swap3A_10 = arith.constant 0 : index
    %swap3A_11 = vector.load %arg4[%swap3A, %swap3A_10] : memref<512x16xf32, #tpu.memory_space<vmem>>, vector<512x16xf32>
    tpu.vector_store %arg4[%swap3A, %swap3A_10], %add3A_9 {strides = array<i32>} : memref<512x16xf32, #tpu.memory_space<vmem>>, vector<512x16xf32>,
    return
  }
  func.func @transform_0(%arg0: i32) -> (i32, i32) {
    %c0_i32 = arith.constant 0 : i32
    %c0_i32_0 = arith.constant 0 : i32
    return %arg0, %c0_i32 : i32, i32
  }
  func.func @transform_1(%arg0: i32) -> (i32, i32) {
    %c0_i32 = arith.constant 0 : i32
    %c0_i32_0 = arith.constant 0 : i32
    %c0_i32_1 = arith.constant 0 : i32
    return %c0_i32, %c0_i32_0 : i32, i32
  }
  func.func @transform_2(%arg0: i32) -> (i32, i32) {
    %c0_i32 = arith.constant 0 : i32
    %c0_i32_0 = arith.constant 0 : i32
    %c0_i32_1 = arith.constant 0 : i32
    return %c0_i32, %c0_i32_0 : i32, i32
  }
  func.func @transform_3(%arg0: i32) -> (i32, i32) {
    %c0_i32 = arith.constant 0 : i32
    %c0_i32_0 = arith.constant 0 : i32
    return %arg0, %c0_i32 : i32, i32
  }
}

module attributes {stable_mosaic.version = 14 : i64} {
  func.func @_layer_body(%arg0: i32, %arg1: memref<512x128xf32, #tpu.memory_space<vmem>>, %arg2: memref<2x512x128xf32, #tpu.memory_space<vmem>>, %arg3: memref<512x1xf32, #tpu.memory_space<vmem>>, %arg4: memref<512x16xf32, #tpu.memory_space<vmem>>, %arg5: memref<128x16xf32, #tpu.memory_space<vmem>>, %arg6: memref<128x16xf32, #tpu.memory_space<vmem>>, %arg7: memref<1x16xf32, #tpu.memory_space<vmem>>, %arg8: memref<1x128xf32, #tpu.memory_space<vmem>>, %arg9: memref<1x128xf32, #tpu.memory_space<vmem>>, %arg10: memref<16x16xf32, #tpu.memory_space<vmem>>, %arg11: memref<16x128xf32, #tpu.memory_space<vmem>>, %arg12: memref<512x128xf32, #tpu.memory_space<vmem>>, %arg13: memref<512x16xf32, #tpu.memory_space<vmem>>) attributes {dimension_semantics = [#tpu.dimension_semantics<arbitrary>], iteration_bounds = array<i64: 20>, scalar_prefetch = 0 : i64, scratch_operands = 0 : i64, tpu.core_type = #tpu.core_type<tc>, window_params = [{transform_indices = @transform_0, window_bounds = array<i64: 512, 128>}, {transform_indices = @transform_1, window_bounds = array<i64: 2, 512, 128>}, {transform_indices = @transform_2, window_bounds = array<i64: 512, 1>}, {transform_indices = @transform_3, window_bounds = array<i64: 512, 16>}, {pipeline_mode = #tpu.pipeline_mode<synchronous>, transform_indices = @transform_4, window_bounds = array<i64: 128, 16>}, {pipeline_mode = #tpu.pipeline_mode<synchronous>, transform_indices = @transform_5, window_bounds = array<i64: 128, 16>}, {pipeline_mode = #tpu.pipeline_mode<synchronous>, transform_indices = @transform_6, window_bounds = array<i64: 1, 16>}, {pipeline_mode = #tpu.pipeline_mode<synchronous>, transform_indices = @transform_7, window_bounds = array<i64: 1, 128>}, {pipeline_mode = #tpu.pipeline_mode<synchronous>, transform_indices = @transform_8, window_bounds = array<i64: 1, 128>}, {pipeline_mode = #tpu.pipeline_mode<synchronous>, transform_indices = @transform_9, window_bounds = array<i64: 16, 16>}, {pipeline_mode = #tpu.pipeline_mode<synchronous>, transform_indices = @transform_10, window_bounds = array<i64: 16, 128>}, {transform_indices = @transform_11, window_bounds = array<i64: 512, 128>}, {transform_indices = @transform_12, window_bounds = array<i64: 512, 16>}]} {
    %get3A = arith.constant 0 : index
    %get3A_0 = arith.constant 0 : index
    %get3A_1 = vector.load %arg1[%get3A, %get3A_0] : memref<512x128xf32, #tpu.memory_space<vmem>>, vector<512x128xf32>
    %get3A_2 = arith.constant 0 : index
    %get3A_3 = arith.constant 0 : index
    %get3A_4 = arith.constant 0 : index
    %get3A_5 = vector.load %arg2[%get3A_2, %get3A_3, %get3A_4] : memref<2x512x128xf32, #tpu.memory_space<vmem>>, vector<2x512x128xf32>
    %slice3A = vector.extract_strided_slice %get3A_5 {offsets = [0, 0, 0], sizes = [1, 512, 128], strides = [1, 1, 1]} : vector<2x512x128xf32> to vector<1x512x128xf32>
    %squeeze3A = vector.shape_cast %slice3A : vector<1x512x128xf32> to vector<512x128xf32>
    %slice3A_6 = vector.extract_strided_slice %get3A_5 {offsets = [1, 0, 0], sizes = [1, 512, 128], strides = [1, 1, 1]} : vector<2x512x128xf32> to vector<1x512x128xf32>
    %squeeze3A_7 = vector.shape_cast %slice3A_6 : vector<1x512x128xf32> to vector<512x128xf32>
    %add3A = arith.addf %squeeze3A, %squeeze3A_7 : vector<512x128xf32>
    %add3A_8 = arith.addf %add3A, %get3A_1 : vector<512x128xf32>
    %get3A_9 = arith.constant 0 : index
    %get3A_10 = arith.constant 0 : index
    %get3A_11 = vector.load %arg3[%get3A_9, %get3A_10] : memref<512x1xf32, #tpu.memory_space<vmem>>, vector<512x1xf32>
    %mul3A = vector.broadcast %get3A_11 : vector<512x1xf32> to vector<512x128xf32>
    %mul3A_12 = arith.mulf %add3A_8, %mul3A : vector<512x128xf32>
    %get3A_13 = arith.constant 0 : index
    %get3A_14 = arith.constant 0 : index
    %get3A_15 = vector.load %arg5[%get3A_13, %get3A_14] : memref<128x16xf32, #tpu.memory_space<vmem>>, vector<128x16xf32>
    %dot_general3A = arith.constant dense<0.000000e+00> : vector<512x16xf32>
    %dot_general3A_16 = tpu.matmul %get3A_1, %get3A_15, %dot_general3A {dimension_numbers = #tpu.dot_dimension_numbers<[1], [0], [0], [1], [0, 0, 1, 1], [], []>, transpose_lhs_hint = false} : vector<512x128xf32>, vector<128x16xf32>, vector<512x16xf32> -> vector<512x16xf32>
    %get3A_17 = arith.constant 0 : index
    %get3A_18 = arith.constant 0 : index
    %get3A_19 = vector.load %arg6[%get3A_17, %get3A_18] : memref<128x16xf32, #tpu.memory_space<vmem>>, vector<128x16xf32>
    %dot_general3A_20 = arith.constant dense<0.000000e+00> : vector<512x16xf32>
    %dot_general3A_21 = tpu.matmul %mul3A_12, %get3A_19, %dot_general3A_20 {dimension_numbers = #tpu.dot_dimension_numbers<[1], [0], [0], [1], [0, 0, 1, 1], [], []>, transpose_lhs_hint = false} : vector<512x128xf32>, vector<128x16xf32>, vector<512x16xf32> -> vector<512x16xf32>
    %add3A_22 = arith.addf %dot_general3A_16, %dot_general3A_21 : vector<512x16xf32>
    %get3A_23 = arith.constant 0 : index
    %get3A_24 = arith.constant 0 : index
    %get3A_25 = vector.load %arg7[%get3A_23, %get3A_24] : memref<1x16xf32, #tpu.memory_space<vmem>>, vector<1x16xf32>
    %add3A_26 = vector.broadcast %get3A_25 : vector<1x16xf32> to vector<512x16xf32>
    %add3A_27 = arith.addf %add3A_22, %add3A_26 : vector<512x16xf32>
    %reduce_max3A = arith.constant dense<0xFF800000> : vector<512xf32>
    %reduce_max3A_28 = vector.multi_reduction <maximumf>, %add3A_27, %reduce_max3A [1] : vector<512x16xf32> to vector<512xf32>
    %broadcast_in_dim3A = vector.shape_cast %reduce_max3A_28 : vector<512xf32> to vector<512x1xf32>
    %sub3A = vector.broadcast %broadcast_in_dim3A : vector<512x1xf32> to vector<512x16xf32>
    %sub3A_29 = arith.subf %add3A_27, %sub3A : vector<512x16xf32>
    %exp3A = math.exp %sub3A_29 : vector<512x16xf32>
    %reduce_sum3A = arith.constant dense<0.000000e+00> : vector<512xf32>
    %reduce_sum3A_30 = vector.multi_reduction <add>, %exp3A, %reduce_sum3A [1] : vector<512x16xf32> to vector<512xf32>
    %broadcast_in_dim3A_31 = vector.shape_cast %reduce_sum3A_30 : vector<512xf32> to vector<512x1xf32>
    %div3A = vector.broadcast %broadcast_in_dim3A_31 : vector<512x1xf32> to vector<512x16xf32>
    %div3A_32 = arith.divf %exp3A, %div3A : vector<512x16xf32>
    %get3A_33 = arith.constant 0 : index
    %get3A_34 = arith.constant 0 : index
    %get3A_35 = vector.load %arg10[%get3A_33, %get3A_34] : memref<16x16xf32, #tpu.memory_space<vmem>>, vector<16x16xf32>
    %dot_general3A_36 = arith.constant dense<0.000000e+00> : vector<512x16xf32>
    %dot_general3A_37 = tpu.matmul %div3A_32, %get3A_35, %dot_general3A_36 {dimension_numbers = #tpu.dot_dimension_numbers<[1], [0], [0], [1], [0, 0, 1, 1], [], []>, transpose_lhs_hint = false} : vector<512x16xf32>, vector<16x16xf32>, vector<512x16xf32> -> vector<512x16xf32>
    %get3A_38 = arith.constant 0 : index
    %get3A_39 = arith.constant 0 : index
    %get3A_40 = vector.load %arg4[%get3A_38, %get3A_39] : memref<512x16xf32, #tpu.memory_space<vmem>>, vector<512x16xf32>
    %sub3A_41 = arith.constant 1.000000e+00 : f32
    %sub3A_42 = vector.broadcast %sub3A_41 : f32 to vector<512x16xf32>
    %sub3A_43 = arith.subf %sub3A_42, %get3A_40 : vector<512x16xf32>
    %mul3A_44 = arith.mulf %sub3A_43, %dot_general3A_37 : vector<512x16xf32>
    %add3A_45 = arith.addf %get3A_40, %mul3A_44 : vector<512x16xf32>
    %get3A_46 = arith.constant 0 : index
    %get3A_47 = arith.constant 0 : index
    %get3A_48 = vector.load %arg11[%get3A_46, %get3A_47] : memref<16x128xf32, #tpu.memory_space<vmem>>, vector<16x128xf32>
    %dot_general3A_49 = arith.constant dense<0.000000e+00> : vector<512x128xf32>
    %dot_general3A_50 = tpu.matmul %add3A_45, %get3A_48, %dot_general3A_49 {dimension_numbers = #tpu.dot_dimension_numbers<[1], [0], [0], [1], [0, 0, 1, 1], [], []>, transpose_lhs_hint = false} : vector<512x16xf32>, vector<16x128xf32>, vector<512x128xf32> -> vector<512x128xf32>
    %mul3A_51 = arith.mulf %get3A_1, %dot_general3A_50 : vector<512x128xf32>
    %sub3A_52 = arith.constant 1.000000e+00 : f32
    %sub3A_53 = vector.broadcast %sub3A_52 : f32 to vector<512x128xf32>
    %sub3A_54 = arith.subf %sub3A_53, %dot_general3A_50 : vector<512x128xf32>
    %mul3A_55 = arith.mulf %mul3A_12, %sub3A_54 : vector<512x128xf32>
    %add3A_56 = arith.addf %mul3A_51, %mul3A_55 : vector<512x128xf32>
    %reduce_sum3A_57 = arith.constant dense<0.000000e+00> : vector<512xf32>
    %reduce_sum3A_58 = vector.multi_reduction <add>, %add3A_56, %reduce_sum3A_57 [1] : vector<512x128xf32> to vector<512xf32>
    %broadcast_in_dim3A_59 = vector.shape_cast %reduce_sum3A_58 : vector<512xf32> to vector<512x1xf32>
    %div3A_60 = arith.constant 1.280000e+02 : f32
    %div3A_61 = vector.broadcast %div3A_60 : f32 to vector<512x1xf32>
    %div3A_62 = arith.divf %broadcast_in_dim3A_59, %div3A_61 : vector<512x1xf32>
    %sub3A_63 = vector.broadcast %div3A_62 : vector<512x1xf32> to vector<512x128xf32>
    %sub3A_64 = arith.subf %add3A_56, %sub3A_63 : vector<512x128xf32>
    %integer_pow3A = arith.mulf %sub3A_64, %sub3A_64 : vector<512x128xf32>
    %reduce_sum3A_65 = arith.constant dense<0.000000e+00> : vector<512xf32>
    %reduce_sum3A_66 = vector.multi_reduction <add>, %integer_pow3A, %reduce_sum3A_65 [1] : vector<512x128xf32> to vector<512xf32>
    %broadcast_in_dim3A_67 = vector.shape_cast %reduce_sum3A_66 : vector<512xf32> to vector<512x1xf32>
    %div3A_68 = arith.constant 1.280000e+02 : f32
    %div3A_69 = vector.broadcast %div3A_68 : f32 to vector<512x1xf32>
    %div3A_70 = arith.divf %broadcast_in_dim3A_67, %div3A_69 : vector<512x1xf32>
    %sub3A_71 = vector.broadcast %div3A_62 : vector<512x1xf32> to vector<512x128xf32>
    %sub3A_72 = arith.subf %add3A_56, %sub3A_71 : vector<512x128xf32>
    %add3A_73 = arith.constant 9.99999974E-6 : f32
    %add3A_74 = vector.broadcast %add3A_73 : f32 to vector<512x1xf32>
    %add3A_75 = arith.addf %div3A_70, %add3A_74 : vector<512x1xf32>
    %rsqrt3A = math.rsqrt %add3A_75 : vector<512x1xf32>
    %mul3A_76 = vector.broadcast %rsqrt3A : vector<512x1xf32> to vector<512x128xf32>
    %mul3A_77 = arith.mulf %sub3A_72, %mul3A_76 : vector<512x128xf32>
    %get3A_78 = arith.constant 0 : index
    %get3A_79 = arith.constant 0 : index
    %get3A_80 = vector.load %arg8[%get3A_78, %get3A_79] : memref<1x128xf32, #tpu.memory_space<vmem>>, vector<1x128xf32>
    %mul3A_81 = vector.broadcast %get3A_80 : vector<1x128xf32> to vector<512x128xf32>
    %mul3A_82 = arith.mulf %mul3A_77, %mul3A_81 : vector<512x128xf32>
    %get3A_83 = arith.constant 0 : index
    %get3A_84 = arith.constant 0 : index
    %get3A_85 = vector.load %arg9[%get3A_83, %get3A_84] : memref<1x128xf32, #tpu.memory_space<vmem>>, vector<1x128xf32>
    %add3A_86 = vector.broadcast %get3A_85 : vector<1x128xf32> to vector<512x128xf32>
    %add3A_87 = arith.addf %mul3A_82, %add3A_86 : vector<512x128xf32>
    %mul3A_88 = arith.constant 512 : i32
    %mul3A_89 = arith.muli %arg0, %mul3A_88 : i32
    %iota3A = tpu.iota {dimensions = array<i32: 0>} : vector<512x1xi32>
    %add3A_90 = vector.broadcast %mul3A_89 : i32 to vector<512x1xi32>
    %add3A_91 = arith.addi %add3A_90, %iota3A : vector<512x1xi32>
    %lt3A = arith.constant 10000 : i32
    %lt3A_92 = vector.broadcast %lt3A : i32 to vector<512x1xi32>
    %lt3A_93 = arith.cmpi slt, %add3A_91, %lt3A_92 : vector<512x1xi32>
    %jit3A = arith.constant 0.000000e+00 : f32
    %broadcast_in_dim3A_94 = vector.shape_cast %lt3A_93 : vector<512x1xi1> to vector<512x1xi1>
    %broadcast_in_dim3A_95 = vector.broadcast %broadcast_in_dim3A_94 : vector<512x1xi1> to vector<512x128xi1>
    %broadcast_in_dim3A_96 = vector.broadcast %jit3A : f32 to vector<512x128xf32>
    %select_n3A = arith.select %broadcast_in_dim3A_95, %add3A_87, %broadcast_in_dim3A_96 : vector<512x128xi1>, vector<512x128xf32>
    %swap3A = arith.constant 0 : index
    %swap3A_97 = arith.constant 0 : index
    %swap3A_98 = vector.load %arg12[%swap3A, %swap3A_97] : memref<512x128xf32, #tpu.memory_space<vmem>>, vector<512x128xf32>
    tpu.vector_store %arg12[%swap3A, %swap3A_97], %select_n3A {strides = array<i32>} : memref<512x128xf32, #tpu.memory_space<vmem>>, vector<512x128xf32>,
    %swap3A_99 = arith.constant 0 : index
    %swap3A_100 = arith.constant 0 : index
    %swap3A_101 = vector.load %arg13[%swap3A_99, %swap3A_100] : memref<512x16xf32, #tpu.memory_space<vmem>>, vector<512x16xf32>
    tpu.vector_store %arg13[%swap3A_99, %swap3A_100], %add3A_45 {strides = array<i32>} : memref<512x16xf32, #tpu.memory_space<vmem>>, vector<512x16xf32>,
    return
  }
  func.func @transform_0(%arg0: i32) -> (i32, i32) {
    %c0_i32 = arith.constant 0 : i32
    %c0_i32_0 = arith.constant 0 : i32
    return %arg0, %c0_i32 : i32, i32
  }
  func.func @transform_1(%arg0: i32) -> (i32, i32, i32) {
    %c0_i32 = arith.constant 0 : i32
    %c0_i32_0 = arith.constant 0 : i32
    %c0_i32_1 = arith.constant 0 : i32
    return %c0_i32, %arg0, %c0_i32_0 : i32, i32, i32
  }
  func.func @transform_2(%arg0: i32) -> (i32, i32) {
    %c0_i32 = arith.constant 0 : i32
    %c0_i32_0 = arith.constant 0 : i32
    return %arg0, %c0_i32 : i32, i32
  }
  func.func @transform_3(%arg0: i32) -> (i32, i32) {
    %c0_i32 = arith.constant 0 : i32
    %c0_i32_0 = arith.constant 0 : i32
    return %arg0, %c0_i32 : i32, i32
  }
  func.func @transform_4(%arg0: i32) -> (i32, i32) {
    %c0_i32 = arith.constant 0 : i32
    %c0_i32_0 = arith.constant 0 : i32
    %c0_i32_1 = arith.constant 0 : i32
    return %c0_i32, %c0_i32_0 : i32, i32
  }
  func.func @transform_5(%arg0: i32) -> (i32, i32) {
    %c0_i32 = arith.constant 0 : i32
    %c0_i32_0 = arith.constant 0 : i32
    %c0_i32_1 = arith.constant 0 : i32
    return %c0_i32, %c0_i32_0 : i32, i32
  }
  func.func @transform_6(%arg0: i32) -> (i32, i32) {
    %c0_i32 = arith.constant 0 : i32
    %c0_i32_0 = arith.constant 0 : i32
    %c0_i32_1 = arith.constant 0 : i32
    return %c0_i32, %c0_i32_0 : i32, i32
  }
  func.func @transform_7(%arg0: i32) -> (i32, i32) {
    %c0_i32 = arith.constant 0 : i32
    %c0_i32_0 = arith.constant 0 : i32
    %c0_i32_1 = arith.constant 0 : i32
    return %c0_i32, %c0_i32_0 : i32, i32
  }
  func.func @transform_8(%arg0: i32) -> (i32, i32) {
    %c0_i32 = arith.constant 0 : i32
    %c0_i32_0 = arith.constant 0 : i32
    %c0_i32_1 = arith.constant 0 : i32
    return %c0_i32, %c0_i32_0 : i32, i32
  }
  func.func @transform_9(%arg0: i32) -> (i32, i32) {
    %c0_i32 = arith.constant 0 : i32
    %c0_i32_0 = arith.constant 0 : i32
    %c0_i32_1 = arith.constant 0 : i32
    return %c0_i32, %c0_i32_0 : i32, i32
  }
  func.func @transform_10(%arg0: i32) -> (i32, i32) {
    %c0_i32 = arith.constant 0 : i32
    %c0_i32_0 = arith.constant 0 : i32
    %c0_i32_1 = arith.constant 0 : i32
    return %c0_i32, %c0_i32_0 : i32, i32
  }
  func.func @transform_11(%arg0: i32) -> (i32, i32) {
    %c0_i32 = arith.constant 0 : i32
    %c0_i32_0 = arith.constant 0 : i32
    return %arg0, %c0_i32 : i32, i32
  }
  func.func @transform_12(%arg0: i32) -> (i32, i32) {
    %c0_i32 = arith.constant 0 : i32
    %c0_i32_0 = arith.constant 0 : i32
    return %arg0, %c0_i32 : i32, i32
  }
}

</mosaic_0001>

<sc_bundles>
// kernel: kernel.13.cloned.1.call-start
scs
__scs_entry_jumppad:
0x0: {  	(pc) =	sbr.rel $0x88, $3  }
0x1: {  	(tag) =	ssettag $0x0;
	lr =	simm.s32 $0x1  }
0x2: {  	[smem:$0x3F95] =	sst lr;
	_ =	strace $0xD0000000  }
0x3: {  	_ = 	snop  }
0x4: {  	_ = 	snop  }
0x5: {  	_ = 	snop  }
0x6: {  	_ = 	snop  }
0x7: {  	_ = 	snop  }
__scs_overlays_trampoline_lowered:
0x8: {  	[smem:$0x3FA4] =	sst s0  }
0x9: {  	[smem:$0x3FA5] =	sst s1  }
0xa: {  	[smem:$0x3FA6] =	sst s2  }
0xb: {  	[smem:$0x3FA7] =	sst s3  }
0xc: {  	[smem:$0x3FA8] =	sst s4  }
0xd: {  	[smem:$0x3FA9] =	sst s5  }
0xe: {  	[smem:$0x3FAA] =	sst s6  }
0xf: {  	[smem:$0x3FAB] =	sst s7  }
0x10: {  	[smem:$0x3FAC] =	sst s8  }
0x11: {  	[smem:$0x3FAD] =	sst s9;
	s0 =	simm.s32 @!p0 $0x0  }
0x12: {  	s1 =	sld [smem:$0x3F93];
	s0 =	simm.s32 @p0 $0x1  }
0x13: {  	[smem:$0x3FAE] =	sst s0;
	s0 =	simm.s32 @!p1 $0x0  }
0x14: {  	s2 =	sld [smem:$0x3F92];
	s0 =	simm.s32 @p1 $0x1  }
0x15: {  	[smem:$0x3FAF] =	sst s0;
	s0 =	simm.s32 @!p2 $0x0  }
0x16: {  	s3 =	sld [smem:$0x3FDB];
	s0 =	simm.s32 @p2 $0x1  }
0x17: {  	s4 =	simm.s32 $0x1BF5;
	[smem:$0x3FB1] =	sst s0  }
0x18: {  	s0 =	sld [smem:$0x3F94];
	_ =	swait.ge [sflag:s4], $0x0  }
0x19: {  	s7 =	sld [smem:$0x3F95]  }
0x1a: {  	s8 =	sadd.s32 $0xFFFFE003, lr  }
0x1b: {  	s9 =	sadd.s32 $0xFFFFFEF7, lr;
	s5 =	simm.s32 $0xFFFFFFFF;
	p2 =	slt.u32 s8, $0xFFFFF086  }
0x1c: {  	p1 =	slt.u32 s9, $0xF7A;
	s5 =	simm.s32 @!p2 $0x0  }
0x1d: {  	s5 =	simm.s32 @p1 $0x1;
	p0 =	seq.s32 s7, s2  }
0x1e: {  	s7 =	smul.u32 @!p0 $0xF7A, s2;
	p2 =	seq.s32 @!p0 s5, $0x0  }
0x1f: {  	s9 =	smul.u32 $0xF7A, s1;
	s8 =	simm.s32 @!p0 $0x1BF5;
	p2 =	por !p2, p0  }
0x20: {  	[sflag:s8] =	ssyncset.s32 @!p0 $0xFFFFF086;
	s6 =	sadd.s32 @!p0 s3, s7;
	s7 =	simm.s32 @!p0 $0x108  }
0x21: {  	s3 =	sadd.s32 s3, s9;
	s6 =	sadd.s32 @!p0 $0x88, s6;
	s7 =	simm.s32 @p2 $0x1082  }
0x22: {  	[simem:s7], [sflag:s8] =	dma.local @!p0 [hbm:s6], $0xF7A  }
0x23: {  	s9 =	sor.u32 $0xD0000000, s2;
	s6 =	simm.s32 $0x108;
	_ =	swait.ge @!p0 [sflag:s8], $0x0  }
0x24: {  	s3 =	sadd.s32 $0x88, s3;
	s6 =	simm.s32 @!p1 $0x1082;
	[sflag:s4] =	ssyncset.s32 $0xFFFFF086  }
0x25: {  	[simem:s6], [sflag:s4] =	dma.local [hbm:s3], $0xF7A  }
0x26: {  	[smem:$0x3F95] =	sst s1;
	(tag) =	ssettag s2;
	_ =	strace s9  }
0x27: {  	s1 =	sld [smem:$0x3FA5]  }
0x28: {  	s2 =	sld [smem:$0x3FA6]  }
0x29: {  	s4 =	sld [smem:$0x3FA8]  }
0x2a: {  	p0 =	seq.s32 s5, $0x0;
	s5 =	sld [smem:$0x3FA9]  }
0x2b: {  	s6 =	sld [smem:$0x3FAA]  }
0x2c: {  	s7 =	sld [smem:$0x3FAB]  }
0x2d: {  	s3 =	simm.s32 $0x108;
	s8 =	sld [smem:$0x3FAC]  }
0x2e: {  	s3 =	simm.s32 @!p0 $0x1082;
	s9 =	sld [smem:$0x3FAD]  }
0x2f: {  	lr =	sadd.s32 s0, s3;
	s0 =	sld [smem:$0x3FA4]  }
0x30: {  	s3 =	sld [smem:$0x3FA7]  }
0x31: {  	[smem:$0x3FB0] =	sst s10  }
0x32: {  	s10 =	sld [smem:$0x3FAE];
	_ =	sdelay $0x3  }
0x33: {  	p0 =	seq.s32 s10, $0x1;
	s10 =	sld [smem:$0x3FB0];
	_ =	sdelay $0x3  }
0x34: {  	[smem:$0x3FB0] =	sst s10  }
0x35: {  	s10 =	sld [smem:$0x3FAF];
	_ =	sdelay $0x3  }
0x36: {  	p1 =	seq.s32 s10, $0x1;
	s10 =	sld [smem:$0x3FB0];
	_ =	sdelay $0x3  }
0x37: {  	[smem:$0x3FB0] =	sst s10  }
0x38: {  	s10 =	sld [smem:$0x3FB1]  }
0x39: {  	_ = 	snop;
	(pc) =	sbr.ind lr, $3  }
0x3a: {  	_ = 	snop  }
0x3b: {  	_ = 	snop  }
0x3c: {  	p2 =	seq.s32 s10, $0x1;
	s10 =	sld [smem:$0x3FB0]  }
0x3d: {  	_ =	shalt  }
0x3e: {  	_ =	shalt  }
0x3f: {  	_ =	shalt  }
0x40: {  	_ =	shalt  }
0x41: {  	_ =	shalt  }
0x42: {  	_ =	shalt  }
0x43: {  	_ =	shalt  }
0x44: {  	_ =	shalt  }
0x45: {  	_ =	shalt  }
0x46: {  	_ =	shalt  }
0x47: {  	_ =	shalt  }
0x48: {  	_ =	shalt  }
0x49: {  	_ =	shalt  }
0x4a: {  	_ =	shalt  }
0x4b: {  	_ =	shalt  }
0x4c: {  	_ =	shalt  }
0x4d: {  	_ =	shalt  }
0x4e: {  	_ =	shalt  }
0x4f: {  	_ =	shalt  }
0x50: {  	_ =	shalt  }
0x51: {  	_ =	shalt  }
0x52: {  	_ =	shalt  }
0x53: {  	_ =	shalt  }
0x54: {  	_ =	shalt  }
0x55: {  	_ =	shalt  }
0x56: {  	_ =	shalt  }
0x57: {  	_ =	shalt  }
0x58: {  	_ =	shalt  }
0x59: {  	_ =	shalt  }
0x5a: {  	_ =	shalt  }
0x5b: {  	_ =	shalt  }
0x5c: {  	_ =	shalt  }
0x5d: {  	_ =	shalt  }
0x5e: {  	_ =	shalt  }
0x5f: {  	_ =	shalt  }
0x60: {  	_ =	shalt  }
0x61: {  	_ =	shalt  }
0x62: {  	_ =	shalt  }
0x63: {  	_ =	shalt  }
0x64: {  	_ =	shalt  }
0x65: {  	_ =	shalt  }
0x66: {  	_ =	shalt  }
0x67: {  	_ =	shalt  }
0x68: {  	_ =	shalt  }
0x69: {  	_ =	shalt  }
0x6a: {  	_ =	shalt  }
0x6b: {  	_ =	shalt  }
0x6c: {  	_ =	shalt  }
0x6d: {  	_ =	shalt  }
0x6e: {  	_ =	shalt  }
0x6f: {  	_ =	shalt  }
0x70: {  	_ =	shalt  }
0x71: {  	_ =	shalt  }
0x72: {  	_ =	shalt  }
0x73: {  	_ =	shalt  }
0x74: {  	_ =	shalt  }
0x75: {  	_ =	shalt  }
0x76: {  	_ =	shalt  }
0x77: {  	_ =	shalt  }
0x78: {  	_ =	shalt  }
0x79: {  	_ =	shalt  }
0x7a: {  	_ =	shalt  }
0x7b: {  	_ =	shalt  }
0x7c: {  	_ =	shalt  }
0x7d: {  	_ =	shalt  }
0x7e: {  	_ =	shalt  }
0x7f: {  	_ =	shalt  }
0x80: {  	_ =	shalt  }
0x81: {  	_ =	shalt  }
0x82: {  	_ =	shalt  }
0x83: {  	_ =	shalt  }
0x84: {  	_ =	shalt  }
0x85: {  	_ =	shalt  }
0x86: {  	_ =	shalt  }
0x87: {  	_ =	shalt  }
.Lfunc_end0:
.L_simem_size_0:
called_computation_lowered:
.L_overlay_start_0:
0x88: {  	s2 =	sld [smem:$0x3FD9]  }
0x89: {  	s3 =	sld [smem:$0x3FFE];
	_ =	sdelay $0x1  }
0x8a: {  	s1 =	srdreg.scid  }
0x8b: {  	s0 =	sand.u32 $0x1, s1  }
0x8c: {  	s16 =	sshll.u32 s0, $0xA;
	s2 =	sadd.s32 s3, s2  }
0x8d: {  	s2 =	sadd.s32 s2, s16  }
0x8e: {  	[smem:$0x3FBC] =	sst s2  }
0x8f: {  	_ = 	snop  }
0x90: {  	(tm) =	ssettm $0x1  }
0x91: {  	s17 =	sld [smem:$0x3FFB];
	_ =	sdelay $0x3  }
0x92: {  	_ =	strace s17  }
0x93: {  	s2 =	sld [smem:$0x3FFC];
	_ =	sdelay $0x3  }
0x94: {  	_ =	strace s2  }
0x95: {  	s2 =	sld [smem:$0x3FFD];
	_ =	sdelay $0x3  }
0x96: {  	_ =	strace s2  }
0x97: {  	_ =	strace $0x8FFFFFFF  }
0x98: {  	s18 =	sld [smem:$0x3FDB];
	_ =	sdelay $0x1  }
0x99: {  	s19 =	simm.s32 $_scs_section_size  }
0x9a: {  	s4 =	simm.s32 $_size__tile_overlayer_lowered;
	s5 =	simm.s32 $_tile_overlayer_lowered  }
0x9b: {  	s22 =	simm.s32 $0x1BFF;
	s21 =	sshll.u32 s5, $0x1;
	s2 =	sadd.s32 s19, s18  }
0x9c: {  	s6 =	simm.s32 $0x0;
	s20 =	sshll.u32 s4, $0x1;
	s4 =	sadd.s32 s21, s2  }
0x9d: {  	[timem:s6], [sflag:s22] =	dma.local [hbm:s4], s20  }
0x9e: {  	_ =	swait.ge [sflag:s22], s20  }
0x9f: {  	s3 =	ssub.s32 $0x0, s20;
	[sflag:s22] =	ssyncset.done $0x0  }
0xa0: {  	[sflag:s22] =	ssyncadd.s32 s3;
	_ =	sdelay $0x1  }
0xa1: {  	s23 =	simm.s32 $0x1B8B  }
0xa2: {  	_ =	swait.ge [sflag:s23], $0x1  }
0xa3: {  	[sflag:s23] =	ssyncset.done $0x0  }
0xa4: {  	s25 =	simm.s32 $0x1B8E;
	s24 =	sld [smem:$0x3FFE];
	[sflag:s23] =	ssyncadd.s32 $0xFFFFFFFF  }
0xa5: {  	s26 =	simm.s32 $execute0_lowered;
	[smem:$0x3FD2] =	sst s25  }
0xa6: {  	s4 =	sshll.u32 s26, $0x1;
	_ =	strace $0x80000046;
	[dreg:$0x1] =	wrdreg $0xFFFFFFFF  }
0xa7: {  	s28 =	simm.s32 $_size_execute0_lowered;
	s2 =	sadd.s32 s2, s4;
	[dreg:$0x0] =	wrdreg $0x0  }
0xa8: {  	s4 =	sshll.u32 s28, $0x1;
	[dreg:$0x2] =	wrdreg s2  }
0xa9: {  	[dreg:$0x3] =	wrdreg s4  }
0xaa: {  	[dreg:$0x4] =	wrdreg $0xC0  }
0xab: {  	_ =	task [dreg:s6], $0x5FFFF  }
0xac: {  	[dreg:$0x1] =	wrdreg $0xFFFFFFFF  }
0xad: {  	[dreg:$0x0] =	wrdreg $0x60  }
0xae: {  	[dreg:$0x2] =	wrdreg s24  }
0xaf: {  	[dreg:$0x3] =	wrdreg $0x49800  }
0xb0: {  	[dreg:$0x4] =	wrdreg $0x9  }
0xb1: {  	_ =	task.clear_ibuf [dreg:s6], $0x5FFFF;
	_ =	strace $0x90000046  }
0xb2: {  	s29 =	simm.s32 $0x9;
	_ =	strace $0x80000048  }
0xb3: {  	_ =	swait.ge [sflag:s29], $0x1  }
0xb4: {  	[sflag:s29] =	ssyncadd.s32 $0xFFFFFFFF  }
0xb5: {  	_ =	strace $0x90000048  }
0xb6: {  	_ =	sfence  }
0xb7: {  	s30 =	sld [smem:$0x0];
	_ =	sdelay $0x2  }
0xb8: {  	s31 =	sshll.u32 s1, $0xD;
	s1 =	sshrl.u32 s1, $0x2  }
0xb9: {  	s3 =	sand.u32 $0x4000, s31;
	s1 =	sadd.s32 s1, s30  }
0xba: {  	s0 =	sor.u32 s3, s0;
	s1 =	sshll.u32 s1, $0x11  }
0xbb: {  	s0 =	sor.u32 s1, s0  }
0xbc: {  	s0 =	sadd.s32 $0x8F2B, s0  }
0xbd: {  	[sflag:s0] =	ssyncadd.remote.s32 $0x1  }
0xbe: {  	_ =	sfence.sel $0xFFFF  }
0xbf: {  	[dreg:$0x0] =	wrdreg $0xFFFFFFFF;
	(pc) =	sbr.abs _section_cstart, $3  }
0xc0: {  	[dreg:$0x1] =	wrdreg $0xFFFFFFFF  }
0xc1: {  	_ =	task.clear_ibuf [dreg:s6], $0x2FFFF;
	_ =	strace $0x9FFFFFFF  }
0xc2: {  	(tm) =	ssettm $0x7FFFFFFF  }
0xc3: {  	_ =	shalt  }
tec
execute0_lowered:
.L_overlay_start_1:
0x0: {  	(tag) =	ssettag $0x1  }
0x1: {  	s0 =	srdreg.scid;
	s6 =	rddreg [dreg:$0x0]  }
0x2: {  	s2 =	rddreg [dreg:$0x1];
	s7 =	sand.u32 $0x1, s0  }
0x3: {  	s0 =	stileid.u32;
	s4 =	smul.u32 $0x5000, s7  }
0x4: {  	s1 =	rddreg [dreg:$0x2];
	s3 =	simm.s32 $0x0;
	s5 =	smul.u32 $0x500, s0  }
0x5: {  	s13 =	simm.s32 $0x80;
	s14 =	simm.s32 $0x100;
	s8 =	smul.u32 $0x140000, s7  }
0x6: {  	s15 =	simm.s32 $0x180;
	s17 =	simm.s32 $0x0;
	s9 =	smul.u32 $0x14000, s0  }
0x7: {  	[smem:$0x7FF] =	sst s3;
	s29 =	smul.u32 $0x52000, s0;
	s7 =	ssub.s32 $0x2, s7  }
0x8: {  	_ =	strace $0x80000047;
	s11 =	smul.u32 $0x50000, s0;
	s30 =	sshrl.u32 s7, $0x1  }
0x9: {  	s4 =	sadd.s32 s5, s4;
	s5 =	sadd.s32 $0x73C00, s6;
	s8 =	sadd.s32 s9, s8  }
0xa: {  	s9 =	sshrl.u32 s29, $0x2;
	s12 =	ssub.s32 s7, s30;
	s31 =	sshrl.u32 s11, $0x2  }
0xb: {  	s11 =	simm.s32 $0x4180;
	s10 =	sadd.s32 s4, s6;
	s8 =	sshrl.u32 s8, $0x3  }
0xc: {  	s16 =	sadd.s32 s31, s2;
	s8 =	sadd.s32 s8, s6;
	s6 =	sadd.s32 s9, s2  }
0xd: {  	s9 =	sadd.s32 $0x19C00, s10;
	s10 =	sadd.s32 $0x5C00, s10;
	s16 =	sshrl.u32 s16, $0x3  }
0xe: {  	v0 =	vimm.f32 $1.000000000e+00;
	v1 =	vimm.f32 $0.0e+00;
	s7 =	sadd.s32 $0x23C00, s8;
	s8 =	smax.u32 s12, $0x1;
	s12 =	simm.s32 $0x1  }
.LBB2_1:
0xf: {  	s18 =	simm.s32 $0x0;
	s19 =	simm.s32 $0x200  }
.LBB2_2:
0x10: {  	p0 =	sne.s32 s19, $0xFE00;
	[tilespmem:s18+$0x1F0] =	vst v0  }
0x11: {  	[tilespmem:s18+$0x180] =	vst v0  }
0x12: {  	[tilespmem:s18+$0x190] =	vst v0  }
.Ltmp0:
0x13: {  	[tilespmem:s18+$0x1A0] =	vst v0;
	(pc) =	sbr.rel @p0 .LBB2_2-.Ltmp0, $4  }
0x14: {  	[tilespmem:s18+$0x1B0] =	vst v0  }
0x15: {  	[tilespmem:s18+$0x1C0] =	vst v0  }
0x16: {  	[tilespmem:s18+$0x1D0] =	vst v0  }
0x17: {  	[tilespmem:s18+$0x1E0] =	vst v0;
	s18 =	sshra.s32 s19, $0x2;
	s19 =	sadd.s32 $0x200, s19  }
0x18: {  	[tilespmem:s18+$0x1F0] =	vst v0  }
0x19: {  	[tilespmem:s18+$0x180] =	vst v0  }
0x1a: {  	[tilespmem:s18+$0x190] =	vst v0  }
0x1b: {  	[tilespmem:s18+$0x1A0] =	vst v0  }
0x1c: {  	[tilespmem:s18+$0x1B0] =	vst v0  }
0x1d: {  	[tilespmem:s18+$0x1C0] =	vst v0  }
0x1e: {  	[tilespmem:s18+$0x1D0] =	vst v0  }
0x1f: {  	[tilespmem:s18+$0x1E0] =	vst v0;
	s18 =	simm.s32 $0x0;
	s19 =	simm.s32 $0x200  }
.LBB2_4:
0x20: {  	p0 =	sne.s32 s19, $0x1E00;
	[tilespmem:s18+$0x41F0] =	vst v1  }
0x21: {  	[tilespmem:s18+$0x4180] =	vst v1  }
0x22: {  	[tilespmem:s18+$0x4190] =	vst v1  }
.Ltmp1:
0x23: {  	[tilespmem:s18+$0x41A0] =	vst v1;
	(pc) =	sbr.rel @p0 .LBB2_4-.Ltmp1, $4  }
0x24: {  	[tilespmem:s18+$0x41B0] =	vst v1  }
0x25: {  	[tilespmem:s18+$0x41C0] =	vst v1  }
0x26: {  	[tilespmem:s18+$0x41D0] =	vst v1  }
0x27: {  	[tilespmem:s18+$0x41E0] =	vst v1;
	s18 =	sshra.s32 s19, $0x2;
	s19 =	sadd.s32 $0x200, s19  }
0x28: {  	[tilespmem:s18+$0x41F0] =	vst v1  }
0x29: {  	[tilespmem:s18+$0x4180] =	vst v1  }
0x2a: {  	[tilespmem:s18+$0x4190] =	vst v1  }
0x2b: {  	[tilespmem:s18+$0x41A0] =	vst v1  }
0x2c: {  	[tilespmem:s18+$0x41B0] =	vst v1  }
0x2d: {  	[tilespmem:s18+$0x41C0] =	vst v1  }
0x2e: {  	[tilespmem:s18+$0x41D0] =	vst v1  }
0x2f: {  	[tilespmem:s18+$0x41E0] =	vst v1;
	s31 =	sadd.s32 $0x0, s6  }
0x30: {  	[spmem:s31] =	stream.linear.scatter [tilespmem:s11], [sflag:$0x1], $0x800, $0x38;
	[tilespmem:$0x19180] =	vst v63  }
0x31: {  	s18 =	simm.s32 $0x2000;
	_ =	swait.ge [sflag:s12], $0x800  }
.LBB2_6:
0x32: {  	s19 =	sshra.s32 s18, $0x2;
	[sflag:s12] =	ssyncset.done $0x0;
	p0 =	sne.s32 s18, $0x50000  }
.Ltmp2:
0x33: {  	s19 =	sadd.s32 s19, s6;
	[sflag:s12] =	ssyncadd.s32 $0xFFFFF800;
	(pc) =	sbr.rel @p0 .LBB2_6-.Ltmp2, $3  }
0x34: {  	[spmem:s19] =	stream.linear.scatter [tilespmem:s11], [sflag:$0x1], $0x800, $0x38;
	[tilespmem:$0x19180] =	vst v63  }
0x35: {  	s18 =	sadd.s32 $0x2000, s18;
	_ =	sdelay $0x1  }
0x36: {  	_ =	swait.ge [sflag:s12], $0x800  }
0x37: {  	[sflag:s12] =	ssyncset.done $0x0  }
0x38: {  	[sflag:s12] =	ssyncadd.s32 $0xFFFFF800  }
0x39: {  	s18 =	sadd.s32 $0x0, s10;
	[bflag:$0x0] =	sbarrier.arrive $0xFFFF  }
0x3a: {  	[tilespmem:s3], [sflag:$0x1] =	stream.linear.gather [hbm4b:s18+s3], $0x80, $0x38;
	[tilespmem:$0x19180] =	vst v63  }
0x3b: {  	_ =	swait.ge [sflag:s12], $0x80  }
0x3c: {  	[sflag:s12] =	ssyncset.done $0x0  }
0x3d: {  	s31 =	sadd.s32 $0x0, s9;
	[sflag:s12] =	ssyncadd.s32 $0xFFFFFF80  }
0x3e: {  	[tilespmem:s13], [sflag:$0x1] =	stream.linear.gather [hbm4b:s31+s3], $0x80, $0x38;
	[tilespmem:$0x19180] =	vst v63  }
0x3f: {  	_ =	swait.ge [sflag:s12], $0x80  }
0x40: {  	[sflag:s12] =	ssyncset.done $0x0  }
0x41: {  	[sflag:s12] =	ssyncadd.s32 $0xFFFFFF80  }
0x42: {  	v4 =	vld [tilespmem:$0xE0]  }
0x43: {  	v5 =	vld [tilespmem:$0xB0]  }
0x44: {  	v6 =	vld [tilespmem:$0xD0]  }
0x45: {  	v2 =	vld [tilespmem:$0xA0]  }
0x46: {  	v9 =	vld [tilespmem:$0x30]  }
0x47: {  	v8 =	vld [tilespmem:$0x50]  }
0x48: {  	v3 =	vld [tilespmem:$0x90]  }
0x49: {  	v12 =	vld [tilespmem:$0x0]  }
0x4a: {  	v7 =	vld [tilespmem:$0x40]  }
0x4b: {  	v11 =	vld [tilespmem:$0x80]  }
0x4c: {  	v10 =	vld [tilespmem:$0x60];
	vm0 =	veq.s32 v8, v6  }
0x4d: {  	s19 =	simm.s32 $0x10;
	s18 =	simm.s32 $0x0;
	v8 =	vld [tilespmem:$0xC0];
	v6 =	vsel vm0, $0x2800, v6  }
.LBB2_8:
0x4e: {  	p0 =	sne.s32 s19, $0x4F0;
	v13 =	vld [tilespmem:$0xF0];
	s20 =	smov.u32 s19;
	s19 =	sadd.s32 $0x10, s19  }
0x4f: {  	vm0 =	veq.s32 v9, v5;
	v9 =	vld [tilespmem:$0x70]  }
0x50: {  	v5 =	vsel vm0, $0x2800, v5;
	vm1 =	veq.s32 v12, v11;
	v12 =	vld [tilespmem:$0x10]  }
0x51: {  	v11 =	vsel vm1, $0x2800, v11;
	v14 =	vld [tilespmem:$0x20];
	[tilespmem:$0x130] =	vst v5;
	vm0 =	veq.s32 v10, v4  }
0x52: {  	[tilespmem:$0x100] =	vst v11;
	vm1 =	veq.s32 v7, v8;
	v4 =	vsel vm0, $0x2800, v4  }
0x53: {  	v5 =	vsel vm1, $0x2800, v8;
	[tilespmem:$0x160] =	vst v4  }
0x54: {  	[tilespmem:$0x140] =	vst v5;
	vm0 =	veq.s32 v9, v13  }
0x55: {  	vm1 =	veq.s32 v12, v3;
	[tilespmem:$0x150] =	vst v6;
	v4 =	vsel vm0, $0x2800, v13  }
0x56: {  	s21 =	sadd.s32 s18, s4;
	s22 =	sand.u32 $0x70, s18;
	s18 =	smov.u32 s20;
	v3 =	vsel vm1, $0x2800, v3;
	vm0 =	veq.s32 v14, v2;
	[tilespmem:$0x170] =	vst v4  }
0x57: {  	s20 =	sand.u32 $0xFFFFF80, s21;
	s21 =	sadd.s32 s5, s22;
	[tilespmem:$0x110] =	vst v3;
	v2 =	vsel vm0, $0x2800, v2  }
0x58: {  	s20 =	sadd.s32 s20, s21;
	[tilespmem:$0x120] =	vst v2  }
0x59: {  	[hbm4b:s20+s3] =	stream.linear.scatter [tilespmem:s14], [sflag:$0x1], $0x80, $0x38;
	[tilespmem:$0x19180] =	vst v63  }
0x5a: {  	_ =	swait.ge [sflag:s12], $0x80  }
0x5b: {  	[sflag:s12] =	ssyncset.done $0x0  }
0x5c: {  	[sflag:s12] =	ssyncadd.s32 $0xFFFFFF80  }
0x5d: {  	[spmem:s2] =	stream.indirect.scatter.add.f32 [tilespmem:s15], [sflag:$0x1], $0x80, s14, s13, $0xb8;
	[tilespmem:$0x19180] =	vst v63  }
0x5e: {  	_ =	swait.ge [sflag:s12], $0x4000  }
0x5f: {  	[sflag:s12] =	ssyncset.done $0x0  }
0x60: {  	s20 =	sadd.s32 s18, s10;
	[sflag:s12] =	ssyncadd.s32 $0xFFFFC000  }
0x61: {  	[tilespmem:s3], [sflag:$0x1] =	stream.linear.gather [hbm4b:s20+s3], $0x80, $0x38;
	[tilespmem:$0x19180] =	vst v63  }
0x62: {  	_ =	swait.ge [sflag:s12], $0x80  }
0x63: {  	[sflag:s12] =	ssyncset.done $0x0  }
0x64: {  	s20 =	sadd.s32 s18, s9;
	[sflag:s12] =	ssyncadd.s32 $0xFFFFFF80  }
0x65: {  	[tilespmem:s13], [sflag:$0x1] =	stream.linear.gather [hbm4b:s20+s3], $0x80, $0x38;
	[tilespmem:$0x19180] =	vst v63  }
0x66: {  	_ =	swait.ge [sflag:s12], $0x80  }
0x67: {  	[sflag:s12] =	ssyncset.done $0x0  }
0x68: {  	[sflag:s12] =	ssyncadd.s32 $0xFFFFFF80  }
0x69: {  	v4 =	vld [tilespmem:$0xE0]  }
0x6a: {  	v5 =	vld [tilespmem:$0xB0]  }
0x6b: {  	v6 =	vld [tilespmem:$0xD0]  }
0x6c: {  	v2 =	vld [tilespmem:$0xA0]  }
0x6d: {  	v9 =	vld [tilespmem:$0x30]  }
0x6e: {  	v8 =	vld [tilespmem:$0x50]  }
0x6f: {  	v3 =	vld [tilespmem:$0x90]  }
.Ltmp3:
0x70: {  	v12 =	vld [tilespmem:$0x0];
	(pc) =	sbr.rel @p0 .LBB2_8-.Ltmp3, $4  }
0x71: {  	v7 =	vld [tilespmem:$0x40]  }
0x72: {  	v11 =	vld [tilespmem:$0x80]  }
0x73: {  	vm0 =	veq.s32 v8, v6;
	v10 =	vld [tilespmem:$0x60]  }
0x74: {  	v8 =	vld [tilespmem:$0xC0];
	v6 =	vsel vm0, $0x2800, v6  }
0x75: {  	v13 =	vld [tilespmem:$0xF0]  }
0x76: {  	v60 =	vld [tilespmem:$0x70]  }
0x77: {  	vm0 =	veq.s32 v9, v5;
	v61 =	vld [tilespmem:$0x10]  }
0x78: {  	v14 =	vld [tilespmem:$0x20];
	[tilespmem:$0x150] =	vst v6;
	v5 =	vsel vm0, $0x2800, v5;
	vm1 =	veq.s32 v12, v11  }
0x79: {  	[tilespmem:$0x130] =	vst v5;
	v11 =	vsel vm1, $0x2800, v11;
	vm11 =	veq.s32 v10, v4  }
0x7a: {  	[tilespmem:$0x100] =	vst v11;
	vm12 =	veq.s32 v7, v8;
	v4 =	vsel vm11, $0x2800, v4  }
0x7b: {  	v62 =	vsel vm12, $0x2800, v8;
	[tilespmem:$0x160] =	vst v4;
	vm13 =	veq.s32 v60, v13  }
0x7c: {  	vm14 =	veq.s32 v61, v3;
	[tilespmem:$0x140] =	vst v62;
	v63 =	vsel vm13, $0x2800, v13  }
0x7d: {  	s19 =	sadd.s32 s18, s4;
	s30 =	sand.u32 $0x70, s18;
	vm15 =	veq.s32 v14, v2;
	v3 =	vsel vm14, $0x2800, v3;
	[tilespmem:$0x170] =	vst v63  }
0x7e: {  	s19 =	sand.u32 $0xFFFFF80, s19;
	s18 =	sadd.s32 s5, s30;
	v2 =	vsel vm15, $0x2800, v2;
	[tilespmem:$0x110] =	vst v3  }
0x7f: {  	s18 =	sadd.s32 s19, s18;
	[tilespmem:$0x120] =	vst v2  }
0x80: {  	[hbm4b:s18+s3] =	stream.linear.scatter [tilespmem:s14], [sflag:$0x1], $0x80, $0x38;
	[tilespmem:$0x19180] =	vst v63  }
0x81: {  	_ =	swait.ge [sflag:s12], $0x80  }
0x82: {  	[sflag:s12] =	ssyncset.done $0x0  }
0x83: {  	[sflag:s12] =	ssyncadd.s32 $0xFFFFFF80  }
0x84: {  	[spmem:s2] =	stream.indirect.scatter.add.f32 [tilespmem:s15], [sflag:$0x1], $0x80, s14, s13, $0xb8;
	[tilespmem:$0x19180] =	vst v63  }
0x85: {  	_ =	swait.ge [sflag:s12], $0x4000  }
0x86: {  	s17 =	sadd.s32 $0x1, s17;
	[sflag:s12] =	ssyncset.done $0x0  }
0x87: {  	s31 =	sshll.u32 s0, $0x6;
	p0 =	sne.s32 s17, s8;
	[sflag:s12] =	ssyncadd.s32 $0xFFFFC000  }
.Ltmp4:
0x88: {  	s18 =	sor.u32 $0x1C01, s31;
	[bflag:$0x0] =	sbarrier.arrive $0xFFFF;
	(pc) =	sbr.rel @p0 .LBB2_1-.Ltmp4, $4  }
0x89: {  	[hbm:s7], [sflag:s18] =	dma.local [spmem:s16], $0x2800  }
0x8a: {  	_ =	swait.ge [sflag:s12], $0x2800  }
0x8b: {  	[sflag:s12] =	ssyncset.done $0x0  }
0x8c: {  	[sflag:s12] =	ssyncadd.s32 $0xFFFFD800  }
0x8d: {  	_ =	sfence.sel $0x180000  }
0x8e: {  	[bflag:$0x0] =	sbarrier.arrive $0xFFFF  }
0x8f: {  	p0 =	sne.s32 s0, $0x0;
	_ =	strace $0x90000047  }
0x90: {  	s0 =	sadd.s32 @!p0 $0x100000, s1;
	[bflag:$0x2] =	sbarrier.arrive $0xFFFF  }
0x91: {  	[sflag:s0] =	ssyncadd.tile.s32 @!p0 $0x1;
	_ =	shalt  }
.Lfunc_end2:
_tile_overlayer_lowered:
.L_overlay_start_2:
0x92: {  	(tag) =	ssettag $0x2  }
0x93: {  	s0 =	rddreg [dreg:$0x0];
	s2 =	stileid.u32  }
0x94: {  	s1 =	rddreg [dreg:$0x1];
	p0 =	sne.s32 s2, $0x0  }
0x95: {  	s3 =	rddreg [dreg:$0x2];
	[bflag:$0x3] =	sbarrier.arrive $0xFFFF;
	s2 =	simm.s32 @!p0 $0x1C01  }
0x96: {  	[timem:s3], [sflag:s2] =	dma.local @!p0 [hbm:s0], s1  }
0x97: {  	s0 =	simm.s32 @!p0 $0x1  }
0x98: {  	_ =	swait.ge @!p0 [sflag:s0], s1  }
0x99: {  	s1 =	ssub.s32 @!p0 $0x0, s1;
	[sflag:s0] =	ssyncset.done @!p0 $0x0  }
0x9a: {  	[sflag:s0] =	ssyncadd.s32 @!p0 s1  }
0x9b: {  	[bflag:$0x3] =	sbarrier.arrive $0xFFFF  }
0x9c: {  	_ =	shalt  }

// kernel: kernel.16.cloned.1.call-start
scs
__scs_entry_jumppad:
0x0: {  	(pc) =	sbr.rel $0x88, $3  }
0x1: {  	(tag) =	ssettag $0x0;
	lr =	simm.s32 $0x1  }
0x2: {  	[smem:$0x3F95] =	sst lr;
	_ =	strace $0xD0000000  }
0x3: {  	_ = 	snop  }
0x4: {  	_ = 	snop  }
0x5: {  	_ = 	snop  }
0x6: {  	_ = 	snop  }
0x7: {  	_ = 	snop  }
__scs_overlays_trampoline_lowered:
0x8: {  	[smem:$0x3FA4] =	sst s0  }
0x9: {  	[smem:$0x3FA5] =	sst s1  }
0xa: {  	[smem:$0x3FA6] =	sst s2  }
0xb: {  	[smem:$0x3FA7] =	sst s3  }
0xc: {  	[smem:$0x3FA8] =	sst s4  }
0xd: {  	[smem:$0x3FA9] =	sst s5  }
0xe: {  	[smem:$0x3FAA] =	sst s6  }
0xf: {  	[smem:$0x3FAB] =	sst s7  }
0x10: {  	[smem:$0x3FAC] =	sst s8  }
0x11: {  	[smem:$0x3FAD] =	sst s9;
	s0 =	simm.s32 @!p0 $0x0  }
0x12: {  	s1 =	sld [smem:$0x3F93];
	s0 =	simm.s32 @p0 $0x1  }
0x13: {  	[smem:$0x3FAE] =	sst s0;
	s0 =	simm.s32 @!p1 $0x0  }
0x14: {  	s2 =	sld [smem:$0x3F92];
	s0 =	simm.s32 @p1 $0x1  }
0x15: {  	[smem:$0x3FAF] =	sst s0;
	s0 =	simm.s32 @!p2 $0x0  }
0x16: {  	s3 =	sld [smem:$0x3FDB];
	s0 =	simm.s32 @p2 $0x1  }
0x17: {  	s4 =	simm.s32 $0x1BF5;
	[smem:$0x3FB1] =	sst s0  }
0x18: {  	s0 =	sld [smem:$0x3F94];
	_ =	swait.ge [sflag:s4], $0x0  }
0x19: {  	s7 =	sld [smem:$0x3F95]  }
0x1a: {  	s8 =	sadd.s32 $0xFFFFE003, lr  }
0x1b: {  	s9 =	sadd.s32 $0xFFFFFEF7, lr;
	s5 =	simm.s32 $0xFFFFFFFF;
	p2 =	slt.u32 s8, $0xFFFFF086  }
0x1c: {  	p1 =	slt.u32 s9, $0xF7A;
	s5 =	simm.s32 @!p2 $0x0  }
0x1d: {  	s5 =	simm.s32 @p1 $0x1;
	p0 =	seq.s32 s7, s2  }
0x1e: {  	s7 =	smul.u32 @!p0 $0xF7A, s2;
	p2 =	seq.s32 @!p0 s5, $0x0  }
0x1f: {  	s9 =	smul.u32 $0xF7A, s1;
	s8 =	simm.s32 @!p0 $0x1BF5;
	p2 =	por !p2, p0  }
0x20: {  	[sflag:s8] =	ssyncset.s32 @!p0 $0xFFFFF086;
	s6 =	sadd.s32 @!p0 s3, s7;
	s7 =	simm.s32 @!p0 $0x108  }
0x21: {  	s3 =	sadd.s32 s3, s9;
	s6 =	sadd.s32 @!p0 $0x88, s6;
	s7 =	simm.s32 @p2 $0x1082  }
0x22: {  	[simem:s7], [sflag:s8] =	dma.local @!p0 [hbm:s6], $0xF7A  }
0x23: {  	s9 =	sor.u32 $0xD0000000, s2;
	s6 =	simm.s32 $0x108;
	_ =	swait.ge @!p0 [sflag:s8], $0x0  }
0x24: {  	s3 =	sadd.s32 $0x88, s3;
	s6 =	simm.s32 @!p1 $0x1082;
	[sflag:s4] =	ssyncset.s32 $0xFFFFF086  }
0x25: {  	[simem:s6], [sflag:s4] =	dma.local [hbm:s3], $0xF7A  }
0x26: {  	[smem:$0x3F95] =	sst s1;
	(tag) =	ssettag s2;
	_ =	strace s9  }
0x27: {  	s1 =	sld [smem:$0x3FA5]  }
0x28: {  	s2 =	sld [smem:$0x3FA6]  }
0x29: {  	s4 =	sld [smem:$0x3FA8]  }
0x2a: {  	p0 =	seq.s32 s5, $0x0;
	s5 =	sld [smem:$0x3FA9]  }
0x2b: {  	s6 =	sld [smem:$0x3FAA]  }
0x2c: {  	s7 =	sld [smem:$0x3FAB]  }
0x2d: {  	s3 =	simm.s32 $0x108;
	s8 =	sld [smem:$0x3FAC]  }
0x2e: {  	s3 =	simm.s32 @!p0 $0x1082;
	s9 =	sld [smem:$0x3FAD]  }
0x2f: {  	lr =	sadd.s32 s0, s3;
	s0 =	sld [smem:$0x3FA4]  }
0x30: {  	s3 =	sld [smem:$0x3FA7]  }
0x31: {  	[smem:$0x3FB0] =	sst s10  }
0x32: {  	s10 =	sld [smem:$0x3FAE];
	_ =	sdelay $0x3  }
0x33: {  	p0 =	seq.s32 s10, $0x1;
	s10 =	sld [smem:$0x3FB0];
	_ =	sdelay $0x3  }
0x34: {  	[smem:$0x3FB0] =	sst s10  }
0x35: {  	s10 =	sld [smem:$0x3FAF];
	_ =	sdelay $0x3  }
0x36: {  	p1 =	seq.s32 s10, $0x1;
	s10 =	sld [smem:$0x3FB0];
	_ =	sdelay $0x3  }
0x37: {  	[smem:$0x3FB0] =	sst s10  }
0x38: {  	s10 =	sld [smem:$0x3FB1]  }
0x39: {  	_ = 	snop;
	(pc) =	sbr.ind lr, $3  }
0x3a: {  	_ = 	snop  }
0x3b: {  	_ = 	snop  }
0x3c: {  	p2 =	seq.s32 s10, $0x1;
	s10 =	sld [smem:$0x3FB0]  }
0x3d: {  	_ =	shalt  }
0x3e: {  	_ =	shalt  }
0x3f: {  	_ =	shalt  }
0x40: {  	_ =	shalt  }
0x41: {  	_ =	shalt  }
0x42: {  	_ =	shalt  }
0x43: {  	_ =	shalt  }
0x44: {  	_ =	shalt  }
0x45: {  	_ =	shalt  }
0x46: {  	_ =	shalt  }
0x47: {  	_ =	shalt  }
0x48: {  	_ =	shalt  }
0x49: {  	_ =	shalt  }
0x4a: {  	_ =	shalt  }
0x4b: {  	_ =	shalt  }
0x4c: {  	_ =	shalt  }
0x4d: {  	_ =	shalt  }
0x4e: {  	_ =	shalt  }
0x4f: {  	_ =	shalt  }
0x50: {  	_ =	shalt  }
0x51: {  	_ =	shalt  }
0x52: {  	_ =	shalt  }
0x53: {  	_ =	shalt  }
0x54: {  	_ =	shalt  }
0x55: {  	_ =	shalt  }
0x56: {  	_ =	shalt  }
0x57: {  	_ =	shalt  }
0x58: {  	_ =	shalt  }
0x59: {  	_ =	shalt  }
0x5a: {  	_ =	shalt  }
0x5b: {  	_ =	shalt  }
0x5c: {  	_ =	shalt  }
0x5d: {  	_ =	shalt  }
0x5e: {  	_ =	shalt  }
0x5f: {  	_ =	shalt  }
0x60: {  	_ =	shalt  }
0x61: {  	_ =	shalt  }
0x62: {  	_ =	shalt  }
0x63: {  	_ =	shalt  }
0x64: {  	_ =	shalt  }
0x65: {  	_ =	shalt  }
0x66: {  	_ =	shalt  }
0x67: {  	_ =	shalt  }
0x68: {  	_ =	shalt  }
0x69: {  	_ =	shalt  }
0x6a: {  	_ =	shalt  }
0x6b: {  	_ =	shalt  }
0x6c: {  	_ =	shalt  }
0x6d: {  	_ =	shalt  }
0x6e: {  	_ =	shalt  }
0x6f: {  	_ =	shalt  }
0x70: {  	_ =	shalt  }
0x71: {  	_ =	shalt  }
0x72: {  	_ =	shalt  }
0x73: {  	_ =	shalt  }
0x74: {  	_ =	shalt  }
0x75: {  	_ =	shalt  }
0x76: {  	_ =	shalt  }
0x77: {  	_ =	shalt  }
0x78: {  	_ =	shalt  }
0x79: {  	_ =	shalt  }
0x7a: {  	_ =	shalt  }
0x7b: {  	_ =	shalt  }
0x7c: {  	_ =	shalt  }
0x7d: {  	_ =	shalt  }
0x7e: {  	_ =	shalt  }
0x7f: {  	_ =	shalt  }
0x80: {  	_ =	shalt  }
0x81: {  	_ =	shalt  }
0x82: {  	_ =	shalt  }
0x83: {  	_ =	shalt  }
0x84: {  	_ =	shalt  }
0x85: {  	_ =	shalt  }
0x86: {  	_ =	shalt  }
0x87: {  	_ =	shalt  }
.Lfunc_end0:
.L_simem_size_0:
called_computation.1_lowered:
.L_overlay_start_0:
0x88: {  	s2 =	sld [smem:$0x3FD9]  }
0x89: {  	s3 =	sld [smem:$0x3FFE];
	_ =	sdelay $0x1  }
0x8a: {  	s1 =	srdreg.scid  }
0x8b: {  	s0 =	sand.u32 $0x1, s1  }
0x8c: {  	s16 =	sshll.u32 s0, $0xA;
	s2 =	sadd.s32 s3, s2  }
0x8d: {  	s2 =	sadd.s32 s2, s16  }
0x8e: {  	[smem:$0x3FBC] =	sst s2  }
0x8f: {  	_ = 	snop  }
0x90: {  	(tm) =	ssettm $0x1  }
0x91: {  	s17 =	sld [smem:$0x3FFB];
	_ =	sdelay $0x3  }
0x92: {  	_ =	strace s17  }
0x93: {  	s2 =	sld [smem:$0x3FFC];
	_ =	sdelay $0x3  }
0x94: {  	_ =	strace s2  }
0x95: {  	s2 =	sld [smem:$0x3FFD];
	_ =	sdelay $0x3  }
0x96: {  	_ =	strace s2  }
0x97: {  	_ =	strace $0x8FFFFFFF  }
0x98: {  	s18 =	sld [smem:$0x3FDB];
	_ =	sdelay $0x1  }
0x99: {  	s19 =	simm.s32 $_scs_section_size  }
0x9a: {  	s4 =	simm.s32 $_size__tile_overlayer_lowered;
	s5 =	simm.s32 $_tile_overlayer_lowered  }
0x9b: {  	s22 =	simm.s32 $0x1BFF;
	s21 =	sshll.u32 s5, $0x1;
	s2 =	sadd.s32 s19, s18  }
0x9c: {  	s6 =	simm.s32 $0x0;
	s20 =	sshll.u32 s4, $0x1;
	s4 =	sadd.s32 s21, s2  }
0x9d: {  	[timem:s6], [sflag:s22] =	dma.local [hbm:s4], s20  }
0x9e: {  	_ =	swait.ge [sflag:s22], s20  }
0x9f: {  	s3 =	ssub.s32 $0x0, s20;
	[sflag:s22] =	ssyncset.done $0x0  }
0xa0: {  	[sflag:s22] =	ssyncadd.s32 s3;
	_ =	sdelay $0x1  }
0xa1: {  	s23 =	simm.s32 $0x1B8B  }
0xa2: {  	_ =	swait.ge [sflag:s23], $0x1  }
0xa3: {  	[sflag:s23] =	ssyncset.done $0x0  }
0xa4: {  	s25 =	simm.s32 $0x1B8E;
	s24 =	sld [smem:$0x3FFE];
	[sflag:s23] =	ssyncadd.s32 $0xFFFFFFFF  }
0xa5: {  	s26 =	simm.s32 $execute0_lowered;
	[smem:$0x3FD2] =	sst s25  }
0xa6: {  	s4 =	sshll.u32 s26, $0x1;
	_ =	strace $0x80000049;
	[dreg:$0x1] =	wrdreg $0xFFFFFFFF  }
0xa7: {  	s28 =	simm.s32 $_size_execute0_lowered;
	s2 =	sadd.s32 s2, s4;
	[dreg:$0x0] =	wrdreg $0x0  }
0xa8: {  	s4 =	sshll.u32 s28, $0x1;
	[dreg:$0x2] =	wrdreg s2  }
0xa9: {  	[dreg:$0x3] =	wrdreg s4  }
0xaa: {  	[dreg:$0x4] =	wrdreg $0xC0  }
0xab: {  	_ =	task [dreg:s6], $0x5FFFF  }
0xac: {  	[dreg:$0x1] =	wrdreg $0xFFFFFFFF  }
0xad: {  	[dreg:$0x0] =	wrdreg $0x60  }
0xae: {  	[dreg:$0x2] =	wrdreg s24  }
0xaf: {  	[dreg:$0x3] =	wrdreg $0x49000  }
0xb0: {  	[dreg:$0x4] =	wrdreg $0x9  }
0xb1: {  	_ =	task.clear_ibuf [dreg:s6], $0x5FFFF;
	_ =	strace $0x90000049  }
0xb2: {  	s29 =	simm.s32 $0x9;
	_ =	strace $0x8000004B  }
0xb3: {  	_ =	swait.ge [sflag:s29], $0x1  }
0xb4: {  	[sflag:s29] =	ssyncadd.s32 $0xFFFFFFFF  }
0xb5: {  	_ =	strace $0x9000004B  }
0xb6: {  	_ =	sfence  }
0xb7: {  	s30 =	sld [smem:$0x0];
	_ =	sdelay $0x2  }
0xb8: {  	s31 =	sshll.u32 s1, $0xD;
	s1 =	sshrl.u32 s1, $0x2  }
0xb9: {  	s3 =	sand.u32 $0x4000, s31;
	s1 =	sadd.s32 s1, s30  }
0xba: {  	s0 =	sor.u32 s3, s0;
	s1 =	sshll.u32 s1, $0x11  }
0xbb: {  	s0 =	sor.u32 s1, s0  }
0xbc: {  	s0 =	sadd.s32 $0x8F2B, s0  }
0xbd: {  	[sflag:s0] =	ssyncadd.remote.s32 $0x1  }
0xbe: {  	_ =	sfence.sel $0xFFFF  }
0xbf: {  	[dreg:$0x0] =	wrdreg $0xFFFFFFFF;
	(pc) =	sbr.abs _section_cstart, $3  }
0xc0: {  	[dreg:$0x1] =	wrdreg $0xFFFFFFFF  }
0xc1: {  	_ =	task.clear_ibuf [dreg:s6], $0x2FFFF;
	_ =	strace $0x9FFFFFFF  }
0xc2: {  	(tm) =	ssettm $0x7FFFFFFF  }
0xc3: {  	_ =	shalt  }
tec
execute0_lowered:
.L_overlay_start_1:
0x0: {  	(tag) =	ssettag $0x1  }
0x1: {  	s5 =	rddreg [dreg:$0x0];
	s0 =	stileid.u32  }
0x2: {  	s1 =	srdreg.scid;
	s3 =	smul.u32 $0x1A, s0  }
0x3: {  	s2 =	rddreg [dreg:$0x1];
	s12 =	simm.s32 $0x1;
	s4 =	smul.u32 $0x86, s0  }
0x4: {  	s13 =	simm.s32 $0x80;
	s14 =	simm.s32 $0x100;
	s9 =	smul.u32 $0x14000, s0  }
0x5: {  	s16 =	simm.s32 $0x0;
	s6 =	sand.u32 $0x1, s1;
	s28 =	smul.u32 $0x52000, s0  }
0x6: {  	s1 =	rddreg [dreg:$0x2];
	s11 =	smul.u32 $0x50000, s0;
	p0 =	seq.s32 s6, $0x0  }
0x7: {  	s8 =	smul.u32 $0x140000, s6;
	s6 =	ssub.s32 $0x2, s6;
	s7 =	sadd.s32 $0x860, s3  }
0x8: {  	s3 =	simm.s32 $0x0;
	s29 =	sshrl.u32 s6, $0x1;
	s30 =	sshrl.u32 s28, $0x2  }
0x9: {  	s31 =	sshrl.u32 s11, $0x2;
	s11 =	simm.s32 $0x4100;
	s7 =	smov.u32 @p0 s4  }
0xa: {  	[smem:$0x7FF] =	sst s3;
	s4 =	sadd.s32 $0x19C00, s5;
	s26 =	sadd.s32 s9, s8  }
0xb: {  	s9 =	ssub.s32 s6, s29;
	s6 =	simm.s32 $0x86;
	s15 =	sadd.s32 s31, s2  }
0xc: {  	s7 =	sshll.u32 s7, $0x4;
	_ =	strace $0x8000004A;
	s6 =	simm.s32 @!p0 $0x1A  }
0xd: {  	s8 =	smax.u32 s9, $0x1;
	s10 =	sadd.s32 s7, s5;
	s7 =	sshrl.u32 s26, $0x3  }
0xe: {  	s15 =	sshrl.u32 s15, $0x3;
	s7 =	sadd.s32 s7, s5;
	s5 =	sadd.s32 s30, s2  }
0xf: {  	v0 =	vimm.f32 $0.0e+00;
	s9 =	sadd.s32 $0x73C00, s10;
	s10 =	sadd.s32 $0xFC00, s10;
	s7 =	sadd.s32 $0x7DC00, s7  }
.LBB2_1:
0x10: {  	s17 =	simm.s32 $0x0;
	s18 =	simm.s32 $0x200  }
.LBB2_2:
0x11: {  	p0 =	sne.s32 s18, $0x1E00;
	[tilespmem:s17+$0x4170] =	vst v0  }
0x12: {  	[tilespmem:s17+$0x4100] =	vst v0  }
0x13: {  	[tilespmem:s17+$0x4110] =	vst v0  }
.Ltmp0:
0x14: {  	[tilespmem:s17+$0x4120] =	vst v0;
	(pc) =	sbr.rel @p0 .LBB2_2-.Ltmp0, $4  }
0x15: {  	[tilespmem:s17+$0x4130] =	vst v0  }
0x16: {  	[tilespmem:s17+$0x4140] =	vst v0  }
0x17: {  	[tilespmem:s17+$0x4150] =	vst v0  }
0x18: {  	[tilespmem:s17+$0x4160] =	vst v0;
	s17 =	sshra.s32 s18, $0x2;
	s18 =	sadd.s32 $0x200, s18  }
0x19: {  	[tilespmem:s17+$0x4170] =	vst v0  }
0x1a: {  	[tilespmem:s17+$0x4100] =	vst v0  }
0x1b: {  	[tilespmem:s17+$0x4110] =	vst v0  }
0x1c: {  	[tilespmem:s17+$0x4120] =	vst v0  }
0x1d: {  	[tilespmem:s17+$0x4130] =	vst v0  }
0x1e: {  	[tilespmem:s17+$0x4140] =	vst v0  }
0x1f: {  	[tilespmem:s17+$0x4150] =	vst v0  }
0x20: {  	[tilespmem:s17+$0x4160] =	vst v0;
	s31 =	sadd.s32 $0x0, s5  }
0x21: {  	[spmem:s31] =	stream.linear.scatter [tilespmem:s11], [sflag:$0x1], $0x800, $0x38;
	[tilespmem:$0x19100] =	vst v63  }
0x22: {  	s17 =	simm.s32 $0x2000;
	_ =	swait.ge [sflag:s12], $0x800  }
.LBB2_4:
0x23: {  	s18 =	sshra.s32 s17, $0x2;
	[sflag:s12] =	ssyncset.done $0x0;
	p0 =	sne.s32 s17, $0x50000  }
.Ltmp1:
0x24: {  	s18 =	sadd.s32 s18, s5;
	[sflag:s12] =	ssyncadd.s32 $0xFFFFF800;
	(pc) =	sbr.rel @p0 .LBB2_4-.Ltmp1, $3  }
0x25: {  	[spmem:s18] =	stream.linear.scatter [tilespmem:s11], [sflag:$0x1], $0x800, $0x38;
	[tilespmem:$0x19100] =	vst v63  }
0x26: {  	s17 =	sadd.s32 $0x2000, s17;
	_ =	sdelay $0x1  }
0x27: {  	_ =	swait.ge [sflag:s12], $0x800  }
0x28: {  	[sflag:s12] =	ssyncset.done $0x0  }
0x29: {  	[sflag:s12] =	ssyncadd.s32 $0xFFFFF800  }
0x2a: {  	[bflag:$0x0] =	sbarrier.arrive $0xFFFF  }
0x2b: {  	[tilespmem:s3], [sflag:$0x1] =	stream.linear.gather [hbm4b:s10+s3], $0x80, $0x38;
	[tilespmem:$0x19100] =	vst v63  }
0x2c: {  	_ =	swait.ge [sflag:s12], $0x80  }
0x2d: {  	[sflag:s12] =	ssyncset.done $0x0  }
0x2e: {  	[sflag:s12] =	ssyncadd.s32 $0xFFFFFF80  }
0x2f: {  	[tilespmem:s13], [sflag:$0x1] =	stream.linear.gather [hbm4b:s9+s3], $0x80, $0x38;
	[tilespmem:$0x19100] =	vst v63  }
0x30: {  	_ =	swait.ge [sflag:s12], $0x80  }
0x31: {  	[sflag:s12] =	ssyncset.done $0x0  }
0x32: {  	[sflag:s12] =	ssyncadd.s32 $0xFFFFFF80  }
0x33: {  	[tilespmem:s14], [sflag:$0x1] =	stream.indirect.gather [hbm4b:s4+s13], $0x80, s3, s13, $0xb8;
	[tilespmem:$0x19100] =	vst v63  }
0x34: {  	p0 =	sne.s32 s6, $0x1;
	_ =	swait.ge [sflag:s12], $0x4000  }
.Ltmp2:
0x35: {  	[sflag:s12] =	ssyncset.done $0x0;
	(pc) =	sbr.rel @!p0 .LBB2_7-.Ltmp2, $4  }
0x36: {  	[sflag:s12] =	ssyncadd.s32 $0xFFFFC000  }
0x37: {  	[spmem:s2] =	stream.indirect.scatter.add.f32 [tilespmem:s14], [sflag:$0x1], $0x80, s13, s13, $0xb8;
	[tilespmem:$0x19100] =	vst v63  }
0x38: {  	s17 =	sadd.s32 $0xFFFFFFFF, s6;
	_ =	swait.ge [sflag:s12], $0x4000  }
0x39: {  	s18 =	smov.u32 s9;
	s19 =	smov.u32 s10;
	[sflag:s12] =	ssyncset.done $0x0  }
.LBB2_6:
0x3a: {  	[sflag:s12] =	ssyncadd.s32 $0xFFFFC000;
	s18 =	sadd.s32 $0x10, s18;
	s19 =	sadd.s32 $0x10, s19  }
0x3b: {  	[tilespmem:s3], [sflag:$0x1] =	stream.linear.gather [hbm4b:s19+s3], $0x80, $0x38;
	[tilespmem:$0x19100] =	vst v63  }
0x3c: {  	p0 =	sne.s32 s17, $0x1;
	s17 =	sadd.s32 $0xFFFFFFFF, s17;
	_ =	swait.ge [sflag:s12], $0x80  }
0x3d: {  	[sflag:s12] =	ssyncset.done $0x0  }
0x3e: {  	[sflag:s12] =	ssyncadd.s32 $0xFFFFFF80  }
0x3f: {  	[tilespmem:s13], [sflag:$0x1] =	stream.linear.gather [hbm4b:s18+s3], $0x80, $0x38;
	[tilespmem:$0x19100] =	vst v63  }
0x40: {  	_ =	swait.ge [sflag:s12], $0x80  }
0x41: {  	[sflag:s12] =	ssyncset.done $0x0  }
0x42: {  	[sflag:s12] =	ssyncadd.s32 $0xFFFFFF80  }
0x43: {  	[tilespmem:s14], [sflag:$0x1] =	stream.indirect.gather [hbm4b:s4+s13], $0x80, s3, s13, $0xb8;
	[tilespmem:$0x19100] =	vst v63  }
0x44: {  	_ =	swait.ge [sflag:s12], $0x4000  }
.Ltmp3:
0x45: {  	[sflag:s12] =	ssyncset.done $0x0;
	(pc) =	sbr.rel @p0 .LBB2_6-.Ltmp3, $4  }
0x46: {  	[sflag:s12] =	ssyncadd.s32 $0xFFFFC000  }
0x47: {  	[spmem:s2] =	stream.indirect.scatter.add.f32 [tilespmem:s14], [sflag:$0x1], $0x80, s13, s13, $0xb8;
	[tilespmem:$0x19100] =	vst v63  }
0x48: {  	_ =	swait.ge [sflag:s12], $0x4000  }
0x49: {  	[sflag:s12] =	ssyncset.done $0x0  }
.LBB2_7:
0x4a: {  	s16 =	sadd.s32 $0x1, s16  }
0x4b: {  	[sflag:s12] =	ssyncadd.s32 $0xFFFFC000;
	s17 =	sshll.u32 s0, $0x6;
	p0 =	sne.s32 s16, s8  }
.Ltmp4:
0x4c: {  	[bflag:$0x0] =	sbarrier.arrive $0xFFFF;
	s17 =	sor.u32 $0x1C01, s17;
	(pc) =	sbr.rel @p0 .LBB2_1-.Ltmp4, $4  }
0x4d: {  	[hbm:s7], [sflag:s17] =	dma.local [spmem:s15], $0x2800  }
0x4e: {  	_ =	swait.ge [sflag:s12], $0x2800  }
0x4f: {  	[sflag:s12] =	ssyncset.done $0x0  }
0x50: {  	[sflag:s12] =	ssyncadd.s32 $0xFFFFD800  }
0x51: {  	_ =	sfence.sel $0x180000  }
0x52: {  	[bflag:$0x0] =	sbarrier.arrive $0xFFFF  }
0x53: {  	p0 =	sne.s32 s0, $0x0;
	_ =	strace $0x9000004A  }
0x54: {  	s0 =	sadd.s32 @!p0 $0x100000, s1;
	[bflag:$0x2] =	sbarrier.arrive $0xFFFF  }
0x55: {  	[sflag:s0] =	ssyncadd.tile.s32 @!p0 $0x1;
	_ =	shalt  }
.Lfunc_end2:
_tile_overlayer_lowered:
.L_overlay_start_2:
0x56: {  	(tag) =	ssettag $0x2  }
0x57: {  	s0 =	rddreg [dreg:$0x0];
	s2 =	stileid.u32  }
0x58: {  	s1 =	rddreg [dreg:$0x1];
	p0 =	sne.s32 s2, $0x0  }
0x59: {  	s3 =	rddreg [dreg:$0x2];
	[bflag:$0x3] =	sbarrier.arrive $0xFFFF;
	s2 =	simm.s32 @!p0 $0x1C01  }
0x5a: {  	[timem:s3], [sflag:s2] =	dma.local @!p0 [hbm:s0], s1  }
0x5b: {  	s0 =	simm.s32 @!p0 $0x1  }
0x5c: {  	_ =	swait.ge @!p0 [sflag:s0], s1  }
0x5d: {  	s1 =	ssub.s32 @!p0 $0x0, s1;
	[sflag:s0] =	ssyncset.done @!p0 $0x0  }
0x5e: {  	[sflag:s0] =	ssyncadd.s32 @!p0 s1  }
0x5f: {  	[bflag:$0x3] =	sbarrier.arrive $0xFFFF  }
0x60: {  	_ =	shalt  }

// kernel: kernel.19.cloned.1.call-start
scs
__scs_entry_jumppad:
0x0: {  	(pc) =	sbr.rel $0x88, $3  }
0x1: {  	(tag) =	ssettag $0x0;
	lr =	simm.s32 $0x1  }
0x2: {  	[smem:$0x3F95] =	sst lr;
	_ =	strace $0xD0000000  }
0x3: {  	_ = 	snop  }
0x4: {  	_ = 	snop  }
0x5: {  	_ = 	snop  }
0x6: {  	_ = 	snop  }
0x7: {  	_ = 	snop  }
__scs_overlays_trampoline_lowered:
0x8: {  	[smem:$0x3FA4] =	sst s0  }
0x9: {  	[smem:$0x3FA5] =	sst s1  }
0xa: {  	[smem:$0x3FA6] =	sst s2  }
0xb: {  	[smem:$0x3FA7] =	sst s3  }
0xc: {  	[smem:$0x3FA8] =	sst s4  }
0xd: {  	[smem:$0x3FA9] =	sst s5  }
0xe: {  	[smem:$0x3FAA] =	sst s6  }
0xf: {  	[smem:$0x3FAB] =	sst s7  }
0x10: {  	[smem:$0x3FAC] =	sst s8  }
0x11: {  	[smem:$0x3FAD] =	sst s9;
	s0 =	simm.s32 @!p0 $0x0  }
0x12: {  	s1 =	sld [smem:$0x3F93];
	s0 =	simm.s32 @p0 $0x1  }
0x13: {  	[smem:$0x3FAE] =	sst s0;
	s0 =	simm.s32 @!p1 $0x0  }
0x14: {  	s2 =	sld [smem:$0x3F92];
	s0 =	simm.s32 @p1 $0x1  }
0x15: {  	[smem:$0x3FAF] =	sst s0;
	s0 =	simm.s32 @!p2 $0x0  }
0x16: {  	s3 =	sld [smem:$0x3FDB];
	s0 =	simm.s32 @p2 $0x1  }
0x17: {  	s4 =	simm.s32 $0x1BF5;
	[smem:$0x3FB1] =	sst s0  }
0x18: {  	s0 =	sld [smem:$0x3F94];
	_ =	swait.ge [sflag:s4], $0x0  }
0x19: {  	s7 =	sld [smem:$0x3F95]  }
0x1a: {  	s8 =	sadd.s32 $0xFFFFE003, lr  }
0x1b: {  	s9 =	sadd.s32 $0xFFFFFEF7, lr;
	s5 =	simm.s32 $0xFFFFFFFF;
	p2 =	slt.u32 s8, $0xFFFFF086  }
0x1c: {  	p1 =	slt.u32 s9, $0xF7A;
	s5 =	simm.s32 @!p2 $0x0  }
0x1d: {  	s5 =	simm.s32 @p1 $0x1;
	p0 =	seq.s32 s7, s2  }
0x1e: {  	s7 =	smul.u32 @!p0 $0xF7A, s2;
	p2 =	seq.s32 @!p0 s5, $0x0  }
0x1f: {  	s9 =	smul.u32 $0xF7A, s1;
	s8 =	simm.s32 @!p0 $0x1BF5;
	p2 =	por !p2, p0  }
0x20: {  	[sflag:s8] =	ssyncset.s32 @!p0 $0xFFFFF086;
	s6 =	sadd.s32 @!p0 s3, s7;
	s7 =	simm.s32 @!p0 $0x108  }
0x21: {  	s3 =	sadd.s32 s3, s9;
	s6 =	sadd.s32 @!p0 $0x88, s6;
	s7 =	simm.s32 @p2 $0x1082  }
0x22: {  	[simem:s7], [sflag:s8] =	dma.local @!p0 [hbm:s6], $0xF7A  }
0x23: {  	s9 =	sor.u32 $0xD0000000, s2;
	s6 =	simm.s32 $0x108;
	_ =	swait.ge @!p0 [sflag:s8], $0x0  }
0x24: {  	s3 =	sadd.s32 $0x88, s3;
	s6 =	simm.s32 @!p1 $0x1082;
	[sflag:s4] =	ssyncset.s32 $0xFFFFF086  }
0x25: {  	[simem:s6], [sflag:s4] =	dma.local [hbm:s3], $0xF7A  }
0x26: {  	[smem:$0x3F95] =	sst s1;
	(tag) =	ssettag s2;
	_ =	strace s9  }
0x27: {  	s1 =	sld [smem:$0x3FA5]  }
0x28: {  	s2 =	sld [smem:$0x3FA6]  }
0x29: {  	s4 =	sld [smem:$0x3FA8]  }
0x2a: {  	p0 =	seq.s32 s5, $0x0;
	s5 =	sld [smem:$0x3FA9]  }
0x2b: {  	s6 =	sld [smem:$0x3FAA]  }
0x2c: {  	s7 =	sld [smem:$0x3FAB]  }
0x2d: {  	s3 =	simm.s32 $0x108;
	s8 =	sld [smem:$0x3FAC]  }
0x2e: {  	s3 =	simm.s32 @!p0 $0x1082;
	s9 =	sld [smem:$0x3FAD]  }
0x2f: {  	lr =	sadd.s32 s0, s3;
	s0 =	sld [smem:$0x3FA4]  }
0x30: {  	s3 =	sld [smem:$0x3FA7]  }
0x31: {  	[smem:$0x3FB0] =	sst s10  }
0x32: {  	s10 =	sld [smem:$0x3FAE];
	_ =	sdelay $0x3  }
0x33: {  	p0 =	seq.s32 s10, $0x1;
	s10 =	sld [smem:$0x3FB0];
	_ =	sdelay $0x3  }
0x34: {  	[smem:$0x3FB0] =	sst s10  }
0x35: {  	s10 =	sld [smem:$0x3FAF];
	_ =	sdelay $0x3  }
0x36: {  	p1 =	seq.s32 s10, $0x1;
	s10 =	sld [smem:$0x3FB0];
	_ =	sdelay $0x3  }
0x37: {  	[smem:$0x3FB0] =	sst s10  }
0x38: {  	s10 =	sld [smem:$0x3FB1]  }
0x39: {  	_ = 	snop;
	(pc) =	sbr.ind lr, $3  }
0x3a: {  	_ = 	snop  }
0x3b: {  	_ = 	snop  }
0x3c: {  	p2 =	seq.s32 s10, $0x1;
	s10 =	sld [smem:$0x3FB0]  }
0x3d: {  	_ =	shalt  }
0x3e: {  	_ =	shalt  }
0x3f: {  	_ =	shalt  }
0x40: {  	_ =	shalt  }
0x41: {  	_ =	shalt  }
0x42: {  	_ =	shalt  }
0x43: {  	_ =	shalt  }
0x44: {  	_ =	shalt  }
0x45: {  	_ =	shalt  }
0x46: {  	_ =	shalt  }
0x47: {  	_ =	shalt  }
0x48: {  	_ =	shalt  }
0x49: {  	_ =	shalt  }
0x4a: {  	_ =	shalt  }
0x4b: {  	_ =	shalt  }
0x4c: {  	_ =	shalt  }
0x4d: {  	_ =	shalt  }
0x4e: {  	_ =	shalt  }
0x4f: {  	_ =	shalt  }
0x50: {  	_ =	shalt  }
0x51: {  	_ =	shalt  }
0x52: {  	_ =	shalt  }
0x53: {  	_ =	shalt  }
0x54: {  	_ =	shalt  }
0x55: {  	_ =	shalt  }
0x56: {  	_ =	shalt  }
0x57: {  	_ =	shalt  }
0x58: {  	_ =	shalt  }
0x59: {  	_ =	shalt  }
0x5a: {  	_ =	shalt  }
0x5b: {  	_ =	shalt  }
0x5c: {  	_ =	shalt  }
0x5d: {  	_ =	shalt  }
0x5e: {  	_ =	shalt  }
0x5f: {  	_ =	shalt  }
0x60: {  	_ =	shalt  }
0x61: {  	_ =	shalt  }
0x62: {  	_ =	shalt  }
0x63: {  	_ =	shalt  }
0x64: {  	_ =	shalt  }
0x65: {  	_ =	shalt  }
0x66: {  	_ =	shalt  }
0x67: {  	_ =	shalt  }
0x68: {  	_ =	shalt  }
0x69: {  	_ =	shalt  }
0x6a: {  	_ =	shalt  }
0x6b: {  	_ =	shalt  }
0x6c: {  	_ =	shalt  }
0x6d: {  	_ =	shalt  }
0x6e: {  	_ =	shalt  }
0x6f: {  	_ =	shalt  }
0x70: {  	_ =	shalt  }
0x71: {  	_ =	shalt  }
0x72: {  	_ =	shalt  }
0x73: {  	_ =	shalt  }
0x74: {  	_ =	shalt  }
0x75: {  	_ =	shalt  }
0x76: {  	_ =	shalt  }
0x77: {  	_ =	shalt  }
0x78: {  	_ =	shalt  }
0x79: {  	_ =	shalt  }
0x7a: {  	_ =	shalt  }
0x7b: {  	_ =	shalt  }
0x7c: {  	_ =	shalt  }
0x7d: {  	_ =	shalt  }
0x7e: {  	_ =	shalt  }
0x7f: {  	_ =	shalt  }
0x80: {  	_ =	shalt  }
0x81: {  	_ =	shalt  }
0x82: {  	_ =	shalt  }
0x83: {  	_ =	shalt  }
0x84: {  	_ =	shalt  }
0x85: {  	_ =	shalt  }
0x86: {  	_ =	shalt  }
0x87: {  	_ =	shalt  }
.Lfunc_end0:
.L_simem_size_0:
called_computation.2_lowered:
.L_overlay_start_0:
0x88: {  	s2 =	sld [smem:$0x3FD9]  }
0x89: {  	s3 =	sld [smem:$0x3FFE];
	_ =	sdelay $0x1  }
0x8a: {  	s1 =	srdreg.scid  }
0x8b: {  	s0 =	sand.u32 $0x1, s1  }
0x8c: {  	s16 =	sshll.u32 s0, $0xA;
	s2 =	sadd.s32 s3, s2  }
0x8d: {  	s2 =	sadd.s32 s2, s16  }
0x8e: {  	[smem:$0x3FBC] =	sst s2  }
0x8f: {  	_ = 	snop  }
0x90: {  	(tm) =	ssettm $0x1  }
0x91: {  	s17 =	sld [smem:$0x3FFB];
	_ =	sdelay $0x3  }
0x92: {  	_ =	strace s17  }
0x93: {  	s2 =	sld [smem:$0x3FFC];
	_ =	sdelay $0x3  }
0x94: {  	_ =	strace s2  }
0x95: {  	s2 =	sld [smem:$0x3FFD];
	_ =	sdelay $0x3  }
0x96: {  	_ =	strace s2  }
0x97: {  	_ =	strace $0x8FFFFFFF  }
0x98: {  	s18 =	sld [smem:$0x3FDB];
	_ =	sdelay $0x1  }
0x99: {  	s19 =	simm.s32 $_scs_section_size  }
0x9a: {  	s4 =	simm.s32 $_size__tile_overlayer_lowered;
	s5 =	simm.s32 $_tile_overlayer_lowered  }
0x9b: {  	s22 =	simm.s32 $0x1BFF;
	s21 =	sshll.u32 s5, $0x1;
	s2 =	sadd.s32 s19, s18  }
0x9c: {  	s6 =	simm.s32 $0x0;
	s20 =	sshll.u32 s4, $0x1;
	s4 =	sadd.s32 s21, s2  }
0x9d: {  	[timem:s6], [sflag:s22] =	dma.local [hbm:s4], s20  }
0x9e: {  	_ =	swait.ge [sflag:s22], s20  }
0x9f: {  	s3 =	ssub.s32 $0x0, s20;
	[sflag:s22] =	ssyncset.done $0x0  }
0xa0: {  	[sflag:s22] =	ssyncadd.s32 s3;
	_ =	sdelay $0x1  }
0xa1: {  	s23 =	simm.s32 $0x1B8B  }
0xa2: {  	_ =	swait.ge [sflag:s23], $0x1  }
0xa3: {  	[sflag:s23] =	ssyncset.done $0x0  }
0xa4: {  	s25 =	simm.s32 $0x1B8E;
	s24 =	sld [smem:$0x3FFE];
	[sflag:s23] =	ssyncadd.s32 $0xFFFFFFFF  }
0xa5: {  	s26 =	simm.s32 $execute0_lowered;
	[smem:$0x3FD2] =	sst s25  }
0xa6: {  	s4 =	sshll.u32 s26, $0x1;
	_ =	strace $0x8000004C;
	[dreg:$0x1] =	wrdreg $0xFFFFFFFF  }
0xa7: {  	s28 =	simm.s32 $_size_execute0_lowered;
	s2 =	sadd.s32 s2, s4;
	[dreg:$0x0] =	wrdreg $0x0  }
0xa8: {  	s4 =	sshll.u32 s28, $0x1;
	[dreg:$0x2] =	wrdreg s2  }
0xa9: {  	[dreg:$0x3] =	wrdreg s4  }
0xaa: {  	[dreg:$0x4] =	wrdreg $0xC0  }
0xab: {  	_ =	task [dreg:s6], $0x5FFFF  }
0xac: {  	[dreg:$0x1] =	wrdreg $0xFFFFFFFF  }
0xad: {  	[dreg:$0x0] =	wrdreg $0x60  }
0xae: {  	[dreg:$0x2] =	wrdreg s24  }
0xaf: {  	[dreg:$0x3] =	wrdreg $0x49000  }
0xb0: {  	[dreg:$0x4] =	wrdreg $0x9  }
0xb1: {  	_ =	task.clear_ibuf [dreg:s6], $0x5FFFF;
	_ =	strace $0x9000004C  }
0xb2: {  	s29 =	simm.s32 $0x9;
	_ =	strace $0x8000004E  }
0xb3: {  	_ =	swait.ge [sflag:s29], $0x1  }
0xb4: {  	[sflag:s29] =	ssyncadd.s32 $0xFFFFFFFF  }
0xb5: {  	_ =	strace $0x9000004E  }
0xb6: {  	_ =	sfence  }
0xb7: {  	s30 =	sld [smem:$0x0];
	_ =	sdelay $0x2  }
0xb8: {  	s31 =	sshll.u32 s1, $0xD;
	s1 =	sshrl.u32 s1, $0x2  }
0xb9: {  	s3 =	sand.u32 $0x4000, s31;
	s1 =	sadd.s32 s1, s30  }
0xba: {  	s0 =	sor.u32 s3, s0;
	s1 =	sshll.u32 s1, $0x11  }
0xbb: {  	s0 =	sor.u32 s1, s0  }
0xbc: {  	s0 =	sadd.s32 $0x8F2B, s0  }
0xbd: {  	[sflag:s0] =	ssyncadd.remote.s32 $0x1  }
0xbe: {  	_ =	sfence.sel $0xFFFF  }
0xbf: {  	[dreg:$0x0] =	wrdreg $0xFFFFFFFF;
	(pc) =	sbr.abs _section_cstart, $3  }
0xc0: {  	[dreg:$0x1] =	wrdreg $0xFFFFFFFF  }
0xc1: {  	_ =	task.clear_ibuf [dreg:s6], $0x2FFFF;
	_ =	strace $0x9FFFFFFF  }
0xc2: {  	(tm) =	ssettm $0x7FFFFFFF  }
0xc3: {  	_ =	shalt  }
tec
execute0_lowered:
.L_overlay_start_1:
0x0: {  	(tag) =	ssettag $0x1  }
0x1: {  	s5 =	rddreg [dreg:$0x0];
	s0 =	stileid.u32  }
0x2: {  	s1 =	srdreg.scid;
	s3 =	smul.u32 $0x1A, s0  }
0x3: {  	s2 =	rddreg [dreg:$0x1];
	s12 =	simm.s32 $0x1;
	s4 =	smul.u32 $0x86, s0  }
0x4: {  	s13 =	simm.s32 $0x80;
	s14 =	simm.s32 $0x100;
	s9 =	smul.u32 $0x14000, s0  }
0x5: {  	s16 =	simm.s32 $0x0;
	s6 =	sand.u32 $0x1, s1;
	s28 =	smul.u32 $0x52000, s0  }
0x6: {  	s1 =	rddreg [dreg:$0x2];
	s11 =	smul.u32 $0x50000, s0;
	p0 =	seq.s32 s6, $0x0  }
0x7: {  	s8 =	smul.u32 $0x140000, s6;
	s6 =	ssub.s32 $0x2, s6;
	s7 =	sadd.s32 $0x860, s3  }
0x8: {  	s3 =	simm.s32 $0x0;
	s29 =	sshrl.u32 s6, $0x1;
	s30 =	sshrl.u32 s28, $0x2  }
0x9: {  	s31 =	sshrl.u32 s11, $0x2;
	s11 =	simm.s32 $0x4100;
	s7 =	smov.u32 @p0 s4  }
0xa: {  	[smem:$0x7FF] =	sst s3;
	s4 =	sadd.s32 $0x19C00, s5;
	s26 =	sadd.s32 s9, s8  }
0xb: {  	s9 =	ssub.s32 s6, s29;
	s6 =	simm.s32 $0x86;
	s15 =	sadd.s32 s31, s2  }
0xc: {  	s7 =	sshll.u32 s7, $0x4;
	_ =	strace $0x8000004D;
	s6 =	simm.s32 @!p0 $0x1A  }
0xd: {  	s8 =	smax.u32 s9, $0x1;
	s10 =	sadd.s32 s7, s5;
	s7 =	sshrl.u32 s26, $0x3  }
0xe: {  	s15 =	sshrl.u32 s15, $0x3;
	s7 =	sadd.s32 s7, s5;
	s5 =	sadd.s32 s30, s2  }
0xf: {  	v0 =	vimm.f32 $0.0e+00;
	s9 =	sadd.s32 $0x73C00, s10;
	s10 =	sadd.s32 $0xFC00, s10;
	s7 =	sadd.s32 $0x7DC00, s7  }
.LBB2_1:
0x10: {  	s17 =	simm.s32 $0x0;
	s18 =	simm.s32 $0x200  }
.LBB2_2:
0x11: {  	p0 =	sne.s32 s18, $0x1E00;
	[tilespmem:s17+$0x4170] =	vst v0  }
0x12: {  	[tilespmem:s17+$0x4100] =	vst v0  }
0x13: {  	[tilespmem:s17+$0x4110] =	vst v0  }
.Ltmp0:
0x14: {  	[tilespmem:s17+$0x4120] =	vst v0;
	(pc) =	sbr.rel @p0 .LBB2_2-.Ltmp0, $4  }
0x15: {  	[tilespmem:s17+$0x4130] =	vst v0  }
0x16: {  	[tilespmem:s17+$0x4140] =	vst v0  }
0x17: {  	[tilespmem:s17+$0x4150] =	vst v0  }
0x18: {  	[tilespmem:s17+$0x4160] =	vst v0;
	s17 =	sshra.s32 s18, $0x2;
	s18 =	sadd.s32 $0x200, s18  }
0x19: {  	[tilespmem:s17+$0x4170] =	vst v0  }
0x1a: {  	[tilespmem:s17+$0x4100] =	vst v0  }
0x1b: {  	[tilespmem:s17+$0x4110] =	vst v0  }
0x1c: {  	[tilespmem:s17+$0x4120] =	vst v0  }
0x1d: {  	[tilespmem:s17+$0x4130] =	vst v0  }
0x1e: {  	[tilespmem:s17+$0x4140] =	vst v0  }
0x1f: {  	[tilespmem:s17+$0x4150] =	vst v0  }
0x20: {  	[tilespmem:s17+$0x4160] =	vst v0;
	s31 =	sadd.s32 $0x0, s5  }
0x21: {  	[spmem:s31] =	stream.linear.scatter [tilespmem:s11], [sflag:$0x1], $0x800, $0x38;
	[tilespmem:$0x19100] =	vst v63  }
0x22: {  	s17 =	simm.s32 $0x2000;
	_ =	swait.ge [sflag:s12], $0x800  }
.LBB2_4:
0x23: {  	s18 =	sshra.s32 s17, $0x2;
	[sflag:s12] =	ssyncset.done $0x0;
	p0 =	sne.s32 s17, $0x50000  }
.Ltmp1:
0x24: {  	s18 =	sadd.s32 s18, s5;
	[sflag:s12] =	ssyncadd.s32 $0xFFFFF800;
	(pc) =	sbr.rel @p0 .LBB2_4-.Ltmp1, $3  }
0x25: {  	[spmem:s18] =	stream.linear.scatter [tilespmem:s11], [sflag:$0x1], $0x800, $0x38;
	[tilespmem:$0x19100] =	vst v63  }
0x26: {  	s17 =	sadd.s32 $0x2000, s17;
	_ =	sdelay $0x1  }
0x27: {  	_ =	swait.ge [sflag:s12], $0x800  }
0x28: {  	[sflag:s12] =	ssyncset.done $0x0  }
0x29: {  	[sflag:s12] =	ssyncadd.s32 $0xFFFFF800  }
0x2a: {  	[bflag:$0x0] =	sbarrier.arrive $0xFFFF  }
0x2b: {  	[tilespmem:s3], [sflag:$0x1] =	stream.linear.gather [hbm4b:s10+s3], $0x80, $0x38;
	[tilespmem:$0x19100] =	vst v63  }
0x2c: {  	_ =	swait.ge [sflag:s12], $0x80  }
0x2d: {  	[sflag:s12] =	ssyncset.done $0x0  }
0x2e: {  	[sflag:s12] =	ssyncadd.s32 $0xFFFFFF80  }
0x2f: {  	[tilespmem:s13], [sflag:$0x1] =	stream.linear.gather [hbm4b:s9+s3], $0x80, $0x38;
	[tilespmem:$0x19100] =	vst v63  }
0x30: {  	_ =	swait.ge [sflag:s12], $0x80  }
0x31: {  	[sflag:s12] =	ssyncset.done $0x0  }
0x32: {  	[sflag:s12] =	ssyncadd.s32 $0xFFFFFF80  }
0x33: {  	[tilespmem:s14], [sflag:$0x1] =	stream.indirect.gather [hbm4b:s4+s13], $0x80, s3, s13, $0xb8;
	[tilespmem:$0x19100] =	vst v63  }
0x34: {  	p0 =	sne.s32 s6, $0x1;
	_ =	swait.ge [sflag:s12], $0x4000  }
.Ltmp2:
0x35: {  	[sflag:s12] =	ssyncset.done $0x0;
	(pc) =	sbr.rel @!p0 .LBB2_7-.Ltmp2, $4  }
0x36: {  	[sflag:s12] =	ssyncadd.s32 $0xFFFFC000  }
0x37: {  	[spmem:s2] =	stream.indirect.scatter.add.f32 [tilespmem:s14], [sflag:$0x1], $0x80, s13, s13, $0xb8;
	[tilespmem:$0x19100] =	vst v63  }
0x38: {  	s17 =	sadd.s32 $0xFFFFFFFF, s6;
	_ =	swait.ge [sflag:s12], $0x4000  }
0x39: {  	s18 =	smov.u32 s9;
	s19 =	smov.u32 s10;
	[sflag:s12] =	ssyncset.done $0x0  }
.LBB2_6:
0x3a: {  	[sflag:s12] =	ssyncadd.s32 $0xFFFFC000;
	s18 =	sadd.s32 $0x10, s18;
	s19 =	sadd.s32 $0x10, s19  }
0x3b: {  	[tilespmem:s3], [sflag:$0x1] =	stream.linear.gather [hbm4b:s19+s3], $0x80, $0x38;
	[tilespmem:$0x19100] =	vst v63  }
0x3c: {  	p0 =	sne.s32 s17, $0x1;
	s17 =	sadd.s32 $0xFFFFFFFF, s17;
	_ =	swait.ge [sflag:s12], $0x80  }
0x3d: {  	[sflag:s12] =	ssyncset.done $0x0  }
0x3e: {  	[sflag:s12] =	ssyncadd.s32 $0xFFFFFF80  }
0x3f: {  	[tilespmem:s13], [sflag:$0x1] =	stream.linear.gather [hbm4b:s18+s3], $0x80, $0x38;
	[tilespmem:$0x19100] =	vst v63  }
0x40: {  	_ =	swait.ge [sflag:s12], $0x80  }
0x41: {  	[sflag:s12] =	ssyncset.done $0x0  }
0x42: {  	[sflag:s12] =	ssyncadd.s32 $0xFFFFFF80  }
0x43: {  	[tilespmem:s14], [sflag:$0x1] =	stream.indirect.gather [hbm4b:s4+s13], $0x80, s3, s13, $0xb8;
	[tilespmem:$0x19100] =	vst v63  }
0x44: {  	_ =	swait.ge [sflag:s12], $0x4000  }
.Ltmp3:
0x45: {  	[sflag:s12] =	ssyncset.done $0x0;
	(pc) =	sbr.rel @p0 .LBB2_6-.Ltmp3, $4  }
0x46: {  	[sflag:s12] =	ssyncadd.s32 $0xFFFFC000  }
0x47: {  	[spmem:s2] =	stream.indirect.scatter.add.f32 [tilespmem:s14], [sflag:$0x1], $0x80, s13, s13, $0xb8;
	[tilespmem:$0x19100] =	vst v63  }
0x48: {  	_ =	swait.ge [sflag:s12], $0x4000  }
0x49: {  	[sflag:s12] =	ssyncset.done $0x0  }
.LBB2_7:
0x4a: {  	s16 =	sadd.s32 $0x1, s16  }
0x4b: {  	[sflag:s12] =	ssyncadd.s32 $0xFFFFC000;
	s17 =	sshll.u32 s0, $0x6;
	p0 =	sne.s32 s16, s8  }
.Ltmp4:
0x4c: {  	[bflag:$0x0] =	sbarrier.arrive $0xFFFF;
	s17 =	sor.u32 $0x1C01, s17;
	(pc) =	sbr.rel @p0 .LBB2_1-.Ltmp4, $4  }
0x4d: {  	[hbm:s7], [sflag:s17] =	dma.local [spmem:s15], $0x2800  }
0x4e: {  	_ =	swait.ge [sflag:s12], $0x2800  }
0x4f: {  	[sflag:s12] =	ssyncset.done $0x0  }
0x50: {  	[sflag:s12] =	ssyncadd.s32 $0xFFFFD800  }
0x51: {  	_ =	sfence.sel $0x180000  }
0x52: {  	[bflag:$0x0] =	sbarrier.arrive $0xFFFF  }
0x53: {  	p0 =	sne.s32 s0, $0x0;
	_ =	strace $0x9000004D  }
0x54: {  	s0 =	sadd.s32 @!p0 $0x100000, s1;
	[bflag:$0x2] =	sbarrier.arrive $0xFFFF  }
0x55: {  	[sflag:s0] =	ssyncadd.tile.s32 @!p0 $0x1;
	_ =	shalt  }
.Lfunc_end2:
_tile_overlayer_lowered:
.L_overlay_start_2:
0x56: {  	(tag) =	ssettag $0x2  }
0x57: {  	s0 =	rddreg [dreg:$0x0];
	s2 =	stileid.u32  }
0x58: {  	s1 =	rddreg [dreg:$0x1];
	p0 =	sne.s32 s2, $0x0  }
0x59: {  	s3 =	rddreg [dreg:$0x2];
	[bflag:$0x3] =	sbarrier.arrive $0xFFFF;
	s2 =	simm.s32 @!p0 $0x1C01  }
0x5a: {  	[timem:s3], [sflag:s2] =	dma.local @!p0 [hbm:s0], s1  }
0x5b: {  	s0 =	simm.s32 @!p0 $0x1  }
0x5c: {  	_ =	swait.ge @!p0 [sflag:s0], s1  }
0x5d: {  	s1 =	ssub.s32 @!p0 $0x0, s1;
	[sflag:s0] =	ssyncset.done @!p0 $0x0  }
0x5e: {  	[sflag:s0] =	ssyncadd.s32 @!p0 s1  }
0x5f: {  	[bflag:$0x3] =	sbarrier.arrive $0xFFFF  }
0x60: {  	_ =	shalt  }

// kernel: kernel.22.cloned.1.call-start
scs
__scs_entry_jumppad:
0x0: {  	(pc) =	sbr.rel $0x88, $3  }
0x1: {  	(tag) =	ssettag $0x0;
	lr =	simm.s32 $0x1  }
0x2: {  	[smem:$0x3F95] =	sst lr;
	_ =	strace $0xD0000000  }
0x3: {  	_ = 	snop  }
0x4: {  	_ = 	snop  }
0x5: {  	_ = 	snop  }
0x6: {  	_ = 	snop  }
0x7: {  	_ = 	snop  }
__scs_overlays_trampoline_lowered:
0x8: {  	[smem:$0x3FA4] =	sst s0  }
0x9: {  	[smem:$0x3FA5] =	sst s1  }
0xa: {  	[smem:$0x3FA6] =	sst s2  }
0xb: {  	[smem:$0x3FA7] =	sst s3  }
0xc: {  	[smem:$0x3FA8] =	sst s4  }
0xd: {  	[smem:$0x3FA9] =	sst s5  }
0xe: {  	[smem:$0x3FAA] =	sst s6  }
0xf: {  	[smem:$0x3FAB] =	sst s7  }
0x10: {  	[smem:$0x3FAC] =	sst s8  }
0x11: {  	[smem:$0x3FAD] =	sst s9;
	s0 =	simm.s32 @!p0 $0x0  }
0x12: {  	s1 =	sld [smem:$0x3F93];
	s0 =	simm.s32 @p0 $0x1  }
0x13: {  	[smem:$0x3FAE] =	sst s0;
	s0 =	simm.s32 @!p1 $0x0  }
0x14: {  	s2 =	sld [smem:$0x3F92];
	s0 =	simm.s32 @p1 $0x1  }
0x15: {  	[smem:$0x3FAF] =	sst s0;
	s0 =	simm.s32 @!p2 $0x0  }
0x16: {  	s3 =	sld [smem:$0x3FDB];
	s0 =	simm.s32 @p2 $0x1  }
0x17: {  	s4 =	simm.s32 $0x1BF5;
	[smem:$0x3FB1] =	sst s0  }
0x18: {  	s0 =	sld [smem:$0x3F94];
	_ =	swait.ge [sflag:s4], $0x0  }
0x19: {  	s7 =	sld [smem:$0x3F95]  }
0x1a: {  	s8 =	sadd.s32 $0xFFFFE003, lr  }
0x1b: {  	s9 =	sadd.s32 $0xFFFFFEF7, lr;
	s5 =	simm.s32 $0xFFFFFFFF;
	p2 =	slt.u32 s8, $0xFFFFF086  }
0x1c: {  	p1 =	slt.u32 s9, $0xF7A;
	s5 =	simm.s32 @!p2 $0x0  }
0x1d: {  	s5 =	simm.s32 @p1 $0x1;
	p0 =	seq.s32 s7, s2  }
0x1e: {  	s7 =	smul.u32 @!p0 $0xF7A, s2;
	p2 =	seq.s32 @!p0 s5, $0x0  }
0x1f: {  	s9 =	smul.u32 $0xF7A, s1;
	s8 =	simm.s32 @!p0 $0x1BF5;
	p2 =	por !p2, p0  }
0x20: {  	[sflag:s8] =	ssyncset.s32 @!p0 $0xFFFFF086;
	s6 =	sadd.s32 @!p0 s3, s7;
	s7 =	simm.s32 @!p0 $0x108  }
0x21: {  	s3 =	sadd.s32 s3, s9;
	s6 =	sadd.s32 @!p0 $0x88, s6;
	s7 =	simm.s32 @p2 $0x1082  }
0x22: {  	[simem:s7], [sflag:s8] =	dma.local @!p0 [hbm:s6], $0xF7A  }
0x23: {  	s9 =	sor.u32 $0xD0000000, s2;
	s6 =	simm.s32 $0x108;
	_ =	swait.ge @!p0 [sflag:s8], $0x0  }
0x24: {  	s3 =	sadd.s32 $0x88, s3;
	s6 =	simm.s32 @!p1 $0x1082;
	[sflag:s4] =	ssyncset.s32 $0xFFFFF086  }
0x25: {  	[simem:s6], [sflag:s4] =	dma.local [hbm:s3], $0xF7A  }
0x26: {  	[smem:$0x3F95] =	sst s1;
	(tag) =	ssettag s2;
	_ =	strace s9  }
0x27: {  	s1 =	sld [smem:$0x3FA5]  }
0x28: {  	s2 =	sld [smem:$0x3FA6]  }
0x29: {  	s4 =	sld [smem:$0x3FA8]  }
0x2a: {  	p0 =	seq.s32 s5, $0x0;
	s5 =	sld [smem:$0x3FA9]  }
0x2b: {  	s6 =	sld [smem:$0x3FAA]  }
0x2c: {  	s7 =	sld [smem:$0x3FAB]  }
0x2d: {  	s3 =	simm.s32 $0x108;
	s8 =	sld [smem:$0x3FAC]  }
0x2e: {  	s3 =	simm.s32 @!p0 $0x1082;
	s9 =	sld [smem:$0x3FAD]  }
0x2f: {  	lr =	sadd.s32 s0, s3;
	s0 =	sld [smem:$0x3FA4]  }
0x30: {  	s3 =	sld [smem:$0x3FA7]  }
0x31: {  	[smem:$0x3FB0] =	sst s10  }
0x32: {  	s10 =	sld [smem:$0x3FAE];
	_ =	sdelay $0x3  }
0x33: {  	p0 =	seq.s32 s10, $0x1;
	s10 =	sld [smem:$0x3FB0];
	_ =	sdelay $0x3  }
0x34: {  	[smem:$0x3FB0] =	sst s10  }
0x35: {  	s10 =	sld [smem:$0x3FAF];
	_ =	sdelay $0x3  }
0x36: {  	p1 =	seq.s32 s10, $0x1;
	s10 =	sld [smem:$0x3FB0];
	_ =	sdelay $0x3  }
0x37: {  	[smem:$0x3FB0] =	sst s10  }
0x38: {  	s10 =	sld [smem:$0x3FB1]  }
0x39: {  	_ = 	snop;
	(pc) =	sbr.ind lr, $3  }
0x3a: {  	_ = 	snop  }
0x3b: {  	_ = 	snop  }
0x3c: {  	p2 =	seq.s32 s10, $0x1;
	s10 =	sld [smem:$0x3FB0]  }
0x3d: {  	_ =	shalt  }
0x3e: {  	_ =	shalt  }
0x3f: {  	_ =	shalt  }
0x40: {  	_ =	shalt  }
0x41: {  	_ =	shalt  }
0x42: {  	_ =	shalt  }
0x43: {  	_ =	shalt  }
0x44: {  	_ =	shalt  }
0x45: {  	_ =	shalt  }
0x46: {  	_ =	shalt  }
0x47: {  	_ =	shalt  }
0x48: {  	_ =	shalt  }
0x49: {  	_ =	shalt  }
0x4a: {  	_ =	shalt  }
0x4b: {  	_ =	shalt  }
0x4c: {  	_ =	shalt  }
0x4d: {  	_ =	shalt  }
0x4e: {  	_ =	shalt  }
0x4f: {  	_ =	shalt  }
0x50: {  	_ =	shalt  }
0x51: {  	_ =	shalt  }
0x52: {  	_ =	shalt  }
0x53: {  	_ =	shalt  }
0x54: {  	_ =	shalt  }
0x55: {  	_ =	shalt  }
0x56: {  	_ =	shalt  }
0x57: {  	_ =	shalt  }
0x58: {  	_ =	shalt  }
0x59: {  	_ =	shalt  }
0x5a: {  	_ =	shalt  }
0x5b: {  	_ =	shalt  }
0x5c: {  	_ =	shalt  }
0x5d: {  	_ =	shalt  }
0x5e: {  	_ =	shalt  }
0x5f: {  	_ =	shalt  }
0x60: {  	_ =	shalt  }
0x61: {  	_ =	shalt  }
0x62: {  	_ =	shalt  }
0x63: {  	_ =	shalt  }
0x64: {  	_ =	shalt  }
0x65: {  	_ =	shalt  }
0x66: {  	_ =	shalt  }
0x67: {  	_ =	shalt  }
0x68: {  	_ =	shalt  }
0x69: {  	_ =	shalt  }
0x6a: {  	_ =	shalt  }
0x6b: {  	_ =	shalt  }
0x6c: {  	_ =	shalt  }
0x6d: {  	_ =	shalt  }
0x6e: {  	_ =	shalt  }
0x6f: {  	_ =	shalt  }
0x70: {  	_ =	shalt  }
0x71: {  	_ =	shalt  }
0x72: {  	_ =	shalt  }
0x73: {  	_ =	shalt  }
0x74: {  	_ =	shalt  }
0x75: {  	_ =	shalt  }
0x76: {  	_ =	shalt  }
0x77: {  	_ =	shalt  }
0x78: {  	_ =	shalt  }
0x79: {  	_ =	shalt  }
0x7a: {  	_ =	shalt  }
0x7b: {  	_ =	shalt  }
0x7c: {  	_ =	shalt  }
0x7d: {  	_ =	shalt  }
0x7e: {  	_ =	shalt  }
0x7f: {  	_ =	shalt  }
0x80: {  	_ =	shalt  }
0x81: {  	_ =	shalt  }
0x82: {  	_ =	shalt  }
0x83: {  	_ =	shalt  }
0x84: {  	_ =	shalt  }
0x85: {  	_ =	shalt  }
0x86: {  	_ =	shalt  }
0x87: {  	_ =	shalt  }
.Lfunc_end0:
.L_simem_size_0:
called_computation.3_lowered:
.L_overlay_start_0:
0x88: {  	s2 =	sld [smem:$0x3FD9]  }
0x89: {  	s3 =	sld [smem:$0x3FFE];
	_ =	sdelay $0x1  }
0x8a: {  	s1 =	srdreg.scid  }
0x8b: {  	s0 =	sand.u32 $0x1, s1  }
0x8c: {  	s16 =	sshll.u32 s0, $0xA;
	s2 =	sadd.s32 s3, s2  }
0x8d: {  	s2 =	sadd.s32 s2, s16  }
0x8e: {  	[smem:$0x3FBC] =	sst s2  }
0x8f: {  	_ = 	snop  }
0x90: {  	(tm) =	ssettm $0x1  }
0x91: {  	s17 =	sld [smem:$0x3FFB];
	_ =	sdelay $0x3  }
0x92: {  	_ =	strace s17  }
0x93: {  	s2 =	sld [smem:$0x3FFC];
	_ =	sdelay $0x3  }
0x94: {  	_ =	strace s2  }
0x95: {  	s2 =	sld [smem:$0x3FFD];
	_ =	sdelay $0x3  }
0x96: {  	_ =	strace s2  }
0x97: {  	_ =	strace $0x8FFFFFFF  }
0x98: {  	s18 =	sld [smem:$0x3FDB];
	_ =	sdelay $0x1  }
0x99: {  	s19 =	simm.s32 $_scs_section_size  }
0x9a: {  	s4 =	simm.s32 $_size__tile_overlayer_lowered;
	s5 =	simm.s32 $_tile_overlayer_lowered  }
0x9b: {  	s22 =	simm.s32 $0x1BFF;
	s21 =	sshll.u32 s5, $0x1;
	s2 =	sadd.s32 s19, s18  }
0x9c: {  	s6 =	simm.s32 $0x0;
	s20 =	sshll.u32 s4, $0x1;
	s4 =	sadd.s32 s21, s2  }
0x9d: {  	[timem:s6], [sflag:s22] =	dma.local [hbm:s4], s20  }
0x9e: {  	_ =	swait.ge [sflag:s22], s20  }
0x9f: {  	s3 =	ssub.s32 $0x0, s20;
	[sflag:s22] =	ssyncset.done $0x0  }
0xa0: {  	[sflag:s22] =	ssyncadd.s32 s3;
	_ =	sdelay $0x1  }
0xa1: {  	s23 =	simm.s32 $0x1B8B  }
0xa2: {  	_ =	swait.ge [sflag:s23], $0x1  }
0xa3: {  	[sflag:s23] =	ssyncset.done $0x0  }
0xa4: {  	s25 =	simm.s32 $0x1B8E;
	s24 =	sld [smem:$0x3FFE];
	[sflag:s23] =	ssyncadd.s32 $0xFFFFFFFF  }
0xa5: {  	s26 =	simm.s32 $execute0_lowered;
	[smem:$0x3FD2] =	sst s25  }
0xa6: {  	s4 =	sshll.u32 s26, $0x1;
	_ =	strace $0x8000004F;
	[dreg:$0x1] =	wrdreg $0xFFFFFFFF  }
0xa7: {  	s28 =	simm.s32 $_size_execute0_lowered;
	s2 =	sadd.s32 s2, s4;
	[dreg:$0x0] =	wrdreg $0x0  }
0xa8: {  	s4 =	sshll.u32 s28, $0x1;
	[dreg:$0x2] =	wrdreg s2  }
0xa9: {  	[dreg:$0x3] =	wrdreg s4  }
0xaa: {  	[dreg:$0x4] =	wrdreg $0xC0  }
0xab: {  	_ =	task [dreg:s6], $0x5FFFF  }
0xac: {  	[dreg:$0x1] =	wrdreg $0xFFFFFFFF  }
0xad: {  	[dreg:$0x0] =	wrdreg $0x60  }
0xae: {  	[dreg:$0x2] =	wrdreg s24  }
0xaf: {  	[dreg:$0x3] =	wrdreg $0x49000  }
0xb0: {  	[dreg:$0x4] =	wrdreg $0x9  }
0xb1: {  	_ =	task.clear_ibuf [dreg:s6], $0x5FFFF;
	_ =	strace $0x9000004F  }
0xb2: {  	s29 =	simm.s32 $0x9;
	_ =	strace $0x80000051  }
0xb3: {  	_ =	swait.ge [sflag:s29], $0x1  }
0xb4: {  	[sflag:s29] =	ssyncadd.s32 $0xFFFFFFFF  }
0xb5: {  	_ =	strace $0x90000051  }
0xb6: {  	_ =	sfence  }
0xb7: {  	s30 =	sld [smem:$0x0];
	_ =	sdelay $0x2  }
0xb8: {  	s31 =	sshll.u32 s1, $0xD;
	s1 =	sshrl.u32 s1, $0x2  }
0xb9: {  	s3 =	sand.u32 $0x4000, s31;
	s1 =	sadd.s32 s1, s30  }
0xba: {  	s0 =	sor.u32 s3, s0;
	s1 =	sshll.u32 s1, $0x11  }
0xbb: {  	s0 =	sor.u32 s1, s0  }
0xbc: {  	s0 =	sadd.s32 $0x8F2B, s0  }
0xbd: {  	[sflag:s0] =	ssyncadd.remote.s32 $0x1  }
0xbe: {  	_ =	sfence.sel $0xFFFF  }
0xbf: {  	[dreg:$0x0] =	wrdreg $0xFFFFFFFF;
	(pc) =	sbr.abs _section_cstart, $3  }
0xc0: {  	[dreg:$0x1] =	wrdreg $0xFFFFFFFF  }
0xc1: {  	_ =	task.clear_ibuf [dreg:s6], $0x2FFFF;
	_ =	strace $0x9FFFFFFF  }
0xc2: {  	(tm) =	ssettm $0x7FFFFFFF  }
0xc3: {  	_ =	shalt  }
tec
execute0_lowered:
.L_overlay_start_1:
0x0: {  	(tag) =	ssettag $0x1  }
0x1: {  	s5 =	rddreg [dreg:$0x0];
	s0 =	stileid.u32  }
0x2: {  	s1 =	srdreg.scid;
	s3 =	smul.u32 $0x1A, s0  }
0x3: {  	s2 =	rddreg [dreg:$0x1];
	s12 =	simm.s32 $0x1;
	s4 =	smul.u32 $0x86, s0  }
0x4: {  	s13 =	simm.s32 $0x80;
	s14 =	simm.s32 $0x100;
	s9 =	smul.u32 $0x14000, s0  }
0x5: {  	s16 =	simm.s32 $0x0;
	s6 =	sand.u32 $0x1, s1;
	s28 =	smul.u32 $0x52000, s0  }
0x6: {  	s1 =	rddreg [dreg:$0x2];
	s11 =	smul.u32 $0x50000, s0;
	p0 =	seq.s32 s6, $0x0  }
0x7: {  	s8 =	smul.u32 $0x140000, s6;
	s6 =	ssub.s32 $0x2, s6;
	s7 =	sadd.s32 $0x860, s3  }
0x8: {  	s3 =	simm.s32 $0x0;
	s29 =	sshrl.u32 s6, $0x1;
	s30 =	sshrl.u32 s28, $0x2  }
0x9: {  	s31 =	sshrl.u32 s11, $0x2;
	s11 =	simm.s32 $0x4100;
	s7 =	smov.u32 @p0 s4  }
0xa: {  	[smem:$0x7FF] =	sst s3;
	s4 =	sadd.s32 $0x19C00, s5;
	s26 =	sadd.s32 s9, s8  }
0xb: {  	s9 =	ssub.s32 s6, s29;
	s6 =	simm.s32 $0x86;
	s15 =	sadd.s32 s31, s2  }
0xc: {  	s7 =	sshll.u32 s7, $0x4;
	_ =	strace $0x80000050;
	s6 =	simm.s32 @!p0 $0x1A  }
0xd: {  	s8 =	smax.u32 s9, $0x1;
	s10 =	sadd.s32 s7, s5;
	s7 =	sshrl.u32 s26, $0x3  }
0xe: {  	s15 =	sshrl.u32 s15, $0x3;
	s7 =	sadd.s32 s7, s5;
	s5 =	sadd.s32 s30, s2  }
0xf: {  	v0 =	vimm.f32 $0.0e+00;
	s9 =	sadd.s32 $0x73C00, s10;
	s10 =	sadd.s32 $0xFC00, s10;
	s7 =	sadd.s32 $0x7DC00, s7  }
.LBB2_1:
0x10: {  	s17 =	simm.s32 $0x0;
	s18 =	simm.s32 $0x200  }
.LBB2_2:
0x11: {  	p0 =	sne.s32 s18, $0x1E00;
	[tilespmem:s17+$0x4170] =	vst v0  }
0x12: {  	[tilespmem:s17+$0x4100] =	vst v0  }
0x13: {  	[tilespmem:s17+$0x4110] =	vst v0  }
.Ltmp0:
0x14: {  	[tilespmem:s17+$0x4120] =	vst v0;
	(pc) =	sbr.rel @p0 .LBB2_2-.Ltmp0, $4  }
0x15: {  	[tilespmem:s17+$0x4130] =	vst v0  }
0x16: {  	[tilespmem:s17+$0x4140] =	vst v0  }
0x17: {  	[tilespmem:s17+$0x4150] =	vst v0  }
0x18: {  	[tilespmem:s17+$0x4160] =	vst v0;
	s17 =	sshra.s32 s18, $0x2;
	s18 =	sadd.s32 $0x200, s18  }
0x19: {  	[tilespmem:s17+$0x4170] =	vst v0  }
0x1a: {  	[tilespmem:s17+$0x4100] =	vst v0  }
0x1b: {  	[tilespmem:s17+$0x4110] =	vst v0  }
0x1c: {  	[tilespmem:s17+$0x4120] =	vst v0  }
0x1d: {  	[tilespmem:s17+$0x4130] =	vst v0  }
0x1e: {  	[tilespmem:s17+$0x4140] =	vst v0  }
0x1f: {  	[tilespmem:s17+$0x4150] =	vst v0  }
0x20: {  	[tilespmem:s17+$0x4160] =	vst v0;
	s31 =	sadd.s32 $0x0, s5  }
0x21: {  	[spmem:s31] =	stream.linear.scatter [tilespmem:s11], [sflag:$0x1], $0x800, $0x38;
	[tilespmem:$0x19100] =	vst v63  }
0x22: {  	s17 =	simm.s32 $0x2000;
	_ =	swait.ge [sflag:s12], $0x800  }
.LBB2_4:
0x23: {  	s18 =	sshra.s32 s17, $0x2;
	[sflag:s12] =	ssyncset.done $0x0;
	p0 =	sne.s32 s17, $0x50000  }
.Ltmp1:
0x24: {  	s18 =	sadd.s32 s18, s5;
	[sflag:s12] =	ssyncadd.s32 $0xFFFFF800;
	(pc) =	sbr.rel @p0 .LBB2_4-.Ltmp1, $3  }
0x25: {  	[spmem:s18] =	stream.linear.scatter [tilespmem:s11], [sflag:$0x1], $0x800, $0x38;
	[tilespmem:$0x19100] =	vst v63  }
0x26: {  	s17 =	sadd.s32 $0x2000, s17;
	_ =	sdelay $0x1  }
0x27: {  	_ =	swait.ge [sflag:s12], $0x800  }
0x28: {  	[sflag:s12] =	ssyncset.done $0x0  }
0x29: {  	[sflag:s12] =	ssyncadd.s32 $0xFFFFF800  }
0x2a: {  	[bflag:$0x0] =	sbarrier.arrive $0xFFFF  }
0x2b: {  	[tilespmem:s3], [sflag:$0x1] =	stream.linear.gather [hbm4b:s10+s3], $0x80, $0x38;
	[tilespmem:$0x19100] =	vst v63  }
0x2c: {  	_ =	swait.ge [sflag:s12], $0x80  }
0x2d: {  	[sflag:s12] =	ssyncset.done $0x0  }
0x2e: {  	[sflag:s12] =	ssyncadd.s32 $0xFFFFFF80  }
0x2f: {  	[tilespmem:s13], [sflag:$0x1] =	stream.linear.gather [hbm4b:s9+s3], $0x80, $0x38;
	[tilespmem:$0x19100] =	vst v63  }
0x30: {  	_ =	swait.ge [sflag:s12], $0x80  }
0x31: {  	[sflag:s12] =	ssyncset.done $0x0  }
0x32: {  	[sflag:s12] =	ssyncadd.s32 $0xFFFFFF80  }
0x33: {  	[tilespmem:s14], [sflag:$0x1] =	stream.indirect.gather [hbm4b:s4+s13], $0x80, s3, s13, $0xb8;
	[tilespmem:$0x19100] =	vst v63  }
0x34: {  	p0 =	sne.s32 s6, $0x1;
	_ =	swait.ge [sflag:s12], $0x4000  }
.Ltmp2:
0x35: {  	[sflag:s12] =	ssyncset.done $0x0;
	(pc) =	sbr.rel @!p0 .LBB2_7-.Ltmp2, $4  }
0x36: {  	[sflag:s12] =	ssyncadd.s32 $0xFFFFC000  }
0x37: {  	[spmem:s2] =	stream.indirect.scatter.add.f32 [tilespmem:s14], [sflag:$0x1], $0x80, s13, s13, $0xb8;
	[tilespmem:$0x19100] =	vst v63  }
0x38: {  	s17 =	sadd.s32 $0xFFFFFFFF, s6;
	_ =	swait.ge [sflag:s12], $0x4000  }
0x39: {  	s18 =	smov.u32 s9;
	s19 =	smov.u32 s10;
	[sflag:s12] =	ssyncset.done $0x0  }
.LBB2_6:
0x3a: {  	[sflag:s12] =	ssyncadd.s32 $0xFFFFC000;
	s18 =	sadd.s32 $0x10, s18;
	s19 =	sadd.s32 $0x10, s19  }
0x3b: {  	[tilespmem:s3], [sflag:$0x1] =	stream.linear.gather [hbm4b:s19+s3], $0x80, $0x38;
	[tilespmem:$0x19100] =	vst v63  }
0x3c: {  	p0 =	sne.s32 s17, $0x1;
	s17 =	sadd.s32 $0xFFFFFFFF, s17;
	_ =	swait.ge [sflag:s12], $0x80  }
0x3d: {  	[sflag:s12] =	ssyncset.done $0x0  }
0x3e: {  	[sflag:s12] =	ssyncadd.s32 $0xFFFFFF80  }
0x3f: {  	[tilespmem:s13], [sflag:$0x1] =	stream.linear.gather [hbm4b:s18+s3], $0x80, $0x38;
	[tilespmem:$0x19100] =	vst v63  }
0x40: {  	_ =	swait.ge [sflag:s12], $0x80  }
0x41: {  	[sflag:s12] =	ssyncset.done $0x0  }
0x42: {  	[sflag:s12] =	ssyncadd.s32 $0xFFFFFF80  }
0x43: {  	[tilespmem:s14], [sflag:$0x1] =	stream.indirect.gather [hbm4b:s4+s13], $0x80, s3, s13, $0xb8;
	[tilespmem:$0x19100] =	vst v63  }
0x44: {  	_ =	swait.ge [sflag:s12], $0x4000  }
.Ltmp3:
0x45: {  	[sflag:s12] =	ssyncset.done $0x0;
	(pc) =	sbr.rel @p0 .LBB2_6-.Ltmp3, $4  }
0x46: {  	[sflag:s12] =	ssyncadd.s32 $0xFFFFC000  }
0x47: {  	[spmem:s2] =	stream.indirect.scatter.add.f32 [tilespmem:s14], [sflag:$0x1], $0x80, s13, s13, $0xb8;
	[tilespmem:$0x19100] =	vst v63  }
0x48: {  	_ =	swait.ge [sflag:s12], $0x4000  }
0x49: {  	[sflag:s12] =	ssyncset.done $0x0  }
.LBB2_7:
0x4a: {  	s16 =	sadd.s32 $0x1, s16  }
0x4b: {  	[sflag:s12] =	ssyncadd.s32 $0xFFFFC000;
	s17 =	sshll.u32 s0, $0x6;
	p0 =	sne.s32 s16, s8  }
.Ltmp4:
0x4c: {  	[bflag:$0x0] =	sbarrier.arrive $0xFFFF;
	s17 =	sor.u32 $0x1C01, s17;
	(pc) =	sbr.rel @p0 .LBB2_1-.Ltmp4, $4  }
0x4d: {  	[hbm:s7], [sflag:s17] =	dma.local [spmem:s15], $0x2800  }
0x4e: {  	_ =	swait.ge [sflag:s12], $0x2800  }
0x4f: {  	[sflag:s12] =	ssyncset.done $0x0  }
0x50: {  	[sflag:s12] =	ssyncadd.s32 $0xFFFFD800  }
0x51: {  	_ =	sfence.sel $0x180000  }
0x52: {  	[bflag:$0x0] =	sbarrier.arrive $0xFFFF  }
0x53: {  	p0 =	sne.s32 s0, $0x0;
	_ =	strace $0x90000050  }
0x54: {  	s0 =	sadd.s32 @!p0 $0x100000, s1;
	[bflag:$0x2] =	sbarrier.arrive $0xFFFF  }
0x55: {  	[sflag:s0] =	ssyncadd.tile.s32 @!p0 $0x1;
	_ =	shalt  }
.Lfunc_end2:
_tile_overlayer_lowered:
.L_overlay_start_2:
0x56: {  	(tag) =	ssettag $0x2  }
0x57: {  	s0 =	rddreg [dreg:$0x0];
	s2 =	stileid.u32  }
0x58: {  	s1 =	rddreg [dreg:$0x1];
	p0 =	sne.s32 s2, $0x0  }
0x59: {  	s3 =	rddreg [dreg:$0x2];
	[bflag:$0x3] =	sbarrier.arrive $0xFFFF;
	s2 =	simm.s32 @!p0 $0x1C01  }
0x5a: {  	[timem:s3], [sflag:s2] =	dma.local @!p0 [hbm:s0], s1  }
0x5b: {  	s0 =	simm.s32 @!p0 $0x1  }
0x5c: {  	_ =	swait.ge @!p0 [sflag:s0], s1  }
0x5d: {  	s1 =	ssub.s32 @!p0 $0x0, s1;
	[sflag:s0] =	ssyncset.done @!p0 $0x0  }
0x5e: {  	[sflag:s0] =	ssyncadd.s32 @!p0 s1  }
0x5f: {  	[bflag:$0x3] =	sbarrier.arrive $0xFFFF  }
0x60: {  	_ =	shalt  }

// kernel: kernel.25.cloned.1.call-start
scs
__scs_entry_jumppad:
0x0: {  	(pc) =	sbr.rel $0x88, $3  }
0x1: {  	(tag) =	ssettag $0x0;
	lr =	simm.s32 $0x1  }
0x2: {  	[smem:$0x3F95] =	sst lr;
	_ =	strace $0xD0000000  }
0x3: {  	_ = 	snop  }
0x4: {  	_ = 	snop  }
0x5: {  	_ = 	snop  }
0x6: {  	_ = 	snop  }
0x7: {  	_ = 	snop  }
__scs_overlays_trampoline_lowered:
0x8: {  	[smem:$0x3FA4] =	sst s0  }
0x9: {  	[smem:$0x3FA5] =	sst s1  }
0xa: {  	[smem:$0x3FA6] =	sst s2  }
0xb: {  	[smem:$0x3FA7] =	sst s3  }
0xc: {  	[smem:$0x3FA8] =	sst s4  }
0xd: {  	[smem:$0x3FA9] =	sst s5  }
0xe: {  	[smem:$0x3FAA] =	sst s6  }
0xf: {  	[smem:$0x3FAB] =	sst s7  }
0x10: {  	[smem:$0x3FAC] =	sst s8  }
0x11: {  	[smem:$0x3FAD] =	sst s9;
	s0 =	simm.s32 @!p0 $0x0  }
0x12: {  	s1 =	sld [smem:$0x3F93];
	s0 =	simm.s32 @p0 $0x1  }
0x13: {  	[smem:$0x3FAE] =	sst s0;
	s0 =	simm.s32 @!p1 $0x0  }
0x14: {  	s2 =	sld [smem:$0x3F92];
	s0 =	simm.s32 @p1 $0x1  }
0x15: {  	[smem:$0x3FAF] =	sst s0;
	s0 =	simm.s32 @!p2 $0x0  }
0x16: {  	s3 =	sld [smem:$0x3FDB];
	s0 =	simm.s32 @p2 $0x1  }
0x17: {  	s4 =	simm.s32 $0x1BF5;
	[smem:$0x3FB1] =	sst s0  }
0x18: {  	s0 =	sld [smem:$0x3F94];
	_ =	swait.ge [sflag:s4], $0x0  }
0x19: {  	s7 =	sld [smem:$0x3F95]  }
0x1a: {  	s8 =	sadd.s32 $0xFFFFE003, lr  }
0x1b: {  	s9 =	sadd.s32 $0xFFFFFEF7, lr;
	s5 =	simm.s32 $0xFFFFFFFF;
	p2 =	slt.u32 s8, $0xFFFFF086  }
0x1c: {  	p1 =	slt.u32 s9, $0xF7A;
	s5 =	simm.s32 @!p2 $0x0  }
0x1d: {  	s5 =	simm.s32 @p1 $0x1;
	p0 =	seq.s32 s7, s2  }
0x1e: {  	s7 =	smul.u32 @!p0 $0xF7A, s2;
	p2 =	seq.s32 @!p0 s5, $0x0  }
0x1f: {  	s9 =	smul.u32 $0xF7A, s1;
	s8 =	simm.s32 @!p0 $0x1BF5;
	p2 =	por !p2, p0  }
0x20: {  	[sflag:s8] =	ssyncset.s32 @!p0 $0xFFFFF086;
	s6 =	sadd.s32 @!p0 s3, s7;
	s7 =	simm.s32 @!p0 $0x108  }
0x21: {  	s3 =	sadd.s32 s3, s9;
	s6 =	sadd.s32 @!p0 $0x88, s6;
	s7 =	simm.s32 @p2 $0x1082  }
0x22: {  	[simem:s7], [sflag:s8] =	dma.local @!p0 [hbm:s6], $0xF7A  }
0x23: {  	s9 =	sor.u32 $0xD0000000, s2;
	s6 =	simm.s32 $0x108;
	_ =	swait.ge @!p0 [sflag:s8], $0x0  }
0x24: {  	s3 =	sadd.s32 $0x88, s3;
	s6 =	simm.s32 @!p1 $0x1082;
	[sflag:s4] =	ssyncset.s32 $0xFFFFF086  }
0x25: {  	[simem:s6], [sflag:s4] =	dma.local [hbm:s3], $0xF7A  }
0x26: {  	[smem:$0x3F95] =	sst s1;
	(tag) =	ssettag s2;
	_ =	strace s9  }
0x27: {  	s1 =	sld [smem:$0x3FA5]  }
0x28: {  	s2 =	sld [smem:$0x3FA6]  }
0x29: {  	s4 =	sld [smem:$0x3FA8]  }
0x2a: {  	p0 =	seq.s32 s5, $0x0;
	s5 =	sld [smem:$0x3FA9]  }
0x2b: {  	s6 =	sld [smem:$0x3FAA]  }
0x2c: {  	s7 =	sld [smem:$0x3FAB]  }
0x2d: {  	s3 =	simm.s32 $0x108;
	s8 =	sld [smem:$0x3FAC]  }
0x2e: {  	s3 =	simm.s32 @!p0 $0x1082;
	s9 =	sld [smem:$0x3FAD]  }
0x2f: {  	lr =	sadd.s32 s0, s3;
	s0 =	sld [smem:$0x3FA4]  }
0x30: {  	s3 =	sld [smem:$0x3FA7]  }
0x31: {  	[smem:$0x3FB0] =	sst s10  }
0x32: {  	s10 =	sld [smem:$0x3FAE];
	_ =	sdelay $0x3  }
0x33: {  	p0 =	seq.s32 s10, $0x1;
	s10 =	sld [smem:$0x3FB0];
	_ =	sdelay $0x3  }
0x34: {  	[smem:$0x3FB0] =	sst s10  }
0x35: {  	s10 =	sld [smem:$0x3FAF];
	_ =	sdelay $0x3  }
0x36: {  	p1 =	seq.s32 s10, $0x1;
	s10 =	sld [smem:$0x3FB0];
	_ =	sdelay $0x3  }
0x37: {  	[smem:$0x3FB0] =	sst s10  }
0x38: {  	s10 =	sld [smem:$0x3FB1]  }
0x39: {  	_ = 	snop;
	(pc) =	sbr.ind lr, $3  }
0x3a: {  	_ = 	snop  }
0x3b: {  	_ = 	snop  }
0x3c: {  	p2 =	seq.s32 s10, $0x1;
	s10 =	sld [smem:$0x3FB0]  }
0x3d: {  	_ =	shalt  }
0x3e: {  	_ =	shalt  }
0x3f: {  	_ =	shalt  }
0x40: {  	_ =	shalt  }
0x41: {  	_ =	shalt  }
0x42: {  	_ =	shalt  }
0x43: {  	_ =	shalt  }
0x44: {  	_ =	shalt  }
0x45: {  	_ =	shalt  }
0x46: {  	_ =	shalt  }
0x47: {  	_ =	shalt  }
0x48: {  	_ =	shalt  }
0x49: {  	_ =	shalt  }
0x4a: {  	_ =	shalt  }
0x4b: {  	_ =	shalt  }
0x4c: {  	_ =	shalt  }
0x4d: {  	_ =	shalt  }
0x4e: {  	_ =	shalt  }
0x4f: {  	_ =	shalt  }
0x50: {  	_ =	shalt  }
0x51: {  	_ =	shalt  }
0x52: {  	_ =	shalt  }
0x53: {  	_ =	shalt  }
0x54: {  	_ =	shalt  }
0x55: {  	_ =	shalt  }
0x56: {  	_ =	shalt  }
0x57: {  	_ =	shalt  }
0x58: {  	_ =	shalt  }
0x59: {  	_ =	shalt  }
0x5a: {  	_ =	shalt  }
0x5b: {  	_ =	shalt  }
0x5c: {  	_ =	shalt  }
0x5d: {  	_ =	shalt  }
0x5e: {  	_ =	shalt  }
0x5f: {  	_ =	shalt  }
0x60: {  	_ =	shalt  }
0x61: {  	_ =	shalt  }
0x62: {  	_ =	shalt  }
0x63: {  	_ =	shalt  }
0x64: {  	_ =	shalt  }
0x65: {  	_ =	shalt  }
0x66: {  	_ =	shalt  }
0x67: {  	_ =	shalt  }
0x68: {  	_ =	shalt  }
0x69: {  	_ =	shalt  }
0x6a: {  	_ =	shalt  }
0x6b: {  	_ =	shalt  }
0x6c: {  	_ =	shalt  }
0x6d: {  	_ =	shalt  }
0x6e: {  	_ =	shalt  }
0x6f: {  	_ =	shalt  }
0x70: {  	_ =	shalt  }
0x71: {  	_ =	shalt  }
0x72: {  	_ =	shalt  }
0x73: {  	_ =	shalt  }
0x74: {  	_ =	shalt  }
0x75: {  	_ =	shalt  }
0x76: {  	_ =	shalt  }
0x77: {  	_ =	shalt  }
0x78: {  	_ =	shalt  }
0x79: {  	_ =	shalt  }
0x7a: {  	_ =	shalt  }
0x7b: {  	_ =	shalt  }
0x7c: {  	_ =	shalt  }
0x7d: {  	_ =	shalt  }
0x7e: {  	_ =	shalt  }
0x7f: {  	_ =	shalt  }
0x80: {  	_ =	shalt  }
0x81: {  	_ =	shalt  }
0x82: {  	_ =	shalt  }
0x83: {  	_ =	shalt  }
0x84: {  	_ =	shalt  }
0x85: {  	_ =	shalt  }
0x86: {  	_ =	shalt  }
0x87: {  	_ =	shalt  }
.Lfunc_end0:
.L_simem_size_0:
called_computation.4_lowered:
.L_overlay_start_0:
0x88: {  	s2 =	sld [smem:$0x3FD9]  }
0x89: {  	s3 =	sld [smem:$0x3FFE];
	_ =	sdelay $0x1  }
0x8a: {  	s1 =	srdreg.scid  }
0x8b: {  	s0 =	sand.u32 $0x1, s1  }
0x8c: {  	s16 =	sshll.u32 s0, $0xA;
	s2 =	sadd.s32 s3, s2  }
0x8d: {  	s2 =	sadd.s32 s2, s16  }
0x8e: {  	[smem:$0x3FBC] =	sst s2  }
0x8f: {  	_ = 	snop  }
0x90: {  	(tm) =	ssettm $0x1  }
0x91: {  	s17 =	sld [smem:$0x3FFB];
	_ =	sdelay $0x3  }
0x92: {  	_ =	strace s17  }
0x93: {  	s2 =	sld [smem:$0x3FFC];
	_ =	sdelay $0x3  }
0x94: {  	_ =	strace s2  }
0x95: {  	s2 =	sld [smem:$0x3FFD];
	_ =	sdelay $0x3  }
0x96: {  	_ =	strace s2  }
0x97: {  	_ =	strace $0x8FFFFFFF  }
0x98: {  	s18 =	sld [smem:$0x3FDB];
	_ =	sdelay $0x1  }
0x99: {  	s19 =	simm.s32 $_scs_section_size  }
0x9a: {  	s4 =	simm.s32 $_size__tile_overlayer_lowered;
	s5 =	simm.s32 $_tile_overlayer_lowered  }
0x9b: {  	s22 =	simm.s32 $0x1BFF;
	s21 =	sshll.u32 s5, $0x1;
	s2 =	sadd.s32 s19, s18  }
0x9c: {  	s6 =	simm.s32 $0x0;
	s20 =	sshll.u32 s4, $0x1;
	s4 =	sadd.s32 s21, s2  }
0x9d: {  	[timem:s6], [sflag:s22] =	dma.local [hbm:s4], s20  }
0x9e: {  	_ =	swait.ge [sflag:s22], s20  }
0x9f: {  	s3 =	ssub.s32 $0x0, s20;
	[sflag:s22] =	ssyncset.done $0x0  }
0xa0: {  	[sflag:s22] =	ssyncadd.s32 s3;
	_ =	sdelay $0x1  }
0xa1: {  	s23 =	simm.s32 $0x1B8B  }
0xa2: {  	_ =	swait.ge [sflag:s23], $0x1  }
0xa3: {  	[sflag:s23] =	ssyncset.done $0x0  }
0xa4: {  	s25 =	simm.s32 $0x1B8E;
	s24 =	sld [smem:$0x3FFE];
	[sflag:s23] =	ssyncadd.s32 $0xFFFFFFFF  }
0xa5: {  	s26 =	simm.s32 $execute0_lowered;
	[smem:$0x3FD2] =	sst s25  }
0xa6: {  	s4 =	sshll.u32 s26, $0x1;
	_ =	strace $0x80000052;
	[dreg:$0x1] =	wrdreg $0xFFFFFFFF  }
0xa7: {  	s28 =	simm.s32 $_size_execute0_lowered;
	s2 =	sadd.s32 s2, s4;
	[dreg:$0x0] =	wrdreg $0x0  }
0xa8: {  	s4 =	sshll.u32 s28, $0x1;
	[dreg:$0x2] =	wrdreg s2  }
0xa9: {  	[dreg:$0x3] =	wrdreg s4  }
0xaa: {  	[dreg:$0x4] =	wrdreg $0xC0  }
0xab: {  	_ =	task [dreg:s6], $0x5FFFF  }
0xac: {  	[dreg:$0x1] =	wrdreg $0xFFFFFFFF  }
0xad: {  	[dreg:$0x0] =	wrdreg $0x60  }
0xae: {  	[dreg:$0x2] =	wrdreg s24  }
0xaf: {  	[dreg:$0x3] =	wrdreg $0x49000  }
0xb0: {  	[dreg:$0x4] =	wrdreg $0x9  }
0xb1: {  	_ =	task.clear_ibuf [dreg:s6], $0x5FFFF;
	_ =	strace $0x90000052  }
0xb2: {  	s29 =	simm.s32 $0x9;
	_ =	strace $0x80000054  }
0xb3: {  	_ =	swait.ge [sflag:s29], $0x1  }
0xb4: {  	[sflag:s29] =	ssyncadd.s32 $0xFFFFFFFF  }
0xb5: {  	_ =	strace $0x90000054  }
0xb6: {  	_ =	sfence  }
0xb7: {  	s30 =	sld [smem:$0x0];
	_ =	sdelay $0x2  }
0xb8: {  	s31 =	sshll.u32 s1, $0xD;
	s1 =	sshrl.u32 s1, $0x2  }
0xb9: {  	s3 =	sand.u32 $0x4000, s31;
	s1 =	sadd.s32 s1, s30  }
0xba: {  	s0 =	sor.u32 s3, s0;
	s1 =	sshll.u32 s1, $0x11  }
0xbb: {  	s0 =	sor.u32 s1, s0  }
0xbc: {  	s0 =	sadd.s32 $0x8F2B, s0  }
0xbd: {  	[sflag:s0] =	ssyncadd.remote.s32 $0x1  }
0xbe: {  	_ =	sfence.sel $0xFFFF  }
0xbf: {  	[dreg:$0x0] =	wrdreg $0xFFFFFFFF;
	(pc) =	sbr.abs _section_cstart, $3  }
0xc0: {  	[dreg:$0x1] =	wrdreg $0xFFFFFFFF  }
0xc1: {  	_ =	task.clear_ibuf [dreg:s6], $0x2FFFF;
	_ =	strace $0x9FFFFFFF  }
0xc2: {  	(tm) =	ssettm $0x7FFFFFFF  }
0xc3: {  	_ =	shalt  }
tec
execute0_lowered:
.L_overlay_start_1:
0x0: {  	(tag) =	ssettag $0x1  }
0x1: {  	s5 =	rddreg [dreg:$0x0];
	s0 =	stileid.u32  }
0x2: {  	s1 =	srdreg.scid;
	s3 =	smul.u32 $0x1A, s0  }
0x3: {  	s2 =	rddreg [dreg:$0x1];
	s12 =	simm.s32 $0x1;
	s4 =	smul.u32 $0x86, s0  }
0x4: {  	s13 =	simm.s32 $0x80;
	s14 =	simm.s32 $0x100;
	s9 =	smul.u32 $0x14000, s0  }
0x5: {  	s16 =	simm.s32 $0x0;
	s6 =	sand.u32 $0x1, s1;
	s28 =	smul.u32 $0x52000, s0  }
0x6: {  	s1 =	rddreg [dreg:$0x2];
	s11 =	smul.u32 $0x50000, s0;
	p0 =	seq.s32 s6, $0x0  }
0x7: {  	s8 =	smul.u32 $0x140000, s6;
	s6 =	ssub.s32 $0x2, s6;
	s7 =	sadd.s32 $0x860, s3  }
0x8: {  	s3 =	simm.s32 $0x0;
	s29 =	sshrl.u32 s6, $0x1;
	s30 =	sshrl.u32 s28, $0x2  }
0x9: {  	s31 =	sshrl.u32 s11, $0x2;
	s11 =	simm.s32 $0x4100;
	s7 =	smov.u32 @p0 s4  }
0xa: {  	[smem:$0x7FF] =	sst s3;
	s4 =	sadd.s32 $0x19C00, s5;
	s26 =	sadd.s32 s9, s8  }
0xb: {  	s9 =	ssub.s32 s6, s29;
	s6 =	simm.s32 $0x86;
	s15 =	sadd.s32 s31, s2  }
0xc: {  	s7 =	sshll.u32 s7, $0x4;
	_ =	strace $0x80000053;
	s6 =	simm.s32 @!p0 $0x1A  }
0xd: {  	s8 =	smax.u32 s9, $0x1;
	s10 =	sadd.s32 s7, s5;
	s7 =	sshrl.u32 s26, $0x3  }
0xe: {  	s15 =	sshrl.u32 s15, $0x3;
	s7 =	sadd.s32 s7, s5;
	s5 =	sadd.s32 s30, s2  }
0xf: {  	v0 =	vimm.f32 $0.0e+00;
	s9 =	sadd.s32 $0x73C00, s10;
	s10 =	sadd.s32 $0xFC00, s10;
	s7 =	sadd.s32 $0x7DC00, s7  }
.LBB2_1:
0x10: {  	s17 =	simm.s32 $0x0;
	s18 =	simm.s32 $0x200  }
.LBB2_2:
0x11: {  	p0 =	sne.s32 s18, $0x1E00;
	[tilespmem:s17+$0x4170] =	vst v0  }
0x12: {  	[tilespmem:s17+$0x4100] =	vst v0  }
0x13: {  	[tilespmem:s17+$0x4110] =	vst v0  }
.Ltmp0:
0x14: {  	[tilespmem:s17+$0x4120] =	vst v0;
	(pc) =	sbr.rel @p0 .LBB2_2-.Ltmp0, $4  }
0x15: {  	[tilespmem:s17+$0x4130] =	vst v0  }
0x16: {  	[tilespmem:s17+$0x4140] =	vst v0  }
0x17: {  	[tilespmem:s17+$0x4150] =	vst v0  }
0x18: {  	[tilespmem:s17+$0x4160] =	vst v0;
	s17 =	sshra.s32 s18, $0x2;
	s18 =	sadd.s32 $0x200, s18  }
0x19: {  	[tilespmem:s17+$0x4170] =	vst v0  }
0x1a: {  	[tilespmem:s17+$0x4100] =	vst v0  }
0x1b: {  	[tilespmem:s17+$0x4110] =	vst v0  }
0x1c: {  	[tilespmem:s17+$0x4120] =	vst v0  }
0x1d: {  	[tilespmem:s17+$0x4130] =	vst v0  }
0x1e: {  	[tilespmem:s17+$0x4140] =	vst v0  }
0x1f: {  	[tilespmem:s17+$0x4150] =	vst v0  }
0x20: {  	[tilespmem:s17+$0x4160] =	vst v0;
	s31 =	sadd.s32 $0x0, s5  }
0x21: {  	[spmem:s31] =	stream.linear.scatter [tilespmem:s11], [sflag:$0x1], $0x800, $0x38;
	[tilespmem:$0x19100] =	vst v63  }
0x22: {  	s17 =	simm.s32 $0x2000;
	_ =	swait.ge [sflag:s12], $0x800  }
.LBB2_4:
0x23: {  	s18 =	sshra.s32 s17, $0x2;
	[sflag:s12] =	ssyncset.done $0x0;
	p0 =	sne.s32 s17, $0x50000  }
.Ltmp1:
0x24: {  	s18 =	sadd.s32 s18, s5;
	[sflag:s12] =	ssyncadd.s32 $0xFFFFF800;
	(pc) =	sbr.rel @p0 .LBB2_4-.Ltmp1, $3  }
0x25: {  	[spmem:s18] =	stream.linear.scatter [tilespmem:s11], [sflag:$0x1], $0x800, $0x38;
	[tilespmem:$0x19100] =	vst v63  }
0x26: {  	s17 =	sadd.s32 $0x2000, s17;
	_ =	sdelay $0x1  }
0x27: {  	_ =	swait.ge [sflag:s12], $0x800  }
0x28: {  	[sflag:s12] =	ssyncset.done $0x0  }
0x29: {  	[sflag:s12] =	ssyncadd.s32 $0xFFFFF800  }
0x2a: {  	[bflag:$0x0] =	sbarrier.arrive $0xFFFF  }
0x2b: {  	[tilespmem:s3], [sflag:$0x1] =	stream.linear.gather [hbm4b:s10+s3], $0x80, $0x38;
	[tilespmem:$0x19100] =	vst v63  }
0x2c: {  	_ =	swait.ge [sflag:s12], $0x80  }
0x2d: {  	[sflag:s12] =	ssyncset.done $0x0  }
0x2e: {  	[sflag:s12] =	ssyncadd.s32 $0xFFFFFF80  }
0x2f: {  	[tilespmem:s13], [sflag:$0x1] =	stream.linear.gather [hbm4b:s9+s3], $0x80, $0x38;
	[tilespmem:$0x19100] =	vst v63  }
0x30: {  	_ =	swait.ge [sflag:s12], $0x80  }
0x31: {  	[sflag:s12] =	ssyncset.done $0x0  }
0x32: {  	[sflag:s12] =	ssyncadd.s32 $0xFFFFFF80  }
0x33: {  	[tilespmem:s14], [sflag:$0x1] =	stream.indirect.gather [hbm4b:s4+s13], $0x80, s3, s13, $0xb8;
	[tilespmem:$0x19100] =	vst v63  }
0x34: {  	p0 =	sne.s32 s6, $0x1;
	_ =	swait.ge [sflag:s12], $0x4000  }
.Ltmp2:
0x35: {  	[sflag:s12] =	ssyncset.done $0x0;
	(pc) =	sbr.rel @!p0 .LBB2_7-.Ltmp2, $4  }
0x36: {  	[sflag:s12] =	ssyncadd.s32 $0xFFFFC000  }
0x37: {  	[spmem:s2] =	stream.indirect.scatter.add.f32 [tilespmem:s14], [sflag:$0x1], $0x80, s13, s13, $0xb8;
	[tilespmem:$0x19100] =	vst v63  }
0x38: {  	s17 =	sadd.s32 $0xFFFFFFFF, s6;
	_ =	swait.ge [sflag:s12], $0x4000  }
0x39: {  	s18 =	smov.u32 s9;
	s19 =	smov.u32 s10;
	[sflag:s12] =	ssyncset.done $0x0  }
.LBB2_6:
0x3a: {  	[sflag:s12] =	ssyncadd.s32 $0xFFFFC000;
	s18 =	sadd.s32 $0x10, s18;
	s19 =	sadd.s32 $0x10, s19  }
0x3b: {  	[tilespmem:s3], [sflag:$0x1] =	stream.linear.gather [hbm4b:s19+s3], $0x80, $0x38;
	[tilespmem:$0x19100] =	vst v63  }
0x3c: {  	p0 =	sne.s32 s17, $0x1;
	s17 =	sadd.s32 $0xFFFFFFFF, s17;
	_ =	swait.ge [sflag:s12], $0x80  }
0x3d: {  	[sflag:s12] =	ssyncset.done $0x0  }
0x3e: {  	[sflag:s12] =	ssyncadd.s32 $0xFFFFFF80  }
0x3f: {  	[tilespmem:s13], [sflag:$0x1] =	stream.linear.gather [hbm4b:s18+s3], $0x80, $0x38;
	[tilespmem:$0x19100] =	vst v63  }
0x40: {  	_ =	swait.ge [sflag:s12], $0x80  }
0x41: {  	[sflag:s12] =	ssyncset.done $0x0  }
0x42: {  	[sflag:s12] =	ssyncadd.s32 $0xFFFFFF80  }
0x43: {  	[tilespmem:s14], [sflag:$0x1] =	stream.indirect.gather [hbm4b:s4+s13], $0x80, s3, s13, $0xb8;
	[tilespmem:$0x19100] =	vst v63  }
0x44: {  	_ =	swait.ge [sflag:s12], $0x4000  }
.Ltmp3:
0x45: {  	[sflag:s12] =	ssyncset.done $0x0;
	(pc) =	sbr.rel @p0 .LBB2_6-.Ltmp3, $4  }
0x46: {  	[sflag:s12] =	ssyncadd.s32 $0xFFFFC000  }
0x47: {  	[spmem:s2] =	stream.indirect.scatter.add.f32 [tilespmem:s14], [sflag:$0x1], $0x80, s13, s13, $0xb8;
	[tilespmem:$0x19100] =	vst v63  }
0x48: {  	_ =	swait.ge [sflag:s12], $0x4000  }
0x49: {  	[sflag:s12] =	ssyncset.done $0x0  }
.LBB2_7:
0x4a: {  	s16 =	sadd.s32 $0x1, s16  }
0x4b: {  	[sflag:s12] =	ssyncadd.s32 $0xFFFFC000;
	s17 =	sshll.u32 s0, $0x6;
	p0 =	sne.s32 s16, s8  }
.Ltmp4:
0x4c: {  	[bflag:$0x0] =	sbarrier.arrive $0xFFFF;
	s17 =	sor.u32 $0x1C01, s17;
	(pc) =	sbr.rel @p0 .LBB2_1-.Ltmp4, $4  }
0x4d: {  	[hbm:s7], [sflag:s17] =	dma.local [spmem:s15], $0x2800  }
0x4e: {  	_ =	swait.ge [sflag:s12], $0x2800  }
0x4f: {  	[sflag:s12] =	ssyncset.done $0x0  }
0x50: {  	[sflag:s12] =	ssyncadd.s32 $0xFFFFD800  }
0x51: {  	_ =	sfence.sel $0x180000  }
0x52: {  	[bflag:$0x0] =	sbarrier.arrive $0xFFFF  }
0x53: {  	p0 =	sne.s32 s0, $0x0;
	_ =	strace $0x90000053  }
0x54: {  	s0 =	sadd.s32 @!p0 $0x100000, s1;
	[bflag:$0x2] =	sbarrier.arrive $0xFFFF  }
0x55: {  	[sflag:s0] =	ssyncadd.tile.s32 @!p0 $0x1;
	_ =	shalt  }
.Lfunc_end2:
_tile_overlayer_lowered:
.L_overlay_start_2:
0x56: {  	(tag) =	ssettag $0x2  }
0x57: {  	s0 =	rddreg [dreg:$0x0];
	s2 =	stileid.u32  }
0x58: {  	s1 =	rddreg [dreg:$0x1];
	p0 =	sne.s32 s2, $0x0  }
0x59: {  	s3 =	rddreg [dreg:$0x2];
	[bflag:$0x3] =	sbarrier.arrive $0xFFFF;
	s2 =	simm.s32 @!p0 $0x1C01  }
0x5a: {  	[timem:s3], [sflag:s2] =	dma.local @!p0 [hbm:s0], s1  }
0x5b: {  	s0 =	simm.s32 @!p0 $0x1  }
0x5c: {  	_ =	swait.ge @!p0 [sflag:s0], s1  }
0x5d: {  	s1 =	ssub.s32 @!p0 $0x0, s1;
	[sflag:s0] =	ssyncset.done @!p0 $0x0  }
0x5e: {  	[sflag:s0] =	ssyncadd.s32 @!p0 s1  }
0x5f: {  	[bflag:$0x3] =	sbarrier.arrive $0xFFFF  }
0x60: {  	_ =	shalt  }

</sc_bundles>
